<compile_context>
chip_gen: v7x
topology: tpu7x:2x2x1
jax: 0.10.2.dev20260603
libtpu: 0.0.44.dev20260713+nightly
codegen_flags: <defaults>
</compile_context>

<pallas_src>
import functools

import jax
import jax.numpy as jnp
from jax import lax
from jax.experimental import pallas as pl
from jax.experimental.pallas import tpu as pltpu
from jax.experimental.pallas import tpu_sc as plsc

B_BITS = 12
NB = 1 << B_BITS
HIST = 2 * NB
N_IMG = 8
NPIX = 512 * 512
NC, NS = 2, 16
IMGS_PER_SC = N_IMG // NC
CHUNK = NPIX // NS


HALF = CHUNK // 2


def _sc_hist_body(lg_hbm, tg_hbm, cnt_out, sum_out, mx_out,
                  lgA, tgA, lgB, tgB, lc, ls, mxv, semL, semT):
    c = lax.axis_index("c")
    s = lax.axis_index("s")

    @plsc.parallel_loop(0, IMGS_PER_SC * HIST // 16, unroll=8)
    def _zero(i):
        z = jnp.zeros((16,), jnp.float32)
        lc[pl.ds(i * 16, 16)] = z
        ls[pl.ds(i * 16, 16)] = z

    steps = [(il, sub) for il in range(IMGS_PER_SC) for sub in range(2)]
    bufs = [(lgA, tgA), (lgB, tgB)]

    def _start(j):
        il, sub = steps[j]
        base = (c * IMGS_PER_SC + il) * NPIX + s * CHUNK + sub * HALF
        lgb, tgb = bufs[j % 2]
        return (pltpu.async_copy(lg_hbm.at[pl.ds(base, HALF)], lgb, semL),
                pltpu.async_copy(tg_hbm.at[pl.ds(base, HALF)], tgb, semT))

    hs = _start(0)
    mx_prev = jnp.zeros((16,), jnp.float32)
    for j, (il, sub) in enumerate(steps):
        lgb, tgb = bufs[j % 2]
        hs[0].wait()
        hs[1].wait()
        if j + 1 < len(steps):
            hs = _start(j + 1)
        carry0 = jnp.zeros((16,), jnp.float32) if sub == 0 else mx_prev

        @plsc.parallel_loop(0, HALF // 16, unroll=8, carry=carry0)
        def _vreg(i, mxc, il=il, lgb=lgb, tgb=tgb):
            i16 = i * 16
            l = lgb[pl.ds(i16, 16)]
            t = tgb[pl.ds(i16, 16)]
            tb = t > 0.5
            sign = jnp.where(tb, 1.0, -1.0).astype(jnp.float32)
            r = jnp.maximum(1.0 - l * sign, 0.0).astype(jnp.float32)
            b = lax.shift_right_logical(
                lax.bitcast_convert_type(r, jnp.int32), 32 - B_BITS)
            idx = b + jnp.where(tb, NB, 0).astype(jnp.int32) + il * HIST
            plsc.addupdate_scatter(lc, [idx], jnp.ones((16,), jnp.float32))
            plsc.addupdate_scatter(ls, [idx], r)
            return jnp.maximum(mxc, r)
        mx_prev = _vreg
        if sub == 1:
            mxv[pl.ds(il * 16, 16)] = mx_prev

    for il in range(IMGS_PER_SC):
        img = c * IMGS_PER_SC + il
        out_base = (img * NS + s) * HIST
        pltpu.sync_copy(lc.at[pl.ds(il * HIST, HIST)],
                        cnt_out.at[pl.ds(out_base, HIST)])
        pltpu.sync_copy(ls.at[pl.ds(il * HIST, HIST)],
                        sum_out.at[pl.ds(out_base, HIST)])
        pltpu.sync_copy(mxv.at[pl.ds(il * 16, 16)],
                        mx_out.at[pl.ds((img * NS + s) * 16, 16)])


@functools.lru_cache(maxsize=None)
def _build_sc_hist():
  return pl.kernel(
    _sc_hist_body,
    out_type=(jax.ShapeDtypeStruct((N_IMG * NS * HIST,), jnp.float32),
              jax.ShapeDtypeStruct((N_IMG * NS * HIST,), jnp.float32),
              jax.ShapeDtypeStruct((N_IMG * NS * 16,), jnp.float32)),
    mesh=plsc.VectorSubcoreMesh(core_axis_name="c", subcore_axis_name="s",
                                num_cores=NC, num_subcores=NS),
    compiler_params=pltpu.CompilerParams(needs_layout_passes=False),
    scratch_types=[
        pltpu.VMEM((HALF,), jnp.float32),
        pltpu.VMEM((HALF,), jnp.float32),
        pltpu.VMEM((HALF,), jnp.float32),
        pltpu.VMEM((HALF,), jnp.float32),
        pltpu.VMEM((IMGS_PER_SC * HIST,), jnp.float32),
        pltpu.VMEM((IMGS_PER_SC * HIST,), jnp.float32),
        pltpu.VMEM((IMGS_PER_SC * 16,), jnp.float32),
        pltpu.SemaphoreType.DMA,
        pltpu.SemaphoreType.DMA,
    ],
  )



_R, _C = NB // 128, 128


def _suffix_excl(x, upper_incl, strict_lower):
    lane_cum = jax.lax.dot_general(
        x, upper_incl, (((1,), (0,)), ((), ())),
        preferred_element_type=jnp.float32)
    row_prev = jax.lax.dot_general(
        strict_lower, x, (((1,), (0,)), ((), ())),
        preferred_element_type=jnp.float32)
    prefix_incl = lane_cum + jnp.sum(row_prev, axis=1, keepdims=True)
    return jnp.sum(x) - prefix_incl


def _tc_finish_body(cnt_ref, sum_ref, mx_ref, out_ref):
    i = pl.program_id(0)

    @pl.when(i == 0)
    def _():
        out_ref[...] = jnp.zeros((1, 1), jnp.float32)

    cnt = jnp.sum(cnt_ref[0], axis=0)
    sm = jnp.sum(sum_ref[0], axis=0)
    cn, cp = cnt[0], cnt[1]
    sn, sp = sm[0], sm[1]

    ci = lax.broadcasted_iota(jnp.int32, (128, 128), 0)
    cj = lax.broadcasted_iota(jnp.int32, (128, 128), 1)
    upper_incl = (ci <= cj).astype(jnp.float32)
    ri = lax.broadcasted_iota(jnp.int32, (_R, _R), 0)
    rj = lax.broadcasted_iota(jnp.int32, (_R, _R), 1)
    strict_lower = (rj < ri).astype(jnp.float32)

    p = jnp.sum(cp)
    q_ab = _suffix_excl(cp, upper_incl, strict_lower)
    m_ab = _suffix_excl(cn, upper_incl, strict_lower)

    d0 = jnp.maximum(p + m_ab, 1.0)
    d1 = jnp.maximum(p + m_ab + cn, 1.0)
    pos_term = jnp.sum(sp / d0)
    coef = (p - q_ab - cp) * (1.0 / d0 - 1.0 / d1) / jnp.maximum(cn, 1.0)
    neg_term = jnp.sum(sn * coef)
    loss = pos_term + neg_term

    loss0 = jnp.max(mx_ref[0])
    loss = jnp.where(p > 0.0, loss, loss0)

    out_ref[...] += (loss / N_IMG).reshape(1, 1)


_tc_finish = pl.pallas_call(
    _tc_finish_body,
    grid=(N_IMG,),
    in_specs=[
        pl.BlockSpec((1, NS, 2, _R, _C), lambda i: (i, 0, 0, 0, 0)),
        pl.BlockSpec((1, NS, 2, _R, _C), lambda i: (i, 0, 0, 0, 0)),
        pl.BlockSpec((1, NS, 16), lambda i: (i, 0, 0)),
    ],
    out_specs=pl.BlockSpec((1, 1), lambda i: (0, 0)),
    out_shape=jax.ShapeDtypeStruct((1, 1), jnp.float32),
)


def kernel(logits, targets):
    lg = logits.reshape(N_IMG * NPIX)
    tg = targets.reshape(N_IMG * NPIX)
    cnt, sm, mx = _build_sc_hist()(lg, tg)
    cnt = cnt.reshape(N_IMG, NS, 2, _R, _C)
    sm = sm.reshape(N_IMG, NS, 2, _R, _C)
    mx = mx.reshape(N_IMG, NS, 16)
    out = _tc_finish(cnt, sm, mx)
    return out[0, 0]

# --- scband reference (transcript-rebuilt; emitter-appended) ---
"""Pipeline reference for scband-lovasz-binary-loss-32650341384706 (READ-ONLY COPY).

The authoritative reference and input builder live on the scoring server;
editing this copy changes nothing except your own understanding.
"""

import jax, jax.numpy as jnp
import numpy as np


def _lovasz_grad(gt_sorted_f):
    gts = gt_sorted_f.sum()
    intersection = gts - jnp.cumsum(gt_sorted_f, axis=0)
    union = gts + jnp.cumsum(1.0 - gt_sorted_f, axis=0)
    jaccard = 1.0 - intersection / union
    jaccard = jnp.concatenate([jaccard[:1], jaccard[1:] - jaccard[:-1]], axis=0)
    return jaccard


def _lovasz_hinge_flat(logits_flat, targets_flat_f):
    signs = 2.0 * targets_flat_f - 1.0
    errors = 1.0 - logits_flat * signs
    perm = jnp.argsort(-errors)  # descending sort permutation
    errors_sorted = errors[perm]
    gt_sorted = targets_flat_f[perm]
    grad = _lovasz_grad(gt_sorted)
    return jnp.dot(jax.nn.relu(errors_sorted), grad)


def setup_inputs(seed: int = 0) -> dict:
    key = jax.random.key(seed)
    k1, k2 = jax.random.split(key)
    logits = jax.random.normal(k1, (8, 1, 512, 512), dtype=jnp.float32)
    targets = jax.random.randint(k2, (8, 1, 512, 512), 0, 2).astype(jnp.float32)
    return {"logits": logits, "targets": targets}


def reference(logits, targets):
    # per_image=True: compute Lovasz hinge per image, then mean over batch
    B = logits.shape[0]
    logits_f = logits.reshape(B, -1)
    targets_f = (targets.reshape(B, -1) > 0.5).astype(jnp.float32)
    losses = jax.vmap(_lovasz_hinge_flat)(logits_f, targets_f)
    return losses.mean()

if __name__ == "__main__":
    import jax
    _d = setup_inputs()
    print(jax.jit(kernel)(*tuple(_d.values())))

</pallas_src>

<mosaic_0001>
#map = affine_map<(d0, d1) -> (0)>
module attributes {stable_mosaic.version = 14 : i64} {
  func.func @_sc_hist_body(%arg0: i32, %arg1: i32, %arg2: memref<2097152xf32, #tpu.memory_space<hbm>>, %arg3: memref<2097152xf32, #tpu.memory_space<hbm>>, %arg4: memref<1048576xf32, #tpu.memory_space<hbm>>, %arg5: memref<1048576xf32, #tpu.memory_space<hbm>>, %arg6: memref<2048xf32, #tpu.memory_space<hbm>>, %arg7: memref<8192xf32, #tpu.memory_space<vmem>>, %arg8: memref<8192xf32, #tpu.memory_space<vmem>>, %arg9: memref<8192xf32, #tpu.memory_space<vmem>>, %arg10: memref<8192xf32, #tpu.memory_space<vmem>>, %arg11: memref<32768xf32, #tpu.memory_space<vmem>>, %arg12: memref<32768xf32, #tpu.memory_space<vmem>>, %arg13: memref<64xf32, #tpu.memory_space<vmem>>, %arg14: memref<!tpu.dma_semaphore, #tpu.memory_space<semaphore_mem>>, %arg15: memref<!tpu.dma_semaphore, #tpu.memory_space<semaphore_mem>>) attributes {dimension_semantics = [#tpu.dimension_semantics<core_parallel>, #tpu.dimension_semantics<subcore_parallel>], iteration_bounds = array<i64: 2, 16>, scalar_prefetch = 0 : i64, scratch_operands = 9 : i64, tpu.core_type = #tpu.core_type<sc_vector_subcore>, window_params = [{transform_indices = #map}, {transform_indices = #map}, {transform_indices = #map}, {transform_indices = #map}, {transform_indices = #map}]} {
    %parallel_loop3A = arith.constant 0 : i32
    %parallel_loop3A_0 = arith.constant 2048 : i32
    %parallel_loop3A_1 = arith.constant 1 : i32
    scf.for %parallel_loop3A_254 = %parallel_loop3A to %parallel_loop3A_0 step %parallel_loop3A_1  : i32 {
      %parallel_loop3A_255 = arith.constant 0.000000e+00 : f32
      %parallel_loop3A_256 = vector.broadcast %parallel_loop3A_255 : f32 to vector<16xf32>
      %parallel_loop3A_257 = arith.constant 16 : i32
      %parallel_loop3A_258 = arith.muli %parallel_loop3A_254, %parallel_loop3A_257 : i32
      %parallel_loop3A_259 = arith.index_cast %parallel_loop3A_258 : i32 to index
      %parallel_loop3A_260 = tpu.vector_load %arg11[%parallel_loop3A_259] {strides = array<i32>} : memref<32768xf32, #tpu.memory_space<vmem>>, vector<16xf32>,
      tpu.vector_store %arg11[%parallel_loop3A_259], %parallel_loop3A_256 {strides = array<i32>} : memref<32768xf32, #tpu.memory_space<vmem>>, vector<16xf32>,
      %parallel_loop3A_261 = arith.constant 16 : i32
      %parallel_loop3A_262 = arith.muli %parallel_loop3A_254, %parallel_loop3A_261 : i32
      %parallel_loop3A_263 = arith.index_cast %parallel_loop3A_262 : i32 to index
      %parallel_loop3A_264 = tpu.vector_load %arg12[%parallel_loop3A_263] {strides = array<i32>} : memref<32768xf32, #tpu.memory_space<vmem>>, vector<16xf32>,
      tpu.vector_store %arg12[%parallel_loop3A_263], %parallel_loop3A_256 {strides = array<i32>} : memref<32768xf32, #tpu.memory_space<vmem>>, vector<16xf32>,
    } {sc.loop_unroll_factor = 8 : i64, sc.parallel_access}
    %mul3A = arith.constant 4 : i32
    %mul3A_2 = arith.muli %arg0, %mul3A : i32
    %add3A = arith.constant 0 : i32
    %add3A_3 = arith.addi %mul3A_2, %add3A : i32
    %mul3A_4 = arith.constant 262144 : i32
    %mul3A_5 = arith.muli %add3A_3, %mul3A_4 : i32
    %mul3A_6 = arith.constant 16384 : i32
    %mul3A_7 = arith.muli %arg1, %mul3A_6 : i32
    %add3A_8 = arith.addi %mul3A_5, %mul3A_7 : i32
    %add3A_9 = arith.constant 0 : i32
    %add3A_10 = arith.addi %add3A_8, %add3A_9 : i32
    %dma_start3A = tpu.memref_slice %arg2[%add3A_10] : memref<2097152xf32, #tpu.memory_space<hbm>> -> memref<8192xf32, #tpu.memory_space<hbm>>
    %dma_start3A_11 = tpu.memref_slice %arg2[%add3A_10] : memref<2097152xf32, #tpu.memory_space<hbm>> -> memref<8192xf32, #tpu.memory_space<hbm>>
    tpu.enqueue_dma source(%dma_start3A_11 : memref<8192xf32, #tpu.memory_space<hbm>>) target(%arg7 : memref<8192xf32, #tpu.memory_space<vmem>>) target_semaphore(%arg14 : memref<!tpu.dma_semaphore, #tpu.memory_space<semaphore_mem>>)
    %dma_start3A_12 = tpu.memref_slice %arg3[%add3A_10] : memref<2097152xf32, #tpu.memory_space<hbm>> -> memref<8192xf32, #tpu.memory_space<hbm>>
    %dma_start3A_13 = tpu.memref_slice %arg3[%add3A_10] : memref<2097152xf32, #tpu.memory_space<hbm>> -> memref<8192xf32, #tpu.memory_space<hbm>>
    tpu.enqueue_dma source(%dma_start3A_13 : memref<8192xf32, #tpu.memory_space<hbm>>) target(%arg8 : memref<8192xf32, #tpu.memory_space<vmem>>) target_semaphore(%arg15 : memref<!tpu.dma_semaphore, #tpu.memory_space<semaphore_mem>>)
    %broadcast_in_dim3A = arith.constant 0.000000e+00 : f32
    %broadcast_in_dim3A_14 = vector.broadcast %broadcast_in_dim3A : f32 to vector<16xf32>
    %dma_wait3A = tpu.memref_slice %arg2[%add3A_10] : memref<2097152xf32, #tpu.memory_space<hbm>> -> memref<8192xf32, #tpu.memory_space<hbm>>
    %dma_wait3A_15 = tpu.memref_slice %arg2[%add3A_10] : memref<2097152xf32, #tpu.memory_space<hbm>> -> memref<8192xf32, #tpu.memory_space<hbm>>
    tpu.wait_dma2 semaphore(%arg14 : memref<!tpu.dma_semaphore, #tpu.memory_space<semaphore_mem>>) src(%dma_wait3A_15 : memref<8192xf32, #tpu.memory_space<hbm>>) dst(%arg7 : memref<8192xf32, #tpu.memory_space<vmem>>)
    %dma_wait3A_16 = tpu.memref_slice %arg3[%add3A_10] : memref<2097152xf32, #tpu.memory_space<hbm>> -> memref<8192xf32, #tpu.memory_space<hbm>>
    %dma_wait3A_17 = tpu.memref_slice %arg3[%add3A_10] : memref<2097152xf32, #tpu.memory_space<hbm>> -> memref<8192xf32, #tpu.memory_space<hbm>>
    tpu.wait_dma2 semaphore(%arg15 : memref<!tpu.dma_semaphore, #tpu.memory_space<semaphore_mem>>) src(%dma_wait3A_17 : memref<8192xf32, #tpu.memory_space<hbm>>) dst(%arg8 : memref<8192xf32, #tpu.memory_space<vmem>>)
    %mul3A_18 = arith.constant 4 : i32
    %mul3A_19 = arith.muli %arg0, %mul3A_18 : i32
    %add3A_20 = arith.constant 0 : i32
    %add3A_21 = arith.addi %mul3A_19, %add3A_20 : i32
    %mul3A_22 = arith.constant 262144 : i32
    %mul3A_23 = arith.muli %add3A_21, %mul3A_22 : i32
    %mul3A_24 = arith.constant 16384 : i32
    %mul3A_25 = arith.muli %arg1, %mul3A_24 : i32
    %add3A_26 = arith.addi %mul3A_23, %mul3A_25 : i32
    %add3A_27 = arith.constant 8192 : i32
    %add3A_28 = arith.addi %add3A_26, %add3A_27 : i32
    %dma_start3A_29 = tpu.memref_slice %arg2[%add3A_28] : memref<2097152xf32, #tpu.memory_space<hbm>> -> memref<8192xf32, #tpu.memory_space<hbm>>
    %dma_start3A_30 = tpu.memref_slice %arg2[%add3A_28] : memref<2097152xf32, #tpu.memory_space<hbm>> -> memref<8192xf32, #tpu.memory_space<hbm>>
    tpu.enqueue_dma source(%dma_start3A_30 : memref<8192xf32, #tpu.memory_space<hbm>>) target(%arg9 : memref<8192xf32, #tpu.memory_space<vmem>>) target_semaphore(%arg14 : memref<!tpu.dma_semaphore, #tpu.memory_space<semaphore_mem>>)
    %dma_start3A_31 = tpu.memref_slice %arg3[%add3A_28] : memref<2097152xf32, #tpu.memory_space<hbm>> -> memref<8192xf32, #tpu.memory_space<hbm>>
    %dma_start3A_32 = tpu.memref_slice %arg3[%add3A_28] : memref<2097152xf32, #tpu.memory_space<hbm>> -> memref<8192xf32, #tpu.memory_space<hbm>>
    tpu.enqueue_dma source(%dma_start3A_32 : memref<8192xf32, #tpu.memory_space<hbm>>) target(%arg10 : memref<8192xf32, #tpu.memory_space<vmem>>) target_semaphore(%arg15 : memref<!tpu.dma_semaphore, #tpu.memory_space<semaphore_mem>>)
    %broadcast_in_dim3A_33 = arith.constant 0.000000e+00 : f32
    %broadcast_in_dim3A_34 = vector.broadcast %broadcast_in_dim3A_33 : f32 to vector<16xf32>
    %parallel_loop3A_35 = arith.constant 0 : i32
    %parallel_loop3A_36 = arith.constant 512 : i32
    %parallel_loop3A_37 = arith.constant 1 : i32
    %parallel_loop3A_38 = scf.for %parallel_loop3A_254 = %parallel_loop3A_35 to %parallel_loop3A_36 step %parallel_loop3A_37 iter_args(%parallel_loop3A_255 = %broadcast_in_dim3A_34) -> (vector<16xf32>)  : i32 {
      %parallel_loop3A_256 = arith.constant 16 : i32
      %parallel_loop3A_257 = arith.muli %parallel_loop3A_254, %parallel_loop3A_256 : i32
      %parallel_loop3A_258 = arith.index_cast %parallel_loop3A_257 : i32 to index
      %parallel_loop3A_259 = tpu.vector_load %arg7[%parallel_loop3A_258] {strides = array<i32>} : memref<8192xf32, #tpu.memory_space<vmem>>, vector<16xf32>,
      %parallel_loop3A_260 = arith.index_cast %parallel_loop3A_257 : i32 to index
      %parallel_loop3A_261 = tpu.vector_load %arg8[%parallel_loop3A_260] {strides = array<i32>} : memref<8192xf32, #tpu.memory_space<vmem>>, vector<16xf32>,
      %parallel_loop3A_262 = arith.constant 5.000000e-01 : f32
      %parallel_loop3A_263 = vector.broadcast %parallel_loop3A_262 : f32 to vector<16xf32>
      %parallel_loop3A_264 = arith.cmpf ogt, %parallel_loop3A_261, %parallel_loop3A_263 : vector<16xf32>
      %parallel_loop3A_265 = arith.constant 1.000000e+00 : f32
      %parallel_loop3A_266 = arith.constant -1.000000e+00 : f32
      %parallel_loop3A_267 = vector.broadcast %parallel_loop3A_265 : f32 to vector<16xf32>
      %parallel_loop3A_268 = vector.broadcast %parallel_loop3A_266 : f32 to vector<16xf32>
      %parallel_loop3A_269 = arith.select %parallel_loop3A_264, %parallel_loop3A_267, %parallel_loop3A_268 : vector<16xi1>, vector<16xf32>
      %parallel_loop3A_270 = arith.mulf %parallel_loop3A_259, %parallel_loop3A_269 : vector<16xf32>
      %parallel_loop3A_271 = arith.constant 1.000000e+00 : f32
      %parallel_loop3A_272 = vector.broadcast %parallel_loop3A_271 : f32 to vector<16xf32>
      %parallel_loop3A_273 = arith.subf %parallel_loop3A_272, %parallel_loop3A_270 : vector<16xf32>
      %parallel_loop3A_274 = arith.constant 0.000000e+00 : f32
      %parallel_loop3A_275 = vector.broadcast %parallel_loop3A_274 : f32 to vector<16xf32>
      %parallel_loop3A_276 = arith.maximumf %parallel_loop3A_273, %parallel_loop3A_275 : vector<16xf32>
      %parallel_loop3A_277 = tpu.bitcast %parallel_loop3A_276 : vector<16xf32> -> vector<16xi32>
      %parallel_loop3A_278 = arith.constant 20 : i32
      %parallel_loop3A_279 = vector.broadcast %parallel_loop3A_278 : i32 to vector<16xi32>
      %parallel_loop3A_280 = arith.shrui %parallel_loop3A_277, %parallel_loop3A_279 : vector<16xi32>
      %parallel_loop3A_281 = arith.constant 4096 : i32
      %parallel_loop3A_282 = arith.constant 0 : i32
      %parallel_loop3A_283 = vector.broadcast %parallel_loop3A_281 : i32 to vector<16xi32>
      %parallel_loop3A_284 = vector.broadcast %parallel_loop3A_282 : i32 to vector<16xi32>
      %parallel_loop3A_285 = arith.select %parallel_loop3A_264, %parallel_loop3A_283, %parallel_loop3A_284 : vector<16xi1>, vector<16xi32>
      %parallel_loop3A_286 = arith.addi %parallel_loop3A_280, %parallel_loop3A_285 : vector<16xi32>
      %parallel_loop3A_287 = arith.constant 0 : i32
      %parallel_loop3A_288 = vector.broadcast %parallel_loop3A_287 : i32 to vector<16xi32>
      %parallel_loop3A_289 = arith.addi %parallel_loop3A_286, %parallel_loop3A_288 : vector<16xi32>
      %parallel_loop3A_290 = arith.constant 1.000000e+00 : f32
      %parallel_loop3A_291 = vector.broadcast %parallel_loop3A_290 : f32 to vector<16xf32>
      tpu.vector_store_idx %arg11[%parallel_loop3A_289], %parallel_loop3A_291 {add = true} : memref<32768xf32, #tpu.memory_space<vmem>>[vector<16xi32>], vector<16xf32>,
      tpu.vector_store_idx %arg12[%parallel_loop3A_289], %parallel_loop3A_276 {add = true} : memref<32768xf32, #tpu.memory_space<vmem>>[vector<16xi32>], vector<16xf32>,
      %parallel_loop3A_292 = arith.maximumf %parallel_loop3A_255, %parallel_loop3A_276 : vector<16xf32>
      scf.yield %parallel_loop3A_292 : vector<16xf32>
    } {sc.loop_unroll_factor = 8 : i64, sc.parallel_access}
    %dma_wait3A_39 = tpu.memref_slice %arg2[%add3A_28] : memref<2097152xf32, #tpu.memory_space<hbm>> -> memref<8192xf32, #tpu.memory_space<hbm>>
    %dma_wait3A_40 = tpu.memref_slice %arg2[%add3A_28] : memref<2097152xf32, #tpu.memory_space<hbm>> -> memref<8192xf32, #tpu.memory_space<hbm>>
    tpu.wait_dma2 semaphore(%arg14 : memref<!tpu.dma_semaphore, #tpu.memory_space<semaphore_mem>>) src(%dma_wait3A_40 : memref<8192xf32, #tpu.memory_space<hbm>>) dst(%arg9 : memref<8192xf32, #tpu.memory_space<vmem>>)
    %dma_wait3A_41 = tpu.memref_slice %arg3[%add3A_28] : memref<2097152xf32, #tpu.memory_space<hbm>> -> memref<8192xf32, #tpu.memory_space<hbm>>
    %dma_wait3A_42 = tpu.memref_slice %arg3[%add3A_28] : memref<2097152xf32, #tpu.memory_space<hbm>> -> memref<8192xf32, #tpu.memory_space<hbm>>
    tpu.wait_dma2 semaphore(%arg15 : memref<!tpu.dma_semaphore, #tpu.memory_space<semaphore_mem>>) src(%dma_wait3A_42 : memref<8192xf32, #tpu.memory_space<hbm>>) dst(%arg10 : memref<8192xf32, #tpu.memory_space<vmem>>)
    %mul3A_43 = arith.constant 4 : i32
    %mul3A_44 = arith.muli %arg0, %mul3A_43 : i32
    %add3A_45 = arith.constant 1 : i32
    %add3A_46 = arith.addi %mul3A_44, %add3A_45 : i32
    %mul3A_47 = arith.constant 262144 : i32
    %mul3A_48 = arith.muli %add3A_46, %mul3A_47 : i32
    %mul3A_49 = arith.constant 16384 : i32
    %mul3A_50 = arith.muli %arg1, %mul3A_49 : i32
    %add3A_51 = arith.addi %mul3A_48, %mul3A_50 : i32
    %add3A_52 = arith.constant 0 : i32
    %add3A_53 = arith.addi %add3A_51, %add3A_52 : i32
    %dma_start3A_54 = tpu.memref_slice %arg2[%add3A_53] : memref<2097152xf32, #tpu.memory_space<hbm>> -> memref<8192xf32, #tpu.memory_space<hbm>>
    %dma_start3A_55 = tpu.memref_slice %arg2[%add3A_53] : memref<2097152xf32, #tpu.memory_space<hbm>> -> memref<8192xf32, #tpu.memory_space<hbm>>
    tpu.enqueue_dma source(%dma_start3A_55 : memref<8192xf32, #tpu.memory_space<hbm>>) target(%arg7 : memref<8192xf32, #tpu.memory_space<vmem>>) target_semaphore(%arg14 : memref<!tpu.dma_semaphore, #tpu.memory_space<semaphore_mem>>)
    %dma_start3A_56 = tpu.memref_slice %arg3[%add3A_53] : memref<2097152xf32, #tpu.memory_space<hbm>> -> memref<8192xf32, #tpu.memory_space<hbm>>
    %dma_start3A_57 = tpu.memref_slice %arg3[%add3A_53] : memref<2097152xf32, #tpu.memory_space<hbm>> -> memref<8192xf32, #tpu.memory_space<hbm>>
    tpu.enqueue_dma source(%dma_start3A_57 : memref<8192xf32, #tpu.memory_space<hbm>>) target(%arg8 : memref<8192xf32, #tpu.memory_space<vmem>>) target_semaphore(%arg15 : memref<!tpu.dma_semaphore, #tpu.memory_space<semaphore_mem>>)
    %parallel_loop3A_58 = arith.constant 0 : i32
    %parallel_loop3A_59 = arith.constant 512 : i32
    %parallel_loop3A_60 = arith.constant 1 : i32
    %parallel_loop3A_61 = scf.for %parallel_loop3A_254 = %parallel_loop3A_58 to %parallel_loop3A_59 step %parallel_loop3A_60 iter_args(%parallel_loop3A_255 = %parallel_loop3A_38) -> (vector<16xf32>)  : i32 {
      %parallel_loop3A_256 = arith.constant 16 : i32
      %parallel_loop3A_257 = arith.muli %parallel_loop3A_254, %parallel_loop3A_256 : i32
      %parallel_loop3A_258 = arith.index_cast %parallel_loop3A_257 : i32 to index
      %parallel_loop3A_259 = tpu.vector_load %arg9[%parallel_loop3A_258] {strides = array<i32>} : memref<8192xf32, #tpu.memory_space<vmem>>, vector<16xf32>,
      %parallel_loop3A_260 = arith.index_cast %parallel_loop3A_257 : i32 to index
      %parallel_loop3A_261 = tpu.vector_load %arg10[%parallel_loop3A_260] {strides = array<i32>} : memref<8192xf32, #tpu.memory_space<vmem>>, vector<16xf32>,
      %parallel_loop3A_262 = arith.constant 5.000000e-01 : f32
      %parallel_loop3A_263 = vector.broadcast %parallel_loop3A_262 : f32 to vector<16xf32>
      %parallel_loop3A_264 = arith.cmpf ogt, %parallel_loop3A_261, %parallel_loop3A_263 : vector<16xf32>
      %parallel_loop3A_265 = arith.constant 1.000000e+00 : f32
      %parallel_loop3A_266 = arith.constant -1.000000e+00 : f32
      %parallel_loop3A_267 = vector.broadcast %parallel_loop3A_265 : f32 to vector<16xf32>
      %parallel_loop3A_268 = vector.broadcast %parallel_loop3A_266 : f32 to vector<16xf32>
      %parallel_loop3A_269 = arith.select %parallel_loop3A_264, %parallel_loop3A_267, %parallel_loop3A_268 : vector<16xi1>, vector<16xf32>
      %parallel_loop3A_270 = arith.mulf %parallel_loop3A_259, %parallel_loop3A_269 : vector<16xf32>
      %parallel_loop3A_271 = arith.constant 1.000000e+00 : f32
      %parallel_loop3A_272 = vector.broadcast %parallel_loop3A_271 : f32 to vector<16xf32>
      %parallel_loop3A_273 = arith.subf %parallel_loop3A_272, %parallel_loop3A_270 : vector<16xf32>
      %parallel_loop3A_274 = arith.constant 0.000000e+00 : f32
      %parallel_loop3A_275 = vector.broadcast %parallel_loop3A_274 : f32 to vector<16xf32>
      %parallel_loop3A_276 = arith.maximumf %parallel_loop3A_273, %parallel_loop3A_275 : vector<16xf32>
      %parallel_loop3A_277 = tpu.bitcast %parallel_loop3A_276 : vector<16xf32> -> vector<16xi32>
      %parallel_loop3A_278 = arith.constant 20 : i32
      %parallel_loop3A_279 = vector.broadcast %parallel_loop3A_278 : i32 to vector<16xi32>
      %parallel_loop3A_280 = arith.shrui %parallel_loop3A_277, %parallel_loop3A_279 : vector<16xi32>
      %parallel_loop3A_281 = arith.constant 4096 : i32
      %parallel_loop3A_282 = arith.constant 0 : i32
      %parallel_loop3A_283 = vector.broadcast %parallel_loop3A_281 : i32 to vector<16xi32>
      %parallel_loop3A_284 = vector.broadcast %parallel_loop3A_282 : i32 to vector<16xi32>
      %parallel_loop3A_285 = arith.select %parallel_loop3A_264, %parallel_loop3A_283, %parallel_loop3A_284 : vector<16xi1>, vector<16xi32>
      %parallel_loop3A_286 = arith.addi %parallel_loop3A_280, %parallel_loop3A_285 : vector<16xi32>
      %parallel_loop3A_287 = arith.constant 0 : i32
      %parallel_loop3A_288 = vector.broadcast %parallel_loop3A_287 : i32 to vector<16xi32>
      %parallel_loop3A_289 = arith.addi %parallel_loop3A_286, %parallel_loop3A_288 : vector<16xi32>
      %parallel_loop3A_290 = arith.constant 1.000000e+00 : f32
      %parallel_loop3A_291 = vector.broadcast %parallel_loop3A_290 : f32 to vector<16xf32>
      tpu.vector_store_idx %arg11[%parallel_loop3A_289], %parallel_loop3A_291 {add = true} : memref<32768xf32, #tpu.memory_space<vmem>>[vector<16xi32>], vector<16xf32>,
      tpu.vector_store_idx %arg12[%parallel_loop3A_289], %parallel_loop3A_276 {add = true} : memref<32768xf32, #tpu.memory_space<vmem>>[vector<16xi32>], vector<16xf32>,
      %parallel_loop3A_292 = arith.maximumf %parallel_loop3A_255, %parallel_loop3A_276 : vector<16xf32>
      scf.yield %parallel_loop3A_292 : vector<16xf32>
    } {sc.loop_unroll_factor = 8 : i64, sc.parallel_access}
    %swap3A = arith.constant 0 : index
    %swap3A_62 = tpu.vector_load %arg13[%swap3A] {strides = array<i32>} : memref<64xf32, #tpu.memory_space<vmem>>, vector<16xf32>,
    tpu.vector_store %arg13[%swap3A], %parallel_loop3A_61 {strides = array<i32>} : memref<64xf32, #tpu.memory_space<vmem>>, vector<16xf32>,
    %dma_wait3A_63 = tpu.memref_slice %arg2[%add3A_53] : memref<2097152xf32, #tpu.memory_space<hbm>> -> memref<8192xf32, #tpu.memory_space<hbm>>
    %dma_wait3A_64 = tpu.memref_slice %arg2[%add3A_53] : memref<2097152xf32, #tpu.memory_space<hbm>> -> memref<8192xf32, #tpu.memory_space<hbm>>
    tpu.wait_dma2 semaphore(%arg14 : memref<!tpu.dma_semaphore, #tpu.memory_space<semaphore_mem>>) src(%dma_wait3A_64 : memref<8192xf32, #tpu.memory_space<hbm>>) dst(%arg7 : memref<8192xf32, #tpu.memory_space<vmem>>)
    %dma_wait3A_65 = tpu.memref_slice %arg3[%add3A_53] : memref<2097152xf32, #tpu.memory_space<hbm>> -> memref<8192xf32, #tpu.memory_space<hbm>>
    %dma_wait3A_66 = tpu.memref_slice %arg3[%add3A_53] : memref<2097152xf32, #tpu.memory_space<hbm>> -> memref<8192xf32, #tpu.memory_space<hbm>>
    tpu.wait_dma2 semaphore(%arg15 : memref<!tpu.dma_semaphore, #tpu.memory_space<semaphore_mem>>) src(%dma_wait3A_66 : memref<8192xf32, #tpu.memory_space<hbm>>) dst(%arg8 : memref<8192xf32, #tpu.memory_space<vmem>>)
    %mul3A_67 = arith.constant 4 : i32
    %mul3A_68 = arith.muli %arg0, %mul3A_67 : i32
    %add3A_69 = arith.constant 1 : i32
    %add3A_70 = arith.addi %mul3A_68, %add3A_69 : i32
    %mul3A_71 = arith.constant 262144 : i32
    %mul3A_72 = arith.muli %add3A_70, %mul3A_71 : i32
    %mul3A_73 = arith.constant 16384 : i32
    %mul3A_74 = arith.muli %arg1, %mul3A_73 : i32
    %add3A_75 = arith.addi %mul3A_72, %mul3A_74 : i32
    %add3A_76 = arith.constant 8192 : i32
    %add3A_77 = arith.addi %add3A_75, %add3A_76 : i32
    %dma_start3A_78 = tpu.memref_slice %arg2[%add3A_77] : memref<2097152xf32, #tpu.memory_space<hbm>> -> memref<8192xf32, #tpu.memory_space<hbm>>
    %dma_start3A_79 = tpu.memref_slice %arg2[%add3A_77] : memref<2097152xf32, #tpu.memory_space<hbm>> -> memref<8192xf32, #tpu.memory_space<hbm>>
    tpu.enqueue_dma source(%dma_start3A_79 : memref<8192xf32, #tpu.memory_space<hbm>>) target(%arg9 : memref<8192xf32, #tpu.memory_space<vmem>>) target_semaphore(%arg14 : memref<!tpu.dma_semaphore, #tpu.memory_space<semaphore_mem>>)
    %dma_start3A_80 = tpu.memref_slice %arg3[%add3A_77] : memref<2097152xf32, #tpu.memory_space<hbm>> -> memref<8192xf32, #tpu.memory_space<hbm>>
    %dma_start3A_81 = tpu.memref_slice %arg3[%add3A_77] : memref<2097152xf32, #tpu.memory_space<hbm>> -> memref<8192xf32, #tpu.memory_space<hbm>>
    tpu.enqueue_dma source(%dma_start3A_81 : memref<8192xf32, #tpu.memory_space<hbm>>) target(%arg10 : memref<8192xf32, #tpu.memory_space<vmem>>) target_semaphore(%arg15 : memref<!tpu.dma_semaphore, #tpu.memory_space<semaphore_mem>>)
    %broadcast_in_dim3A_82 = arith.constant 0.000000e+00 : f32
    %broadcast_in_dim3A_83 = vector.broadcast %broadcast_in_dim3A_82 : f32 to vector<16xf32>
    %parallel_loop3A_84 = arith.constant 0 : i32
    %parallel_loop3A_85 = arith.constant 512 : i32
    %parallel_loop3A_86 = arith.constant 1 : i32
    %parallel_loop3A_87 = scf.for %parallel_loop3A_254 = %parallel_loop3A_84 to %parallel_loop3A_85 step %parallel_loop3A_86 iter_args(%parallel_loop3A_255 = %broadcast_in_dim3A_83) -> (vector<16xf32>)  : i32 {
      %parallel_loop3A_256 = arith.constant 16 : i32
      %parallel_loop3A_257 = arith.muli %parallel_loop3A_254, %parallel_loop3A_256 : i32
      %parallel_loop3A_258 = arith.index_cast %parallel_loop3A_257 : i32 to index
      %parallel_loop3A_259 = tpu.vector_load %arg7[%parallel_loop3A_258] {strides = array<i32>} : memref<8192xf32, #tpu.memory_space<vmem>>, vector<16xf32>,
      %parallel_loop3A_260 = arith.index_cast %parallel_loop3A_257 : i32 to index
      %parallel_loop3A_261 = tpu.vector_load %arg8[%parallel_loop3A_260] {strides = array<i32>} : memref<8192xf32, #tpu.memory_space<vmem>>, vector<16xf32>,
      %parallel_loop3A_262 = arith.constant 5.000000e-01 : f32
      %parallel_loop3A_263 = vector.broadcast %parallel_loop3A_262 : f32 to vector<16xf32>
      %parallel_loop3A_264 = arith.cmpf ogt, %parallel_loop3A_261, %parallel_loop3A_263 : vector<16xf32>
      %parallel_loop3A_265 = arith.constant 1.000000e+00 : f32
      %parallel_loop3A_266 = arith.constant -1.000000e+00 : f32
      %parallel_loop3A_267 = vector.broadcast %parallel_loop3A_265 : f32 to vector<16xf32>
      %parallel_loop3A_268 = vector.broadcast %parallel_loop3A_266 : f32 to vector<16xf32>
      %parallel_loop3A_269 = arith.select %parallel_loop3A_264, %parallel_loop3A_267, %parallel_loop3A_268 : vector<16xi1>, vector<16xf32>
      %parallel_loop3A_270 = arith.mulf %parallel_loop3A_259, %parallel_loop3A_269 : vector<16xf32>
      %parallel_loop3A_271 = arith.constant 1.000000e+00 : f32
      %parallel_loop3A_272 = vector.broadcast %parallel_loop3A_271 : f32 to vector<16xf32>
      %parallel_loop3A_273 = arith.subf %parallel_loop3A_272, %parallel_loop3A_270 : vector<16xf32>
      %parallel_loop3A_274 = arith.constant 0.000000e+00 : f32
      %parallel_loop3A_275 = vector.broadcast %parallel_loop3A_274 : f32 to vector<16xf32>
      %parallel_loop3A_276 = arith.maximumf %parallel_loop3A_273, %parallel_loop3A_275 : vector<16xf32>
      %parallel_loop3A_277 = tpu.bitcast %parallel_loop3A_276 : vector<16xf32> -> vector<16xi32>
      %parallel_loop3A_278 = arith.constant 20 : i32
      %parallel_loop3A_279 = vector.broadcast %parallel_loop3A_278 : i32 to vector<16xi32>
      %parallel_loop3A_280 = arith.shrui %parallel_loop3A_277, %parallel_loop3A_279 : vector<16xi32>
      %parallel_loop3A_281 = arith.constant 4096 : i32
      %parallel_loop3A_282 = arith.constant 0 : i32
      %parallel_loop3A_283 = vector.broadcast %parallel_loop3A_281 : i32 to vector<16xi32>
      %parallel_loop3A_284 = vector.broadcast %parallel_loop3A_282 : i32 to vector<16xi32>
      %parallel_loop3A_285 = arith.select %parallel_loop3A_264, %parallel_loop3A_283, %parallel_loop3A_284 : vector<16xi1>, vector<16xi32>
      %parallel_loop3A_286 = arith.addi %parallel_loop3A_280, %parallel_loop3A_285 : vector<16xi32>
      %parallel_loop3A_287 = arith.constant 8192 : i32
      %parallel_loop3A_288 = vector.broadcast %parallel_loop3A_287 : i32 to vector<16xi32>
      %parallel_loop3A_289 = arith.addi %parallel_loop3A_286, %parallel_loop3A_288 : vector<16xi32>
      %parallel_loop3A_290 = arith.constant 1.000000e+00 : f32
      %parallel_loop3A_291 = vector.broadcast %parallel_loop3A_290 : f32 to vector<16xf32>
      tpu.vector_store_idx %arg11[%parallel_loop3A_289], %parallel_loop3A_291 {add = true} : memref<32768xf32, #tpu.memory_space<vmem>>[vector<16xi32>], vector<16xf32>,
      tpu.vector_store_idx %arg12[%parallel_loop3A_289], %parallel_loop3A_276 {add = true} : memref<32768xf32, #tpu.memory_space<vmem>>[vector<16xi32>], vector<16xf32>,
      %parallel_loop3A_292 = arith.maximumf %parallel_loop3A_255, %parallel_loop3A_276 : vector<16xf32>
      scf.yield %parallel_loop3A_292 : vector<16xf32>
    } {sc.loop_unroll_factor = 8 : i64, sc.parallel_access}
    %dma_wait3A_88 = tpu.memref_slice %arg2[%add3A_77] : memref<2097152xf32, #tpu.memory_space<hbm>> -> memref<8192xf32, #tpu.memory_space<hbm>>
    %dma_wait3A_89 = tpu.memref_slice %arg2[%add3A_77] : memref<2097152xf32, #tpu.memory_space<hbm>> -> memref<8192xf32, #tpu.memory_space<hbm>>
    tpu.wait_dma2 semaphore(%arg14 : memref<!tpu.dma_semaphore, #tpu.memory_space<semaphore_mem>>) src(%dma_wait3A_89 : memref<8192xf32, #tpu.memory_space<hbm>>) dst(%arg9 : memref<8192xf32, #tpu.memory_space<vmem>>)
    %dma_wait3A_90 = tpu.memref_slice %arg3[%add3A_77] : memref<2097152xf32, #tpu.memory_space<hbm>> -> memref<8192xf32, #tpu.memory_space<hbm>>
    %dma_wait3A_91 = tpu.memref_slice %arg3[%add3A_77] : memref<2097152xf32, #tpu.memory_space<hbm>> -> memref<8192xf32, #tpu.memory_space<hbm>>
    tpu.wait_dma2 semaphore(%arg15 : memref<!tpu.dma_semaphore, #tpu.memory_space<semaphore_mem>>) src(%dma_wait3A_91 : memref<8192xf32, #tpu.memory_space<hbm>>) dst(%arg10 : memref<8192xf32, #tpu.memory_space<vmem>>)
    %mul3A_92 = arith.constant 4 : i32
    %mul3A_93 = arith.muli %arg0, %mul3A_92 : i32
    %add3A_94 = arith.constant 2 : i32
    %add3A_95 = arith.addi %mul3A_93, %add3A_94 : i32
    %mul3A_96 = arith.constant 262144 : i32
    %mul3A_97 = arith.muli %add3A_95, %mul3A_96 : i32
    %mul3A_98 = arith.constant 16384 : i32
    %mul3A_99 = arith.muli %arg1, %mul3A_98 : i32
    %add3A_100 = arith.addi %mul3A_97, %mul3A_99 : i32
    %add3A_101 = arith.constant 0 : i32
    %add3A_102 = arith.addi %add3A_100, %add3A_101 : i32
    %dma_start3A_103 = tpu.memref_slice %arg2[%add3A_102] : memref<2097152xf32, #tpu.memory_space<hbm>> -> memref<8192xf32, #tpu.memory_space<hbm>>
    %dma_start3A_104 = tpu.memref_slice %arg2[%add3A_102] : memref<2097152xf32, #tpu.memory_space<hbm>> -> memref<8192xf32, #tpu.memory_space<hbm>>
    tpu.enqueue_dma source(%dma_start3A_104 : memref<8192xf32, #tpu.memory_space<hbm>>) target(%arg7 : memref<8192xf32, #tpu.memory_space<vmem>>) target_semaphore(%arg14 : memref<!tpu.dma_semaphore, #tpu.memory_space<semaphore_mem>>)
    %dma_start3A_105 = tpu.memref_slice %arg3[%add3A_102] : memref<2097152xf32, #tpu.memory_space<hbm>> -> memref<8192xf32, #tpu.memory_space<hbm>>
    %dma_start3A_106 = tpu.memref_slice %arg3[%add3A_102] : memref<2097152xf32, #tpu.memory_space<hbm>> -> memref<8192xf32, #tpu.memory_space<hbm>>
    tpu.enqueue_dma source(%dma_start3A_106 : memref<8192xf32, #tpu.memory_space<hbm>>) target(%arg8 : memref<8192xf32, #tpu.memory_space<vmem>>) target_semaphore(%arg15 : memref<!tpu.dma_semaphore, #tpu.memory_space<semaphore_mem>>)
    %parallel_loop3A_107 = arith.constant 0 : i32
    %parallel_loop3A_108 = arith.constant 512 : i32
    %parallel_loop3A_109 = arith.constant 1 : i32
    %parallel_loop3A_110 = scf.for %parallel_loop3A_254 = %parallel_loop3A_107 to %parallel_loop3A_108 step %parallel_loop3A_109 iter_args(%parallel_loop3A_255 = %parallel_loop3A_87) -> (vector<16xf32>)  : i32 {
      %parallel_loop3A_256 = arith.constant 16 : i32
      %parallel_loop3A_257 = arith.muli %parallel_loop3A_254, %parallel_loop3A_256 : i32
      %parallel_loop3A_258 = arith.index_cast %parallel_loop3A_257 : i32 to index
      %parallel_loop3A_259 = tpu.vector_load %arg9[%parallel_loop3A_258] {strides = array<i32>} : memref<8192xf32, #tpu.memory_space<vmem>>, vector<16xf32>,
      %parallel_loop3A_260 = arith.index_cast %parallel_loop3A_257 : i32 to index
      %parallel_loop3A_261 = tpu.vector_load %arg10[%parallel_loop3A_260] {strides = array<i32>} : memref<8192xf32, #tpu.memory_space<vmem>>, vector<16xf32>,
      %parallel_loop3A_262 = arith.constant 5.000000e-01 : f32
      %parallel_loop3A_263 = vector.broadcast %parallel_loop3A_262 : f32 to vector<16xf32>
      %parallel_loop3A_264 = arith.cmpf ogt, %parallel_loop3A_261, %parallel_loop3A_263 : vector<16xf32>
      %parallel_loop3A_265 = arith.constant 1.000000e+00 : f32
      %parallel_loop3A_266 = arith.constant -1.000000e+00 : f32
      %parallel_loop3A_267 = vector.broadcast %parallel_loop3A_265 : f32 to vector<16xf32>
      %parallel_loop3A_268 = vector.broadcast %parallel_loop3A_266 : f32 to vector<16xf32>
      %parallel_loop3A_269 = arith.select %parallel_loop3A_264, %parallel_loop3A_267, %parallel_loop3A_268 : vector<16xi1>, vector<16xf32>
      %parallel_loop3A_270 = arith.mulf %parallel_loop3A_259, %parallel_loop3A_269 : vector<16xf32>
      %parallel_loop3A_271 = arith.constant 1.000000e+00 : f32
      %parallel_loop3A_272 = vector.broadcast %parallel_loop3A_271 : f32 to vector<16xf32>
      %parallel_loop3A_273 = arith.subf %parallel_loop3A_272, %parallel_loop3A_270 : vector<16xf32>
      %parallel_loop3A_274 = arith.constant 0.000000e+00 : f32
      %parallel_loop3A_275 = vector.broadcast %parallel_loop3A_274 : f32 to vector<16xf32>
      %parallel_loop3A_276 = arith.maximumf %parallel_loop3A_273, %parallel_loop3A_275 : vector<16xf32>
      %parallel_loop3A_277 = tpu.bitcast %parallel_loop3A_276 : vector<16xf32> -> vector<16xi32>
      %parallel_loop3A_278 = arith.constant 20 : i32
      %parallel_loop3A_279 = vector.broadcast %parallel_loop3A_278 : i32 to vector<16xi32>
      %parallel_loop3A_280 = arith.shrui %parallel_loop3A_277, %parallel_loop3A_279 : vector<16xi32>
      %parallel_loop3A_281 = arith.constant 4096 : i32
      %parallel_loop3A_282 = arith.constant 0 : i32
      %parallel_loop3A_283 = vector.broadcast %parallel_loop3A_281 : i32 to vector<16xi32>
      %parallel_loop3A_284 = vector.broadcast %parallel_loop3A_282 : i32 to vector<16xi32>
      %parallel_loop3A_285 = arith.select %parallel_loop3A_264, %parallel_loop3A_283, %parallel_loop3A_284 : vector<16xi1>, vector<16xi32>
      %parallel_loop3A_286 = arith.addi %parallel_loop3A_280, %parallel_loop3A_285 : vector<16xi32>
      %parallel_loop3A_287 = arith.constant 8192 : i32
      %parallel_loop3A_288 = vector.broadcast %parallel_loop3A_287 : i32 to vector<16xi32>
      %parallel_loop3A_289 = arith.addi %parallel_loop3A_286, %parallel_loop3A_288 : vector<16xi32>
      %parallel_loop3A_290 = arith.constant 1.000000e+00 : f32
      %parallel_loop3A_291 = vector.broadcast %parallel_loop3A_290 : f32 to vector<16xf32>
      tpu.vector_store_idx %arg11[%parallel_loop3A_289], %parallel_loop3A_291 {add = true} : memref<32768xf32, #tpu.memory_space<vmem>>[vector<16xi32>], vector<16xf32>,
      tpu.vector_store_idx %arg12[%parallel_loop3A_289], %parallel_loop3A_276 {add = true} : memref<32768xf32, #tpu.memory_space<vmem>>[vector<16xi32>], vector<16xf32>,
      %parallel_loop3A_292 = arith.maximumf %parallel_loop3A_255, %parallel_loop3A_276 : vector<16xf32>
      scf.yield %parallel_loop3A_292 : vector<16xf32>
    } {sc.loop_unroll_factor = 8 : i64, sc.parallel_access}
    %swap3A_111 = arith.constant 16 : index
    %swap3A_112 = tpu.vector_load %arg13[%swap3A_111] {strides = array<i32>} : memref<64xf32, #tpu.memory_space<vmem>>, vector<16xf32>,
    tpu.vector_store %arg13[%swap3A_111], %parallel_loop3A_110 {strides = array<i32>} : memref<64xf32, #tpu.memory_space<vmem>>, vector<16xf32>,
    %dma_wait3A_113 = tpu.memref_slice %arg2[%add3A_102] : memref<2097152xf32, #tpu.memory_space<hbm>> -> memref<8192xf32, #tpu.memory_space<hbm>>
    %dma_wait3A_114 = tpu.memref_slice %arg2[%add3A_102] : memref<2097152xf32, #tpu.memory_space<hbm>> -> memref<8192xf32, #tpu.memory_space<hbm>>
    tpu.wait_dma2 semaphore(%arg14 : memref<!tpu.dma_semaphore, #tpu.memory_space<semaphore_mem>>) src(%dma_wait3A_114 : memref<8192xf32, #tpu.memory_space<hbm>>) dst(%arg7 : memref<8192xf32, #tpu.memory_space<vmem>>)
    %dma_wait3A_115 = tpu.memref_slice %arg3[%add3A_102] : memref<2097152xf32, #tpu.memory_space<hbm>> -> memref<8192xf32, #tpu.memory_space<hbm>>
    %dma_wait3A_116 = tpu.memref_slice %arg3[%add3A_102] : memref<2097152xf32, #tpu.memory_space<hbm>> -> memref<8192xf32, #tpu.memory_space<hbm>>
    tpu.wait_dma2 semaphore(%arg15 : memref<!tpu.dma_semaphore, #tpu.memory_space<semaphore_mem>>) src(%dma_wait3A_116 : memref<8192xf32, #tpu.memory_space<hbm>>) dst(%arg8 : memref<8192xf32, #tpu.memory_space<vmem>>)
    %mul3A_117 = arith.constant 4 : i32
    %mul3A_118 = arith.muli %arg0, %mul3A_117 : i32
    %add3A_119 = arith.constant 2 : i32
    %add3A_120 = arith.addi %mul3A_118, %add3A_119 : i32
    %mul3A_121 = arith.constant 262144 : i32
    %mul3A_122 = arith.muli %add3A_120, %mul3A_121 : i32
    %mul3A_123 = arith.constant 16384 : i32
    %mul3A_124 = arith.muli %arg1, %mul3A_123 : i32
    %add3A_125 = arith.addi %mul3A_122, %mul3A_124 : i32
    %add3A_126 = arith.constant 8192 : i32
    %add3A_127 = arith.addi %add3A_125, %add3A_126 : i32
    %dma_start3A_128 = tpu.memref_slice %arg2[%add3A_127] : memref<2097152xf32, #tpu.memory_space<hbm>> -> memref<8192xf32, #tpu.memory_space<hbm>>
    %dma_start3A_129 = tpu.memref_slice %arg2[%add3A_127] : memref<2097152xf32, #tpu.memory_space<hbm>> -> memref<8192xf32, #tpu.memory_space<hbm>>
    tpu.enqueue_dma source(%dma_start3A_129 : memref<8192xf32, #tpu.memory_space<hbm>>) target(%arg9 : memref<8192xf32, #tpu.memory_space<vmem>>) target_semaphore(%arg14 : memref<!tpu.dma_semaphore, #tpu.memory_space<semaphore_mem>>)
    %dma_start3A_130 = tpu.memref_slice %arg3[%add3A_127] : memref<2097152xf32, #tpu.memory_space<hbm>> -> memref<8192xf32, #tpu.memory_space<hbm>>
    %dma_start3A_131 = tpu.memref_slice %arg3[%add3A_127] : memref<2097152xf32, #tpu.memory_space<hbm>> -> memref<8192xf32, #tpu.memory_space<hbm>>
    tpu.enqueue_dma source(%dma_start3A_131 : memref<8192xf32, #tpu.memory_space<hbm>>) target(%arg10 : memref<8192xf32, #tpu.memory_space<vmem>>) target_semaphore(%arg15 : memref<!tpu.dma_semaphore, #tpu.memory_space<semaphore_mem>>)
    %broadcast_in_dim3A_132 = arith.constant 0.000000e+00 : f32
    %broadcast_in_dim3A_133 = vector.broadcast %broadcast_in_dim3A_132 : f32 to vector<16xf32>
    %parallel_loop3A_134 = arith.constant 0 : i32
    %parallel_loop3A_135 = arith.constant 512 : i32
    %parallel_loop3A_136 = arith.constant 1 : i32
    %parallel_loop3A_137 = scf.for %parallel_loop3A_254 = %parallel_loop3A_134 to %parallel_loop3A_135 step %parallel_loop3A_136 iter_args(%parallel_loop3A_255 = %broadcast_in_dim3A_133) -> (vector<16xf32>)  : i32 {
      %parallel_loop3A_256 = arith.constant 16 : i32
      %parallel_loop3A_257 = arith.muli %parallel_loop3A_254, %parallel_loop3A_256 : i32
      %parallel_loop3A_258 = arith.index_cast %parallel_loop3A_257 : i32 to index
      %parallel_loop3A_259 = tpu.vector_load %arg7[%parallel_loop3A_258] {strides = array<i32>} : memref<8192xf32, #tpu.memory_space<vmem>>, vector<16xf32>,
      %parallel_loop3A_260 = arith.index_cast %parallel_loop3A_257 : i32 to index
      %parallel_loop3A_261 = tpu.vector_load %arg8[%parallel_loop3A_260] {strides = array<i32>} : memref<8192xf32, #tpu.memory_space<vmem>>, vector<16xf32>,
      %parallel_loop3A_262 = arith.constant 5.000000e-01 : f32
      %parallel_loop3A_263 = vector.broadcast %parallel_loop3A_262 : f32 to vector<16xf32>
      %parallel_loop3A_264 = arith.cmpf ogt, %parallel_loop3A_261, %parallel_loop3A_263 : vector<16xf32>
      %parallel_loop3A_265 = arith.constant 1.000000e+00 : f32
      %parallel_loop3A_266 = arith.constant -1.000000e+00 : f32
      %parallel_loop3A_267 = vector.broadcast %parallel_loop3A_265 : f32 to vector<16xf32>
      %parallel_loop3A_268 = vector.broadcast %parallel_loop3A_266 : f32 to vector<16xf32>
      %parallel_loop3A_269 = arith.select %parallel_loop3A_264, %parallel_loop3A_267, %parallel_loop3A_268 : vector<16xi1>, vector<16xf32>
      %parallel_loop3A_270 = arith.mulf %parallel_loop3A_259, %parallel_loop3A_269 : vector<16xf32>
      %parallel_loop3A_271 = arith.constant 1.000000e+00 : f32
      %parallel_loop3A_272 = vector.broadcast %parallel_loop3A_271 : f32 to vector<16xf32>
      %parallel_loop3A_273 = arith.subf %parallel_loop3A_272, %parallel_loop3A_270 : vector<16xf32>
      %parallel_loop3A_274 = arith.constant 0.000000e+00 : f32
      %parallel_loop3A_275 = vector.broadcast %parallel_loop3A_274 : f32 to vector<16xf32>
      %parallel_loop3A_276 = arith.maximumf %parallel_loop3A_273, %parallel_loop3A_275 : vector<16xf32>
      %parallel_loop3A_277 = tpu.bitcast %parallel_loop3A_276 : vector<16xf32> -> vector<16xi32>
      %parallel_loop3A_278 = arith.constant 20 : i32
      %parallel_loop3A_279 = vector.broadcast %parallel_loop3A_278 : i32 to vector<16xi32>
      %parallel_loop3A_280 = arith.shrui %parallel_loop3A_277, %parallel_loop3A_279 : vector<16xi32>
      %parallel_loop3A_281 = arith.constant 4096 : i32
      %parallel_loop3A_282 = arith.constant 0 : i32
      %parallel_loop3A_283 = vector.broadcast %parallel_loop3A_281 : i32 to vector<16xi32>
      %parallel_loop3A_284 = vector.broadcast %parallel_loop3A_282 : i32 to vector<16xi32>
      %parallel_loop3A_285 = arith.select %parallel_loop3A_264, %parallel_loop3A_283, %parallel_loop3A_284 : vector<16xi1>, vector<16xi32>
      %parallel_loop3A_286 = arith.addi %parallel_loop3A_280, %parallel_loop3A_285 : vector<16xi32>
      %parallel_loop3A_287 = arith.constant 16384 : i32
      %parallel_loop3A_288 = vector.broadcast %parallel_loop3A_287 : i32 to vector<16xi32>
      %parallel_loop3A_289 = arith.addi %parallel_loop3A_286, %parallel_loop3A_288 : vector<16xi32>
      %parallel_loop3A_290 = arith.constant 1.000000e+00 : f32
      %parallel_loop3A_291 = vector.broadcast %parallel_loop3A_290 : f32 to vector<16xf32>
      tpu.vector_store_idx %arg11[%parallel_loop3A_289], %parallel_loop3A_291 {add = true} : memref<32768xf32, #tpu.memory_space<vmem>>[vector<16xi32>], vector<16xf32>,
      tpu.vector_store_idx %arg12[%parallel_loop3A_289], %parallel_loop3A_276 {add = true} : memref<32768xf32, #tpu.memory_space<vmem>>[vector<16xi32>], vector<16xf32>,
      %parallel_loop3A_292 = arith.maximumf %parallel_loop3A_255, %parallel_loop3A_276 : vector<16xf32>
      scf.yield %parallel_loop3A_292 : vector<16xf32>
    } {sc.loop_unroll_factor = 8 : i64, sc.parallel_access}
    %dma_wait3A_138 = tpu.memref_slice %arg2[%add3A_127] : memref<2097152xf32, #tpu.memory_space<hbm>> -> memref<8192xf32, #tpu.memory_space<hbm>>
    %dma_wait3A_139 = tpu.memref_slice %arg2[%add3A_127] : memref<2097152xf32, #tpu.memory_space<hbm>> -> memref<8192xf32, #tpu.memory_space<hbm>>
    tpu.wait_dma2 semaphore(%arg14 : memref<!tpu.dma_semaphore, #tpu.memory_space<semaphore_mem>>) src(%dma_wait3A_139 : memref<8192xf32, #tpu.memory_space<hbm>>) dst(%arg9 : memref<8192xf32, #tpu.memory_space<vmem>>)
    %dma_wait3A_140 = tpu.memref_slice %arg3[%add3A_127] : memref<2097152xf32, #tpu.memory_space<hbm>> -> memref<8192xf32, #tpu.memory_space<hbm>>
    %dma_wait3A_141 = tpu.memref_slice %arg3[%add3A_127] : memref<2097152xf32, #tpu.memory_space<hbm>> -> memref<8192xf32, #tpu.memory_space<hbm>>
    tpu.wait_dma2 semaphore(%arg15 : memref<!tpu.dma_semaphore, #tpu.memory_space<semaphore_mem>>) src(%dma_wait3A_141 : memref<8192xf32, #tpu.memory_space<hbm>>) dst(%arg10 : memref<8192xf32, #tpu.memory_space<vmem>>)
    %mul3A_142 = arith.constant 4 : i32
    %mul3A_143 = arith.muli %arg0, %mul3A_142 : i32
    %add3A_144 = arith.constant 3 : i32
    %add3A_145 = arith.addi %mul3A_143, %add3A_144 : i32
    %mul3A_146 = arith.constant 262144 : i32
    %mul3A_147 = arith.muli %add3A_145, %mul3A_146 : i32
    %mul3A_148 = arith.constant 16384 : i32
    %mul3A_149 = arith.muli %arg1, %mul3A_148 : i32
    %add3A_150 = arith.addi %mul3A_147, %mul3A_149 : i32
    %add3A_151 = arith.constant 0 : i32
    %add3A_152 = arith.addi %add3A_150, %add3A_151 : i32
    %dma_start3A_153 = tpu.memref_slice %arg2[%add3A_152] : memref<2097152xf32, #tpu.memory_space<hbm>> -> memref<8192xf32, #tpu.memory_space<hbm>>
    %dma_start3A_154 = tpu.memref_slice %arg2[%add3A_152] : memref<2097152xf32, #tpu.memory_space<hbm>> -> memref<8192xf32, #tpu.memory_space<hbm>>
    tpu.enqueue_dma source(%dma_start3A_154 : memref<8192xf32, #tpu.memory_space<hbm>>) target(%arg7 : memref<8192xf32, #tpu.memory_space<vmem>>) target_semaphore(%arg14 : memref<!tpu.dma_semaphore, #tpu.memory_space<semaphore_mem>>)
    %dma_start3A_155 = tpu.memref_slice %arg3[%add3A_152] : memref<2097152xf32, #tpu.memory_space<hbm>> -> memref<8192xf32, #tpu.memory_space<hbm>>
    %dma_start3A_156 = tpu.memref_slice %arg3[%add3A_152] : memref<2097152xf32, #tpu.memory_space<hbm>> -> memref<8192xf32, #tpu.memory_space<hbm>>
    tpu.enqueue_dma source(%dma_start3A_156 : memref<8192xf32, #tpu.memory_space<hbm>>) target(%arg8 : memref<8192xf32, #tpu.memory_space<vmem>>) target_semaphore(%arg15 : memref<!tpu.dma_semaphore, #tpu.memory_space<semaphore_mem>>)
    %parallel_loop3A_157 = arith.constant 0 : i32
    %parallel_loop3A_158 = arith.constant 512 : i32
    %parallel_loop3A_159 = arith.constant 1 : i32
    %parallel_loop3A_160 = scf.for %parallel_loop3A_254 = %parallel_loop3A_157 to %parallel_loop3A_158 step %parallel_loop3A_159 iter_args(%parallel_loop3A_255 = %parallel_loop3A_137) -> (vector<16xf32>)  : i32 {
      %parallel_loop3A_256 = arith.constant 16 : i32
      %parallel_loop3A_257 = arith.muli %parallel_loop3A_254, %parallel_loop3A_256 : i32
      %parallel_loop3A_258 = arith.index_cast %parallel_loop3A_257 : i32 to index
      %parallel_loop3A_259 = tpu.vector_load %arg9[%parallel_loop3A_258] {strides = array<i32>} : memref<8192xf32, #tpu.memory_space<vmem>>, vector<16xf32>,
      %parallel_loop3A_260 = arith.index_cast %parallel_loop3A_257 : i32 to index
      %parallel_loop3A_261 = tpu.vector_load %arg10[%parallel_loop3A_260] {strides = array<i32>} : memref<8192xf32, #tpu.memory_space<vmem>>, vector<16xf32>,
      %parallel_loop3A_262 = arith.constant 5.000000e-01 : f32
      %parallel_loop3A_263 = vector.broadcast %parallel_loop3A_262 : f32 to vector<16xf32>
      %parallel_loop3A_264 = arith.cmpf ogt, %parallel_loop3A_261, %parallel_loop3A_263 : vector<16xf32>
      %parallel_loop3A_265 = arith.constant 1.000000e+00 : f32
      %parallel_loop3A_266 = arith.constant -1.000000e+00 : f32
      %parallel_loop3A_267 = vector.broadcast %parallel_loop3A_265 : f32 to vector<16xf32>
      %parallel_loop3A_268 = vector.broadcast %parallel_loop3A_266 : f32 to vector<16xf32>
      %parallel_loop3A_269 = arith.select %parallel_loop3A_264, %parallel_loop3A_267, %parallel_loop3A_268 : vector<16xi1>, vector<16xf32>
      %parallel_loop3A_270 = arith.mulf %parallel_loop3A_259, %parallel_loop3A_269 : vector<16xf32>
      %parallel_loop3A_271 = arith.constant 1.000000e+00 : f32
      %parallel_loop3A_272 = vector.broadcast %parallel_loop3A_271 : f32 to vector<16xf32>
      %parallel_loop3A_273 = arith.subf %parallel_loop3A_272, %parallel_loop3A_270 : vector<16xf32>
      %parallel_loop3A_274 = arith.constant 0.000000e+00 : f32
      %parallel_loop3A_275 = vector.broadcast %parallel_loop3A_274 : f32 to vector<16xf32>
      %parallel_loop3A_276 = arith.maximumf %parallel_loop3A_273, %parallel_loop3A_275 : vector<16xf32>
      %parallel_loop3A_277 = tpu.bitcast %parallel_loop3A_276 : vector<16xf32> -> vector<16xi32>
      %parallel_loop3A_278 = arith.constant 20 : i32
      %parallel_loop3A_279 = vector.broadcast %parallel_loop3A_278 : i32 to vector<16xi32>
      %parallel_loop3A_280 = arith.shrui %parallel_loop3A_277, %parallel_loop3A_279 : vector<16xi32>
      %parallel_loop3A_281 = arith.constant 4096 : i32
      %parallel_loop3A_282 = arith.constant 0 : i32
      %parallel_loop3A_283 = vector.broadcast %parallel_loop3A_281 : i32 to vector<16xi32>
      %parallel_loop3A_284 = vector.broadcast %parallel_loop3A_282 : i32 to vector<16xi32>
      %parallel_loop3A_285 = arith.select %parallel_loop3A_264, %parallel_loop3A_283, %parallel_loop3A_284 : vector<16xi1>, vector<16xi32>
      %parallel_loop3A_286 = arith.addi %parallel_loop3A_280, %parallel_loop3A_285 : vector<16xi32>
      %parallel_loop3A_287 = arith.constant 16384 : i32
      %parallel_loop3A_288 = vector.broadcast %parallel_loop3A_287 : i32 to vector<16xi32>
      %parallel_loop3A_289 = arith.addi %parallel_loop3A_286, %parallel_loop3A_288 : vector<16xi32>
      %parallel_loop3A_290 = arith.constant 1.000000e+00 : f32
      %parallel_loop3A_291 = vector.broadcast %parallel_loop3A_290 : f32 to vector<16xf32>
      tpu.vector_store_idx %arg11[%parallel_loop3A_289], %parallel_loop3A_291 {add = true} : memref<32768xf32, #tpu.memory_space<vmem>>[vector<16xi32>], vector<16xf32>,
      tpu.vector_store_idx %arg12[%parallel_loop3A_289], %parallel_loop3A_276 {add = true} : memref<32768xf32, #tpu.memory_space<vmem>>[vector<16xi32>], vector<16xf32>,
      %parallel_loop3A_292 = arith.maximumf %parallel_loop3A_255, %parallel_loop3A_276 : vector<16xf32>
      scf.yield %parallel_loop3A_292 : vector<16xf32>
    } {sc.loop_unroll_factor = 8 : i64, sc.parallel_access}
    %swap3A_161 = arith.constant 32 : index
    %swap3A_162 = tpu.vector_load %arg13[%swap3A_161] {strides = array<i32>} : memref<64xf32, #tpu.memory_space<vmem>>, vector<16xf32>,
    tpu.vector_store %arg13[%swap3A_161], %parallel_loop3A_160 {strides = array<i32>} : memref<64xf32, #tpu.memory_space<vmem>>, vector<16xf32>,
    %dma_wait3A_163 = tpu.memref_slice %arg2[%add3A_152] : memref<2097152xf32, #tpu.memory_space<hbm>> -> memref<8192xf32, #tpu.memory_space<hbm>>
    %dma_wait3A_164 = tpu.memref_slice %arg2[%add3A_152] : memref<2097152xf32, #tpu.memory_space<hbm>> -> memref<8192xf32, #tpu.memory_space<hbm>>
    tpu.wait_dma2 semaphore(%arg14 : memref<!tpu.dma_semaphore, #tpu.memory_space<semaphore_mem>>) src(%dma_wait3A_164 : memref<8192xf32, #tpu.memory_space<hbm>>) dst(%arg7 : memref<8192xf32, #tpu.memory_space<vmem>>)
    %dma_wait3A_165 = tpu.memref_slice %arg3[%add3A_152] : memref<2097152xf32, #tpu.memory_space<hbm>> -> memref<8192xf32, #tpu.memory_space<hbm>>
    %dma_wait3A_166 = tpu.memref_slice %arg3[%add3A_152] : memref<2097152xf32, #tpu.memory_space<hbm>> -> memref<8192xf32, #tpu.memory_space<hbm>>
    tpu.wait_dma2 semaphore(%arg15 : memref<!tpu.dma_semaphore, #tpu.memory_space<semaphore_mem>>) src(%dma_wait3A_166 : memref<8192xf32, #tpu.memory_space<hbm>>) dst(%arg8 : memref<8192xf32, #tpu.memory_space<vmem>>)
    %mul3A_167 = arith.constant 4 : i32
    %mul3A_168 = arith.muli %arg0, %mul3A_167 : i32
    %add3A_169 = arith.constant 3 : i32
    %add3A_170 = arith.addi %mul3A_168, %add3A_169 : i32
    %mul3A_171 = arith.constant 262144 : i32
    %mul3A_172 = arith.muli %add3A_170, %mul3A_171 : i32
    %mul3A_173 = arith.constant 16384 : i32
    %mul3A_174 = arith.muli %arg1, %mul3A_173 : i32
    %add3A_175 = arith.addi %mul3A_172, %mul3A_174 : i32
    %add3A_176 = arith.constant 8192 : i32
    %add3A_177 = arith.addi %add3A_175, %add3A_176 : i32
    %dma_start3A_178 = tpu.memref_slice %arg2[%add3A_177] : memref<2097152xf32, #tpu.memory_space<hbm>> -> memref<8192xf32, #tpu.memory_space<hbm>>
    %dma_start3A_179 = tpu.memref_slice %arg2[%add3A_177] : memref<2097152xf32, #tpu.memory_space<hbm>> -> memref<8192xf32, #tpu.memory_space<hbm>>
    tpu.enqueue_dma source(%dma_start3A_179 : memref<8192xf32, #tpu.memory_space<hbm>>) target(%arg9 : memref<8192xf32, #tpu.memory_space<vmem>>) target_semaphore(%arg14 : memref<!tpu.dma_semaphore, #tpu.memory_space<semaphore_mem>>)
    %dma_start3A_180 = tpu.memref_slice %arg3[%add3A_177] : memref<2097152xf32, #tpu.memory_space<hbm>> -> memref<8192xf32, #tpu.memory_space<hbm>>
    %dma_start3A_181 = tpu.memref_slice %arg3[%add3A_177] : memref<2097152xf32, #tpu.memory_space<hbm>> -> memref<8192xf32, #tpu.memory_space<hbm>>
    tpu.enqueue_dma source(%dma_start3A_181 : memref<8192xf32, #tpu.memory_space<hbm>>) target(%arg10 : memref<8192xf32, #tpu.memory_space<vmem>>) target_semaphore(%arg15 : memref<!tpu.dma_semaphore, #tpu.memory_space<semaphore_mem>>)
    %broadcast_in_dim3A_182 = arith.constant 0.000000e+00 : f32
    %broadcast_in_dim3A_183 = vector.broadcast %broadcast_in_dim3A_182 : f32 to vector<16xf32>
    %parallel_loop3A_184 = arith.constant 0 : i32
    %parallel_loop3A_185 = arith.constant 512 : i32
    %parallel_loop3A_186 = arith.constant 1 : i32
    %parallel_loop3A_187 = scf.for %parallel_loop3A_254 = %parallel_loop3A_184 to %parallel_loop3A_185 step %parallel_loop3A_186 iter_args(%parallel_loop3A_255 = %broadcast_in_dim3A_183) -> (vector<16xf32>)  : i32 {
      %parallel_loop3A_256 = arith.constant 16 : i32
      %parallel_loop3A_257 = arith.muli %parallel_loop3A_254, %parallel_loop3A_256 : i32
      %parallel_loop3A_258 = arith.index_cast %parallel_loop3A_257 : i32 to index
      %parallel_loop3A_259 = tpu.vector_load %arg7[%parallel_loop3A_258] {strides = array<i32>} : memref<8192xf32, #tpu.memory_space<vmem>>, vector<16xf32>,
      %parallel_loop3A_260 = arith.index_cast %parallel_loop3A_257 : i32 to index
      %parallel_loop3A_261 = tpu.vector_load %arg8[%parallel_loop3A_260] {strides = array<i32>} : memref<8192xf32, #tpu.memory_space<vmem>>, vector<16xf32>,
      %parallel_loop3A_262 = arith.constant 5.000000e-01 : f32
      %parallel_loop3A_263 = vector.broadcast %parallel_loop3A_262 : f32 to vector<16xf32>
      %parallel_loop3A_264 = arith.cmpf ogt, %parallel_loop3A_261, %parallel_loop3A_263 : vector<16xf32>
      %parallel_loop3A_265 = arith.constant 1.000000e+00 : f32
      %parallel_loop3A_266 = arith.constant -1.000000e+00 : f32
      %parallel_loop3A_267 = vector.broadcast %parallel_loop3A_265 : f32 to vector<16xf32>
      %parallel_loop3A_268 = vector.broadcast %parallel_loop3A_266 : f32 to vector<16xf32>
      %parallel_loop3A_269 = arith.select %parallel_loop3A_264, %parallel_loop3A_267, %parallel_loop3A_268 : vector<16xi1>, vector<16xf32>
      %parallel_loop3A_270 = arith.mulf %parallel_loop3A_259, %parallel_loop3A_269 : vector<16xf32>
      %parallel_loop3A_271 = arith.constant 1.000000e+00 : f32
      %parallel_loop3A_272 = vector.broadcast %parallel_loop3A_271 : f32 to vector<16xf32>
      %parallel_loop3A_273 = arith.subf %parallel_loop3A_272, %parallel_loop3A_270 : vector<16xf32>
      %parallel_loop3A_274 = arith.constant 0.000000e+00 : f32
      %parallel_loop3A_275 = vector.broadcast %parallel_loop3A_274 : f32 to vector<16xf32>
      %parallel_loop3A_276 = arith.maximumf %parallel_loop3A_273, %parallel_loop3A_275 : vector<16xf32>
      %parallel_loop3A_277 = tpu.bitcast %parallel_loop3A_276 : vector<16xf32> -> vector<16xi32>
      %parallel_loop3A_278 = arith.constant 20 : i32
      %parallel_loop3A_279 = vector.broadcast %parallel_loop3A_278 : i32 to vector<16xi32>
      %parallel_loop3A_280 = arith.shrui %parallel_loop3A_277, %parallel_loop3A_279 : vector<16xi32>
      %parallel_loop3A_281 = arith.constant 4096 : i32
      %parallel_loop3A_282 = arith.constant 0 : i32
      %parallel_loop3A_283 = vector.broadcast %parallel_loop3A_281 : i32 to vector<16xi32>
      %parallel_loop3A_284 = vector.broadcast %parallel_loop3A_282 : i32 to vector<16xi32>
      %parallel_loop3A_285 = arith.select %parallel_loop3A_264, %parallel_loop3A_283, %parallel_loop3A_284 : vector<16xi1>, vector<16xi32>
      %parallel_loop3A_286 = arith.addi %parallel_loop3A_280, %parallel_loop3A_285 : vector<16xi32>
      %parallel_loop3A_287 = arith.constant 24576 : i32
      %parallel_loop3A_288 = vector.broadcast %parallel_loop3A_287 : i32 to vector<16xi32>
      %parallel_loop3A_289 = arith.addi %parallel_loop3A_286, %parallel_loop3A_288 : vector<16xi32>
      %parallel_loop3A_290 = arith.constant 1.000000e+00 : f32
      %parallel_loop3A_291 = vector.broadcast %parallel_loop3A_290 : f32 to vector<16xf32>
      tpu.vector_store_idx %arg11[%parallel_loop3A_289], %parallel_loop3A_291 {add = true} : memref<32768xf32, #tpu.memory_space<vmem>>[vector<16xi32>], vector<16xf32>,
      tpu.vector_store_idx %arg12[%parallel_loop3A_289], %parallel_loop3A_276 {add = true} : memref<32768xf32, #tpu.memory_space<vmem>>[vector<16xi32>], vector<16xf32>,
      %parallel_loop3A_292 = arith.maximumf %parallel_loop3A_255, %parallel_loop3A_276 : vector<16xf32>
      scf.yield %parallel_loop3A_292 : vector<16xf32>
    } {sc.loop_unroll_factor = 8 : i64, sc.parallel_access}
    %dma_wait3A_188 = tpu.memref_slice %arg2[%add3A_177] : memref<2097152xf32, #tpu.memory_space<hbm>> -> memref<8192xf32, #tpu.memory_space<hbm>>
    %dma_wait3A_189 = tpu.memref_slice %arg2[%add3A_177] : memref<2097152xf32, #tpu.memory_space<hbm>> -> memref<8192xf32, #tpu.memory_space<hbm>>
    tpu.wait_dma2 semaphore(%arg14 : memref<!tpu.dma_semaphore, #tpu.memory_space<semaphore_mem>>) src(%dma_wait3A_189 : memref<8192xf32, #tpu.memory_space<hbm>>) dst(%arg9 : memref<8192xf32, #tpu.memory_space<vmem>>)
    %dma_wait3A_190 = tpu.memref_slice %arg3[%add3A_177] : memref<2097152xf32, #tpu.memory_space<hbm>> -> memref<8192xf32, #tpu.memory_space<hbm>>
    %dma_wait3A_191 = tpu.memref_slice %arg3[%add3A_177] : memref<2097152xf32, #tpu.memory_space<hbm>> -> memref<8192xf32, #tpu.memory_space<hbm>>
    tpu.wait_dma2 semaphore(%arg15 : memref<!tpu.dma_semaphore, #tpu.memory_space<semaphore_mem>>) src(%dma_wait3A_191 : memref<8192xf32, #tpu.memory_space<hbm>>) dst(%arg10 : memref<8192xf32, #tpu.memory_space<vmem>>)
    %parallel_loop3A_192 = arith.constant 0 : i32
    %parallel_loop3A_193 = arith.constant 512 : i32
    %parallel_loop3A_194 = arith.constant 1 : i32
    %parallel_loop3A_195 = scf.for %parallel_loop3A_254 = %parallel_loop3A_192 to %parallel_loop3A_193 step %parallel_loop3A_194 iter_args(%parallel_loop3A_255 = %parallel_loop3A_187) -> (vector<16xf32>)  : i32 {
      %parallel_loop3A_256 = arith.constant 16 : i32
      %parallel_loop3A_257 = arith.muli %parallel_loop3A_254, %parallel_loop3A_256 : i32
      %parallel_loop3A_258 = arith.index_cast %parallel_loop3A_257 : i32 to index
      %parallel_loop3A_259 = tpu.vector_load %arg9[%parallel_loop3A_258] {strides = array<i32>} : memref<8192xf32, #tpu.memory_space<vmem>>, vector<16xf32>,
      %parallel_loop3A_260 = arith.index_cast %parallel_loop3A_257 : i32 to index
      %parallel_loop3A_261 = tpu.vector_load %arg10[%parallel_loop3A_260] {strides = array<i32>} : memref<8192xf32, #tpu.memory_space<vmem>>, vector<16xf32>,
      %parallel_loop3A_262 = arith.constant 5.000000e-01 : f32
      %parallel_loop3A_263 = vector.broadcast %parallel_loop3A_262 : f32 to vector<16xf32>
      %parallel_loop3A_264 = arith.cmpf ogt, %parallel_loop3A_261, %parallel_loop3A_263 : vector<16xf32>
      %parallel_loop3A_265 = arith.constant 1.000000e+00 : f32
      %parallel_loop3A_266 = arith.constant -1.000000e+00 : f32
      %parallel_loop3A_267 = vector.broadcast %parallel_loop3A_265 : f32 to vector<16xf32>
      %parallel_loop3A_268 = vector.broadcast %parallel_loop3A_266 : f32 to vector<16xf32>
      %parallel_loop3A_269 = arith.select %parallel_loop3A_264, %parallel_loop3A_267, %parallel_loop3A_268 : vector<16xi1>, vector<16xf32>
      %parallel_loop3A_270 = arith.mulf %parallel_loop3A_259, %parallel_loop3A_269 : vector<16xf32>
      %parallel_loop3A_271 = arith.constant 1.000000e+00 : f32
      %parallel_loop3A_272 = vector.broadcast %parallel_loop3A_271 : f32 to vector<16xf32>
      %parallel_loop3A_273 = arith.subf %parallel_loop3A_272, %parallel_loop3A_270 : vector<16xf32>
      %parallel_loop3A_274 = arith.constant 0.000000e+00 : f32
      %parallel_loop3A_275 = vector.broadcast %parallel_loop3A_274 : f32 to vector<16xf32>
      %parallel_loop3A_276 = arith.maximumf %parallel_loop3A_273, %parallel_loop3A_275 : vector<16xf32>
      %parallel_loop3A_277 = tpu.bitcast %parallel_loop3A_276 : vector<16xf32> -> vector<16xi32>
      %parallel_loop3A_278 = arith.constant 20 : i32
      %parallel_loop3A_279 = vector.broadcast %parallel_loop3A_278 : i32 to vector<16xi32>
      %parallel_loop3A_280 = arith.shrui %parallel_loop3A_277, %parallel_loop3A_279 : vector<16xi32>
      %parallel_loop3A_281 = arith.constant 4096 : i32
      %parallel_loop3A_282 = arith.constant 0 : i32
      %parallel_loop3A_283 = vector.broadcast %parallel_loop3A_281 : i32 to vector<16xi32>
      %parallel_loop3A_284 = vector.broadcast %parallel_loop3A_282 : i32 to vector<16xi32>
      %parallel_loop3A_285 = arith.select %parallel_loop3A_264, %parallel_loop3A_283, %parallel_loop3A_284 : vector<16xi1>, vector<16xi32>
      %parallel_loop3A_286 = arith.addi %parallel_loop3A_280, %parallel_loop3A_285 : vector<16xi32>
      %parallel_loop3A_287 = arith.constant 24576 : i32
      %parallel_loop3A_288 = vector.broadcast %parallel_loop3A_287 : i32 to vector<16xi32>
      %parallel_loop3A_289 = arith.addi %parallel_loop3A_286, %parallel_loop3A_288 : vector<16xi32>
      %parallel_loop3A_290 = arith.constant 1.000000e+00 : f32
      %parallel_loop3A_291 = vector.broadcast %parallel_loop3A_290 : f32 to vector<16xf32>
      tpu.vector_store_idx %arg11[%parallel_loop3A_289], %parallel_loop3A_291 {add = true} : memref<32768xf32, #tpu.memory_space<vmem>>[vector<16xi32>], vector<16xf32>,
      tpu.vector_store_idx %arg12[%parallel_loop3A_289], %parallel_loop3A_276 {add = true} : memref<32768xf32, #tpu.memory_space<vmem>>[vector<16xi32>], vector<16xf32>,
      %parallel_loop3A_292 = arith.maximumf %parallel_loop3A_255, %parallel_loop3A_276 : vector<16xf32>
      scf.yield %parallel_loop3A_292 : vector<16xf32>
    } {sc.loop_unroll_factor = 8 : i64, sc.parallel_access}
    %swap3A_196 = arith.constant 48 : index
    %swap3A_197 = tpu.vector_load %arg13[%swap3A_196] {strides = array<i32>} : memref<64xf32, #tpu.memory_space<vmem>>, vector<16xf32>,
    tpu.vector_store %arg13[%swap3A_196], %parallel_loop3A_195 {strides = array<i32>} : memref<64xf32, #tpu.memory_space<vmem>>, vector<16xf32>,
    %mul3A_198 = arith.constant 4 : i32
    %mul3A_199 = arith.muli %arg0, %mul3A_198 : i32
    %add3A_200 = arith.constant 0 : i32
    %add3A_201 = arith.addi %mul3A_199, %add3A_200 : i32
    %mul3A_202 = arith.constant 16 : i32
    %mul3A_203 = arith.muli %add3A_201, %mul3A_202 : i32
    %add3A_204 = arith.addi %mul3A_203, %arg1 : i32
    %mul3A_205 = arith.constant 8192 : i32
    %mul3A_206 = arith.muli %add3A_204, %mul3A_205 : i32
    "tpu.region"() ({
      %run_scoped3A = tpu.sem_alloc : memref<!tpu.dma_semaphore, #tpu.memory_space<semaphore_mem>>
      %dma_start3A_254 = arith.constant 0 : i32
      %dma_start3A_255 = tpu.memref_slice %arg11[%dma_start3A_254] : memref<32768xf32, #tpu.memory_space<vmem>> -> memref<8192xf32, #tpu.memory_space<vmem>>
      %dma_start3A_256 = tpu.memref_slice %arg4[%mul3A_206] : memref<1048576xf32, #tpu.memory_space<hbm>> -> memref<8192xf32, #tpu.memory_space<hbm>>
      %dma_start3A_257 = tpu.memref_slice %arg4[%mul3A_206] : memref<1048576xf32, #tpu.memory_space<hbm>> -> memref<8192xf32, #tpu.memory_space<hbm>>
      %dma_start3A_258 = arith.constant 0 : i32
      %dma_start3A_259 = tpu.memref_slice %arg11[%dma_start3A_258] : memref<32768xf32, #tpu.memory_space<vmem>> -> memref<8192xf32, #tpu.memory_space<vmem>>
      tpu.enqueue_dma source(%dma_start3A_259 : memref<8192xf32, #tpu.memory_space<vmem>>) target(%dma_start3A_257 : memref<8192xf32, #tpu.memory_space<hbm>>) target_semaphore(%run_scoped3A : memref<!tpu.dma_semaphore, #tpu.memory_space<semaphore_mem>>)
      %dma_wait3A_260 = arith.constant 0 : i32
      %dma_wait3A_261 = tpu.memref_slice %arg11[%dma_wait3A_260] : memref<32768xf32, #tpu.memory_space<vmem>> -> memref<8192xf32, #tpu.memory_space<vmem>>
      %dma_wait3A_262 = tpu.memref_slice %arg4[%mul3A_206] : memref<1048576xf32, #tpu.memory_space<hbm>> -> memref<8192xf32, #tpu.memory_space<hbm>>
      %dma_wait3A_263 = tpu.memref_slice %arg4[%mul3A_206] : memref<1048576xf32, #tpu.memory_space<hbm>> -> memref<8192xf32, #tpu.memory_space<hbm>>
      %dma_wait3A_264 = arith.constant 0 : i32
      %dma_wait3A_265 = tpu.memref_slice %arg11[%dma_wait3A_264] : memref<32768xf32, #tpu.memory_space<vmem>> -> memref<8192xf32, #tpu.memory_space<vmem>>
      tpu.wait_dma2 semaphore(%run_scoped3A : memref<!tpu.dma_semaphore, #tpu.memory_space<semaphore_mem>>) src(%dma_wait3A_265 : memref<8192xf32, #tpu.memory_space<vmem>>) dst(%dma_wait3A_263 : memref<8192xf32, #tpu.memory_space<hbm>>)
      tpu.yield
    }) : () -> ()
    "tpu.region"() ({
      %run_scoped3A = tpu.sem_alloc : memref<!tpu.dma_semaphore, #tpu.memory_space<semaphore_mem>>
      %dma_start3A_254 = arith.constant 0 : i32
      %dma_start3A_255 = tpu.memref_slice %arg12[%dma_start3A_254] : memref<32768xf32, #tpu.memory_space<vmem>> -> memref<8192xf32, #tpu.memory_space<vmem>>
      %dma_start3A_256 = tpu.memref_slice %arg5[%mul3A_206] : memref<1048576xf32, #tpu.memory_space<hbm>> -> memref<8192xf32, #tpu.memory_space<hbm>>
      %dma_start3A_257 = tpu.memref_slice %arg5[%mul3A_206] : memref<1048576xf32, #tpu.memory_space<hbm>> -> memref<8192xf32, #tpu.memory_space<hbm>>
      %dma_start3A_258 = arith.constant 0 : i32
      %dma_start3A_259 = tpu.memref_slice %arg12[%dma_start3A_258] : memref<32768xf32, #tpu.memory_space<vmem>> -> memref<8192xf32, #tpu.memory_space<vmem>>
      tpu.enqueue_dma source(%dma_start3A_259 : memref<8192xf32, #tpu.memory_space<vmem>>) target(%dma_start3A_257 : memref<8192xf32, #tpu.memory_space<hbm>>) target_semaphore(%run_scoped3A : memref<!tpu.dma_semaphore, #tpu.memory_space<semaphore_mem>>)
      %dma_wait3A_260 = arith.constant 0 : i32
      %dma_wait3A_261 = tpu.memref_slice %arg12[%dma_wait3A_260] : memref<32768xf32, #tpu.memory_space<vmem>> -> memref<8192xf32, #tpu.memory_space<vmem>>
      %dma_wait3A_262 = tpu.memref_slice %arg5[%mul3A_206] : memref<1048576xf32, #tpu.memory_space<hbm>> -> memref<8192xf32, #tpu.memory_space<hbm>>
      %dma_wait3A_263 = tpu.memref_slice %arg5[%mul3A_206] : memref<1048576xf32, #tpu.memory_space<hbm>> -> memref<8192xf32, #tpu.memory_space<hbm>>
      %dma_wait3A_264 = arith.constant 0 : i32
      %dma_wait3A_265 = tpu.memref_slice %arg12[%dma_wait3A_264] : memref<32768xf32, #tpu.memory_space<vmem>> -> memref<8192xf32, #tpu.memory_space<vmem>>
      tpu.wait_dma2 semaphore(%run_scoped3A : memref<!tpu.dma_semaphore, #tpu.memory_space<semaphore_mem>>) src(%dma_wait3A_265 : memref<8192xf32, #tpu.memory_space<vmem>>) dst(%dma_wait3A_263 : memref<8192xf32, #tpu.memory_space<hbm>>)
      tpu.yield
    }) : () -> ()
    %mul3A_207 = arith.constant 16 : i32
    %mul3A_208 = arith.muli %add3A_201, %mul3A_207 : i32
    %add3A_209 = arith.addi %mul3A_208, %arg1 : i32
    %mul3A_210 = arith.constant 16 : i32
    %mul3A_211 = arith.muli %add3A_209, %mul3A_210 : i32
    "tpu.region"() ({
      %run_scoped3A = tpu.sem_alloc : memref<!tpu.dma_semaphore, #tpu.memory_space<semaphore_mem>>
      %dma_start3A_254 = arith.constant 0 : i32
      %dma_start3A_255 = tpu.memref_slice %arg13[%dma_start3A_254] : memref<64xf32, #tpu.memory_space<vmem>> -> memref<16xf32, #tpu.memory_space<vmem>>
      %dma_start3A_256 = tpu.memref_slice %arg6[%mul3A_211] : memref<2048xf32, #tpu.memory_space<hbm>> -> memref<16xf32, #tpu.memory_space<hbm>>
      %dma_start3A_257 = tpu.memref_slice %arg6[%mul3A_211] : memref<2048xf32, #tpu.memory_space<hbm>> -> memref<16xf32, #tpu.memory_space<hbm>>
      %dma_start3A_258 = arith.constant 0 : i32
      %dma_start3A_259 = tpu.memref_slice %arg13[%dma_start3A_258] : memref<64xf32, #tpu.memory_space<vmem>> -> memref<16xf32, #tpu.memory_space<vmem>>
      tpu.enqueue_dma source(%dma_start3A_259 : memref<16xf32, #tpu.memory_space<vmem>>) target(%dma_start3A_257 : memref<16xf32, #tpu.memory_space<hbm>>) target_semaphore(%run_scoped3A : memref<!tpu.dma_semaphore, #tpu.memory_space<semaphore_mem>>)
      %dma_wait3A_260 = arith.constant 0 : i32
      %dma_wait3A_261 = tpu.memref_slice %arg13[%dma_wait3A_260] : memref<64xf32, #tpu.memory_space<vmem>> -> memref<16xf32, #tpu.memory_space<vmem>>
      %dma_wait3A_262 = tpu.memref_slice %arg6[%mul3A_211] : memref<2048xf32, #tpu.memory_space<hbm>> -> memref<16xf32, #tpu.memory_space<hbm>>
      %dma_wait3A_263 = tpu.memref_slice %arg6[%mul3A_211] : memref<2048xf32, #tpu.memory_space<hbm>> -> memref<16xf32, #tpu.memory_space<hbm>>
      %dma_wait3A_264 = arith.constant 0 : i32
      %dma_wait3A_265 = tpu.memref_slice %arg13[%dma_wait3A_264] : memref<64xf32, #tpu.memory_space<vmem>> -> memref<16xf32, #tpu.memory_space<vmem>>
      tpu.wait_dma2 semaphore(%run_scoped3A : memref<!tpu.dma_semaphore, #tpu.memory_space<semaphore_mem>>) src(%dma_wait3A_265 : memref<16xf32, #tpu.memory_space<vmem>>) dst(%dma_wait3A_263 : memref<16xf32, #tpu.memory_space<hbm>>)
      tpu.yield
    }) : () -> ()
    %mul3A_212 = arith.constant 4 : i32
    %mul3A_213 = arith.muli %arg0, %mul3A_212 : i32
    %add3A_214 = arith.constant 1 : i32
    %add3A_215 = arith.addi %mul3A_213, %add3A_214 : i32
    %mul3A_216 = arith.constant 16 : i32
    %mul3A_217 = arith.muli %add3A_215, %mul3A_216 : i32
    %add3A_218 = arith.addi %mul3A_217, %arg1 : i32
    %mul3A_219 = arith.constant 8192 : i32
    %mul3A_220 = arith.muli %add3A_218, %mul3A_219 : i32
    "tpu.region"() ({
      %run_scoped3A = tpu.sem_alloc : memref<!tpu.dma_semaphore, #tpu.memory_space<semaphore_mem>>
      %dma_start3A_254 = arith.constant 8192 : i32
      %dma_start3A_255 = tpu.memref_slice %arg11[%dma_start3A_254] : memref<32768xf32, #tpu.memory_space<vmem>> -> memref<8192xf32, #tpu.memory_space<vmem>>
      %dma_start3A_256 = tpu.memref_slice %arg4[%mul3A_220] : memref<1048576xf32, #tpu.memory_space<hbm>> -> memref<8192xf32, #tpu.memory_space<hbm>>
      %dma_start3A_257 = tpu.memref_slice %arg4[%mul3A_220] : memref<1048576xf32, #tpu.memory_space<hbm>> -> memref<8192xf32, #tpu.memory_space<hbm>>
      %dma_start3A_258 = arith.constant 8192 : i32
      %dma_start3A_259 = tpu.memref_slice %arg11[%dma_start3A_258] : memref<32768xf32, #tpu.memory_space<vmem>> -> memref<8192xf32, #tpu.memory_space<vmem>>
      tpu.enqueue_dma source(%dma_start3A_259 : memref<8192xf32, #tpu.memory_space<vmem>>) target(%dma_start3A_257 : memref<8192xf32, #tpu.memory_space<hbm>>) target_semaphore(%run_scoped3A : memref<!tpu.dma_semaphore, #tpu.memory_space<semaphore_mem>>)
      %dma_wait3A_260 = arith.constant 8192 : i32
      %dma_wait3A_261 = tpu.memref_slice %arg11[%dma_wait3A_260] : memref<32768xf32, #tpu.memory_space<vmem>> -> memref<8192xf32, #tpu.memory_space<vmem>>
      %dma_wait3A_262 = tpu.memref_slice %arg4[%mul3A_220] : memref<1048576xf32, #tpu.memory_space<hbm>> -> memref<8192xf32, #tpu.memory_space<hbm>>
      %dma_wait3A_263 = tpu.memref_slice %arg4[%mul3A_220] : memref<1048576xf32, #tpu.memory_space<hbm>> -> memref<8192xf32, #tpu.memory_space<hbm>>
      %dma_wait3A_264 = arith.constant 8192 : i32
      %dma_wait3A_265 = tpu.memref_slice %arg11[%dma_wait3A_264] : memref<32768xf32, #tpu.memory_space<vmem>> -> memref<8192xf32, #tpu.memory_space<vmem>>
      tpu.wait_dma2 semaphore(%run_scoped3A : memref<!tpu.dma_semaphore, #tpu.memory_space<semaphore_mem>>) src(%dma_wait3A_265 : memref<8192xf32, #tpu.memory_space<vmem>>) dst(%dma_wait3A_263 : memref<8192xf32, #tpu.memory_space<hbm>>)
      tpu.yield
    }) : () -> ()
    "tpu.region"() ({
      %run_scoped3A = tpu.sem_alloc : memref<!tpu.dma_semaphore, #tpu.memory_space<semaphore_mem>>
      %dma_start3A_254 = arith.constant 8192 : i32
      %dma_start3A_255 = tpu.memref_slice %arg12[%dma_start3A_254] : memref<32768xf32, #tpu.memory_space<vmem>> -> memref<8192xf32, #tpu.memory_space<vmem>>
      %dma_start3A_256 = tpu.memref_slice %arg5[%mul3A_220] : memref<1048576xf32, #tpu.memory_space<hbm>> -> memref<8192xf32, #tpu.memory_space<hbm>>
      %dma_start3A_257 = tpu.memref_slice %arg5[%mul3A_220] : memref<1048576xf32, #tpu.memory_space<hbm>> -> memref<8192xf32, #tpu.memory_space<hbm>>
      %dma_start3A_258 = arith.constant 8192 : i32
      %dma_start3A_259 = tpu.memref_slice %arg12[%dma_start3A_258] : memref<32768xf32, #tpu.memory_space<vmem>> -> memref<8192xf32, #tpu.memory_space<vmem>>
      tpu.enqueue_dma source(%dma_start3A_259 : memref<8192xf32, #tpu.memory_space<vmem>>) target(%dma_start3A_257 : memref<8192xf32, #tpu.memory_space<hbm>>) target_semaphore(%run_scoped3A : memref<!tpu.dma_semaphore, #tpu.memory_space<semaphore_mem>>)
      %dma_wait3A_260 = arith.constant 8192 : i32
      %dma_wait3A_261 = tpu.memref_slice %arg12[%dma_wait3A_260] : memref<32768xf32, #tpu.memory_space<vmem>> -> memref<8192xf32, #tpu.memory_space<vmem>>
      %dma_wait3A_262 = tpu.memref_slice %arg5[%mul3A_220] : memref<1048576xf32, #tpu.memory_space<hbm>> -> memref<8192xf32, #tpu.memory_space<hbm>>
      %dma_wait3A_263 = tpu.memref_slice %arg5[%mul3A_220] : memref<1048576xf32, #tpu.memory_space<hbm>> -> memref<8192xf32, #tpu.memory_space<hbm>>
      %dma_wait3A_264 = arith.constant 8192 : i32
      %dma_wait3A_265 = tpu.memref_slice %arg12[%dma_wait3A_264] : memref<32768xf32, #tpu.memory_space<vmem>> -> memref<8192xf32, #tpu.memory_space<vmem>>
      tpu.wait_dma2 semaphore(%run_scoped3A : memref<!tpu.dma_semaphore, #tpu.memory_space<semaphore_mem>>) src(%dma_wait3A_265 : memref<8192xf32, #tpu.memory_space<vmem>>) dst(%dma_wait3A_263 : memref<8192xf32, #tpu.memory_space<hbm>>)
      tpu.yield
    }) : () -> ()
    %mul3A_221 = arith.constant 16 : i32
    %mul3A_222 = arith.muli %add3A_215, %mul3A_221 : i32
    %add3A_223 = arith.addi %mul3A_222, %arg1 : i32
    %mul3A_224 = arith.constant 16 : i32
    %mul3A_225 = arith.muli %add3A_223, %mul3A_224 : i32
    "tpu.region"() ({
      %run_scoped3A = tpu.sem_alloc : memref<!tpu.dma_semaphore, #tpu.memory_space<semaphore_mem>>
      %dma_start3A_254 = arith.constant 16 : i32
      %dma_start3A_255 = tpu.memref_slice %arg13[%dma_start3A_254] : memref<64xf32, #tpu.memory_space<vmem>> -> memref<16xf32, #tpu.memory_space<vmem>>
      %dma_start3A_256 = tpu.memref_slice %arg6[%mul3A_225] : memref<2048xf32, #tpu.memory_space<hbm>> -> memref<16xf32, #tpu.memory_space<hbm>>
      %dma_start3A_257 = tpu.memref_slice %arg6[%mul3A_225] : memref<2048xf32, #tpu.memory_space<hbm>> -> memref<16xf32, #tpu.memory_space<hbm>>
      %dma_start3A_258 = arith.constant 16 : i32
      %dma_start3A_259 = tpu.memref_slice %arg13[%dma_start3A_258] : memref<64xf32, #tpu.memory_space<vmem>> -> memref<16xf32, #tpu.memory_space<vmem>>
      tpu.enqueue_dma source(%dma_start3A_259 : memref<16xf32, #tpu.memory_space<vmem>>) target(%dma_start3A_257 : memref<16xf32, #tpu.memory_space<hbm>>) target_semaphore(%run_scoped3A : memref<!tpu.dma_semaphore, #tpu.memory_space<semaphore_mem>>)
      %dma_wait3A_260 = arith.constant 16 : i32
      %dma_wait3A_261 = tpu.memref_slice %arg13[%dma_wait3A_260] : memref<64xf32, #tpu.memory_space<vmem>> -> memref<16xf32, #tpu.memory_space<vmem>>
      %dma_wait3A_262 = tpu.memref_slice %arg6[%mul3A_225] : memref<2048xf32, #tpu.memory_space<hbm>> -> memref<16xf32, #tpu.memory_space<hbm>>
      %dma_wait3A_263 = tpu.memref_slice %arg6[%mul3A_225] : memref<2048xf32, #tpu.memory_space<hbm>> -> memref<16xf32, #tpu.memory_space<hbm>>
      %dma_wait3A_264 = arith.constant 16 : i32
      %dma_wait3A_265 = tpu.memref_slice %arg13[%dma_wait3A_264] : memref<64xf32, #tpu.memory_space<vmem>> -> memref<16xf32, #tpu.memory_space<vmem>>
      tpu.wait_dma2 semaphore(%run_scoped3A : memref<!tpu.dma_semaphore, #tpu.memory_space<semaphore_mem>>) src(%dma_wait3A_265 : memref<16xf32, #tpu.memory_space<vmem>>) dst(%dma_wait3A_263 : memref<16xf32, #tpu.memory_space<hbm>>)
      tpu.yield
    }) : () -> ()
    %mul3A_226 = arith.constant 4 : i32
    %mul3A_227 = arith.muli %arg0, %mul3A_226 : i32
    %add3A_228 = arith.constant 2 : i32
    %add3A_229 = arith.addi %mul3A_227, %add3A_228 : i32
    %mul3A_230 = arith.constant 16 : i32
    %mul3A_231 = arith.muli %add3A_229, %mul3A_230 : i32
    %add3A_232 = arith.addi %mul3A_231, %arg1 : i32
    %mul3A_233 = arith.constant 8192 : i32
    %mul3A_234 = arith.muli %add3A_232, %mul3A_233 : i32
    "tpu.region"() ({
      %run_scoped3A = tpu.sem_alloc : memref<!tpu.dma_semaphore, #tpu.memory_space<semaphore_mem>>
      %dma_start3A_254 = arith.constant 16384 : i32
      %dma_start3A_255 = tpu.memref_slice %arg11[%dma_start3A_254] : memref<32768xf32, #tpu.memory_space<vmem>> -> memref<8192xf32, #tpu.memory_space<vmem>>
      %dma_start3A_256 = tpu.memref_slice %arg4[%mul3A_234] : memref<1048576xf32, #tpu.memory_space<hbm>> -> memref<8192xf32, #tpu.memory_space<hbm>>
      %dma_start3A_257 = tpu.memref_slice %arg4[%mul3A_234] : memref<1048576xf32, #tpu.memory_space<hbm>> -> memref<8192xf32, #tpu.memory_space<hbm>>
      %dma_start3A_258 = arith.constant 16384 : i32
      %dma_start3A_259 = tpu.memref_slice %arg11[%dma_start3A_258] : memref<32768xf32, #tpu.memory_space<vmem>> -> memref<8192xf32, #tpu.memory_space<vmem>>
      tpu.enqueue_dma source(%dma_start3A_259 : memref<8192xf32, #tpu.memory_space<vmem>>) target(%dma_start3A_257 : memref<8192xf32, #tpu.memory_space<hbm>>) target_semaphore(%run_scoped3A : memref<!tpu.dma_semaphore, #tpu.memory_space<semaphore_mem>>)
      %dma_wait3A_260 = arith.constant 16384 : i32
      %dma_wait3A_261 = tpu.memref_slice %arg11[%dma_wait3A_260] : memref<32768xf32, #tpu.memory_space<vmem>> -> memref<8192xf32, #tpu.memory_space<vmem>>
      %dma_wait3A_262 = tpu.memref_slice %arg4[%mul3A_234] : memref<1048576xf32, #tpu.memory_space<hbm>> -> memref<8192xf32, #tpu.memory_space<hbm>>
      %dma_wait3A_263 = tpu.memref_slice %arg4[%mul3A_234] : memref<1048576xf32, #tpu.memory_space<hbm>> -> memref<8192xf32, #tpu.memory_space<hbm>>
      %dma_wait3A_264 = arith.constant 16384 : i32
      %dma_wait3A_265 = tpu.memref_slice %arg11[%dma_wait3A_264] : memref<32768xf32, #tpu.memory_space<vmem>> -> memref<8192xf32, #tpu.memory_space<vmem>>
      tpu.wait_dma2 semaphore(%run_scoped3A : memref<!tpu.dma_semaphore, #tpu.memory_space<semaphore_mem>>) src(%dma_wait3A_265 : memref<8192xf32, #tpu.memory_space<vmem>>) dst(%dma_wait3A_263 : memref<8192xf32, #tpu.memory_space<hbm>>)
      tpu.yield
    }) : () -> ()
    "tpu.region"() ({
      %run_scoped3A = tpu.sem_alloc : memref<!tpu.dma_semaphore, #tpu.memory_space<semaphore_mem>>
      %dma_start3A_254 = arith.constant 16384 : i32
      %dma_start3A_255 = tpu.memref_slice %arg12[%dma_start3A_254] : memref<32768xf32, #tpu.memory_space<vmem>> -> memref<8192xf32, #tpu.memory_space<vmem>>
      %dma_start3A_256 = tpu.memref_slice %arg5[%mul3A_234] : memref<1048576xf32, #tpu.memory_space<hbm>> -> memref<8192xf32, #tpu.memory_space<hbm>>
      %dma_start3A_257 = tpu.memref_slice %arg5[%mul3A_234] : memref<1048576xf32, #tpu.memory_space<hbm>> -> memref<8192xf32, #tpu.memory_space<hbm>>
      %dma_start3A_258 = arith.constant 16384 : i32
      %dma_start3A_259 = tpu.memref_slice %arg12[%dma_start3A_258] : memref<32768xf32, #tpu.memory_space<vmem>> -> memref<8192xf32, #tpu.memory_space<vmem>>
      tpu.enqueue_dma source(%dma_start3A_259 : memref<8192xf32, #tpu.memory_space<vmem>>) target(%dma_start3A_257 : memref<8192xf32, #tpu.memory_space<hbm>>) target_semaphore(%run_scoped3A : memref<!tpu.dma_semaphore, #tpu.memory_space<semaphore_mem>>)
      %dma_wait3A_260 = arith.constant 16384 : i32
      %dma_wait3A_261 = tpu.memref_slice %arg12[%dma_wait3A_260] : memref<32768xf32, #tpu.memory_space<vmem>> -> memref<8192xf32, #tpu.memory_space<vmem>>
      %dma_wait3A_262 = tpu.memref_slice %arg5[%mul3A_234] : memref<1048576xf32, #tpu.memory_space<hbm>> -> memref<8192xf32, #tpu.memory_space<hbm>>
      %dma_wait3A_263 = tpu.memref_slice %arg5[%mul3A_234] : memref<1048576xf32, #tpu.memory_space<hbm>> -> memref<8192xf32, #tpu.memory_space<hbm>>
      %dma_wait3A_264 = arith.constant 16384 : i32
      %dma_wait3A_265 = tpu.memref_slice %arg12[%dma_wait3A_264] : memref<32768xf32, #tpu.memory_space<vmem>> -> memref<8192xf32, #tpu.memory_space<vmem>>
      tpu.wait_dma2 semaphore(%run_scoped3A : memref<!tpu.dma_semaphore, #tpu.memory_space<semaphore_mem>>) src(%dma_wait3A_265 : memref<8192xf32, #tpu.memory_space<vmem>>) dst(%dma_wait3A_263 : memref<8192xf32, #tpu.memory_space<hbm>>)
      tpu.yield
    }) : () -> ()
    %mul3A_235 = arith.constant 16 : i32
    %mul3A_236 = arith.muli %add3A_229, %mul3A_235 : i32
    %add3A_237 = arith.addi %mul3A_236, %arg1 : i32
    %mul3A_238 = arith.constant 16 : i32
    %mul3A_239 = arith.muli %add3A_237, %mul3A_238 : i32
    "tpu.region"() ({
      %run_scoped3A = tpu.sem_alloc : memref<!tpu.dma_semaphore, #tpu.memory_space<semaphore_mem>>
      %dma_start3A_254 = arith.constant 32 : i32
      %dma_start3A_255 = tpu.memref_slice %arg13[%dma_start3A_254] : memref<64xf32, #tpu.memory_space<vmem>> -> memref<16xf32, #tpu.memory_space<vmem>>
      %dma_start3A_256 = tpu.memref_slice %arg6[%mul3A_239] : memref<2048xf32, #tpu.memory_space<hbm>> -> memref<16xf32, #tpu.memory_space<hbm>>
      %dma_start3A_257 = tpu.memref_slice %arg6[%mul3A_239] : memref<2048xf32, #tpu.memory_space<hbm>> -> memref<16xf32, #tpu.memory_space<hbm>>
      %dma_start3A_258 = arith.constant 32 : i32
      %dma_start3A_259 = tpu.memref_slice %arg13[%dma_start3A_258] : memref<64xf32, #tpu.memory_space<vmem>> -> memref<16xf32, #tpu.memory_space<vmem>>
      tpu.enqueue_dma source(%dma_start3A_259 : memref<16xf32, #tpu.memory_space<vmem>>) target(%dma_start3A_257 : memref<16xf32, #tpu.memory_space<hbm>>) target_semaphore(%run_scoped3A : memref<!tpu.dma_semaphore, #tpu.memory_space<semaphore_mem>>)
      %dma_wait3A_260 = arith.constant 32 : i32
      %dma_wait3A_261 = tpu.memref_slice %arg13[%dma_wait3A_260] : memref<64xf32, #tpu.memory_space<vmem>> -> memref<16xf32, #tpu.memory_space<vmem>>
      %dma_wait3A_262 = tpu.memref_slice %arg6[%mul3A_239] : memref<2048xf32, #tpu.memory_space<hbm>> -> memref<16xf32, #tpu.memory_space<hbm>>
      %dma_wait3A_263 = tpu.memref_slice %arg6[%mul3A_239] : memref<2048xf32, #tpu.memory_space<hbm>> -> memref<16xf32, #tpu.memory_space<hbm>>
      %dma_wait3A_264 = arith.constant 32 : i32
      %dma_wait3A_265 = tpu.memref_slice %arg13[%dma_wait3A_264] : memref<64xf32, #tpu.memory_space<vmem>> -> memref<16xf32, #tpu.memory_space<vmem>>
      tpu.wait_dma2 semaphore(%run_scoped3A : memref<!tpu.dma_semaphore, #tpu.memory_space<semaphore_mem>>) src(%dma_wait3A_265 : memref<16xf32, #tpu.memory_space<vmem>>) dst(%dma_wait3A_263 : memref<16xf32, #tpu.memory_space<hbm>>)
      tpu.yield
    }) : () -> ()
    %mul3A_240 = arith.constant 4 : i32
    %mul3A_241 = arith.muli %arg0, %mul3A_240 : i32
    %add3A_242 = arith.constant 3 : i32
    %add3A_243 = arith.addi %mul3A_241, %add3A_242 : i32
    %mul3A_244 = arith.constant 16 : i32
    %mul3A_245 = arith.muli %add3A_243, %mul3A_244 : i32
    %add3A_246 = arith.addi %mul3A_245, %arg1 : i32
    %mul3A_247 = arith.constant 8192 : i32
    %mul3A_248 = arith.muli %add3A_246, %mul3A_247 : i32
    "tpu.region"() ({
      %run_scoped3A = tpu.sem_alloc : memref<!tpu.dma_semaphore, #tpu.memory_space<semaphore_mem>>
      %dma_start3A_254 = arith.constant 24576 : i32
      %dma_start3A_255 = tpu.memref_slice %arg11[%dma_start3A_254] : memref<32768xf32, #tpu.memory_space<vmem>> -> memref<8192xf32, #tpu.memory_space<vmem>>
      %dma_start3A_256 = tpu.memref_slice %arg4[%mul3A_248] : memref<1048576xf32, #tpu.memory_space<hbm>> -> memref<8192xf32, #tpu.memory_space<hbm>>
      %dma_start3A_257 = tpu.memref_slice %arg4[%mul3A_248] : memref<1048576xf32, #tpu.memory_space<hbm>> -> memref<8192xf32, #tpu.memory_space<hbm>>
      %dma_start3A_258 = arith.constant 24576 : i32
      %dma_start3A_259 = tpu.memref_slice %arg11[%dma_start3A_258] : memref<32768xf32, #tpu.memory_space<vmem>> -> memref<8192xf32, #tpu.memory_space<vmem>>
      tpu.enqueue_dma source(%dma_start3A_259 : memref<8192xf32, #tpu.memory_space<vmem>>) target(%dma_start3A_257 : memref<8192xf32, #tpu.memory_space<hbm>>) target_semaphore(%run_scoped3A : memref<!tpu.dma_semaphore, #tpu.memory_space<semaphore_mem>>)
      %dma_wait3A_260 = arith.constant 24576 : i32
      %dma_wait3A_261 = tpu.memref_slice %arg11[%dma_wait3A_260] : memref<32768xf32, #tpu.memory_space<vmem>> -> memref<8192xf32, #tpu.memory_space<vmem>>
      %dma_wait3A_262 = tpu.memref_slice %arg4[%mul3A_248] : memref<1048576xf32, #tpu.memory_space<hbm>> -> memref<8192xf32, #tpu.memory_space<hbm>>
      %dma_wait3A_263 = tpu.memref_slice %arg4[%mul3A_248] : memref<1048576xf32, #tpu.memory_space<hbm>> -> memref<8192xf32, #tpu.memory_space<hbm>>
      %dma_wait3A_264 = arith.constant 24576 : i32
      %dma_wait3A_265 = tpu.memref_slice %arg11[%dma_wait3A_264] : memref<32768xf32, #tpu.memory_space<vmem>> -> memref<8192xf32, #tpu.memory_space<vmem>>
      tpu.wait_dma2 semaphore(%run_scoped3A : memref<!tpu.dma_semaphore, #tpu.memory_space<semaphore_mem>>) src(%dma_wait3A_265 : memref<8192xf32, #tpu.memory_space<vmem>>) dst(%dma_wait3A_263 : memref<8192xf32, #tpu.memory_space<hbm>>)
      tpu.yield
    }) : () -> ()
    "tpu.region"() ({
      %run_scoped3A = tpu.sem_alloc : memref<!tpu.dma_semaphore, #tpu.memory_space<semaphore_mem>>
      %dma_start3A_254 = arith.constant 24576 : i32
      %dma_start3A_255 = tpu.memref_slice %arg12[%dma_start3A_254] : memref<32768xf32, #tpu.memory_space<vmem>> -> memref<8192xf32, #tpu.memory_space<vmem>>
      %dma_start3A_256 = tpu.memref_slice %arg5[%mul3A_248] : memref<1048576xf32, #tpu.memory_space<hbm>> -> memref<8192xf32, #tpu.memory_space<hbm>>
      %dma_start3A_257 = tpu.memref_slice %arg5[%mul3A_248] : memref<1048576xf32, #tpu.memory_space<hbm>> -> memref<8192xf32, #tpu.memory_space<hbm>>
      %dma_start3A_258 = arith.constant 24576 : i32
      %dma_start3A_259 = tpu.memref_slice %arg12[%dma_start3A_258] : memref<32768xf32, #tpu.memory_space<vmem>> -> memref<8192xf32, #tpu.memory_space<vmem>>
      tpu.enqueue_dma source(%dma_start3A_259 : memref<8192xf32, #tpu.memory_space<vmem>>) target(%dma_start3A_257 : memref<8192xf32, #tpu.memory_space<hbm>>) target_semaphore(%run_scoped3A : memref<!tpu.dma_semaphore, #tpu.memory_space<semaphore_mem>>)
      %dma_wait3A_260 = arith.constant 24576 : i32
      %dma_wait3A_261 = tpu.memref_slice %arg12[%dma_wait3A_260] : memref<32768xf32, #tpu.memory_space<vmem>> -> memref<8192xf32, #tpu.memory_space<vmem>>
      %dma_wait3A_262 = tpu.memref_slice %arg5[%mul3A_248] : memref<1048576xf32, #tpu.memory_space<hbm>> -> memref<8192xf32, #tpu.memory_space<hbm>>
      %dma_wait3A_263 = tpu.memref_slice %arg5[%mul3A_248] : memref<1048576xf32, #tpu.memory_space<hbm>> -> memref<8192xf32, #tpu.memory_space<hbm>>
      %dma_wait3A_264 = arith.constant 24576 : i32
      %dma_wait3A_265 = tpu.memref_slice %arg12[%dma_wait3A_264] : memref<32768xf32, #tpu.memory_space<vmem>> -> memref<8192xf32, #tpu.memory_space<vmem>>
      tpu.wait_dma2 semaphore(%run_scoped3A : memref<!tpu.dma_semaphore, #tpu.memory_space<semaphore_mem>>) src(%dma_wait3A_265 : memref<8192xf32, #tpu.memory_space<vmem>>) dst(%dma_wait3A_263 : memref<8192xf32, #tpu.memory_space<hbm>>)
      tpu.yield
    }) : () -> ()
    %mul3A_249 = arith.constant 16 : i32
    %mul3A_250 = arith.muli %add3A_243, %mul3A_249 : i32
    %add3A_251 = arith.addi %mul3A_250, %arg1 : i32
    %mul3A_252 = arith.constant 16 : i32
    %mul3A_253 = arith.muli %add3A_251, %mul3A_252 : i32
    "tpu.region"() ({
      %run_scoped3A = tpu.sem_alloc : memref<!tpu.dma_semaphore, #tpu.memory_space<semaphore_mem>>
      %dma_start3A_254 = arith.constant 48 : i32
      %dma_start3A_255 = tpu.memref_slice %arg13[%dma_start3A_254] : memref<64xf32, #tpu.memory_space<vmem>> -> memref<16xf32, #tpu.memory_space<vmem>>
      %dma_start3A_256 = tpu.memref_slice %arg6[%mul3A_253] : memref<2048xf32, #tpu.memory_space<hbm>> -> memref<16xf32, #tpu.memory_space<hbm>>
      %dma_start3A_257 = tpu.memref_slice %arg6[%mul3A_253] : memref<2048xf32, #tpu.memory_space<hbm>> -> memref<16xf32, #tpu.memory_space<hbm>>
      %dma_start3A_258 = arith.constant 48 : i32
      %dma_start3A_259 = tpu.memref_slice %arg13[%dma_start3A_258] : memref<64xf32, #tpu.memory_space<vmem>> -> memref<16xf32, #tpu.memory_space<vmem>>
      tpu.enqueue_dma source(%dma_start3A_259 : memref<16xf32, #tpu.memory_space<vmem>>) target(%dma_start3A_257 : memref<16xf32, #tpu.memory_space<hbm>>) target_semaphore(%run_scoped3A : memref<!tpu.dma_semaphore, #tpu.memory_space<semaphore_mem>>)
      %dma_wait3A_260 = arith.constant 48 : i32
      %dma_wait3A_261 = tpu.memref_slice %arg13[%dma_wait3A_260] : memref<64xf32, #tpu.memory_space<vmem>> -> memref<16xf32, #tpu.memory_space<vmem>>
      %dma_wait3A_262 = tpu.memref_slice %arg6[%mul3A_253] : memref<2048xf32, #tpu.memory_space<hbm>> -> memref<16xf32, #tpu.memory_space<hbm>>
      %dma_wait3A_263 = tpu.memref_slice %arg6[%mul3A_253] : memref<2048xf32, #tpu.memory_space<hbm>> -> memref<16xf32, #tpu.memory_space<hbm>>
      %dma_wait3A_264 = arith.constant 48 : i32
      %dma_wait3A_265 = tpu.memref_slice %arg13[%dma_wait3A_264] : memref<64xf32, #tpu.memory_space<vmem>> -> memref<16xf32, #tpu.memory_space<vmem>>
      tpu.wait_dma2 semaphore(%run_scoped3A : memref<!tpu.dma_semaphore, #tpu.memory_space<semaphore_mem>>) src(%dma_wait3A_265 : memref<16xf32, #tpu.memory_space<vmem>>) dst(%dma_wait3A_263 : memref<16xf32, #tpu.memory_space<hbm>>)
      tpu.yield
    }) : () -> ()
    return
  }
}

module attributes {stable_mosaic.version = 14 : i64} {
  func.func @_tc_finish_body(%arg0: i32, %arg1: memref<1x16x2x32x128xf32, #tpu.memory_space<vmem>>, %arg2: memref<1x16x2x32x128xf32, #tpu.memory_space<vmem>>, %arg3: memref<1x16x16xf32, #tpu.memory_space<vmem>>, %arg4: memref<1x1xf32, #tpu.memory_space<vmem>>) attributes {dimension_semantics = [#tpu.dimension_semantics<arbitrary>], iteration_bounds = array<i64: 8>, scalar_prefetch = 0 : i64, scratch_operands = 0 : i64, tpu.core_type = #tpu.core_type<tc>, window_params = [{transform_indices = @transform_0, window_bounds = array<i64: 1, 16, 2, 32, 128>}, {transform_indices = @transform_1, window_bounds = array<i64: 1, 16, 2, 32, 128>}, {transform_indices = @transform_2, window_bounds = array<i64: 1, 16, 16>}, {pipeline_mode = #tpu.pipeline_mode<synchronous>, transform_indices = @transform_3, window_bounds = array<i64: 1, 1>}]} {
    %eq3A = arith.constant 0 : i32
    %eq3A_0 = arith.cmpi eq, %arg0, %eq3A : i32
    %convert_element_type3A = arith.extui %eq3A_0 : i1 to i32
    %cond3A = arith.constant 0 : i32
    %cond3A_1 = arith.cmpi ne, %convert_element_type3A, %cond3A : i32
    scf.if %cond3A_1 {
      %broadcast_in_dim3A_118 = arith.constant 0.000000e+00 : f32
      %broadcast_in_dim3A_119 = vector.broadcast %broadcast_in_dim3A_118 : f32 to vector<1x1xf32>
      %swap3A_120 = arith.constant 0 : index
      %swap3A_121 = arith.constant 0 : index
      %swap3A_122 = vector.load %arg4[%swap3A_120, %swap3A_121] : memref<1x1xf32, #tpu.memory_space<vmem>>, vector<1x1xf32>
      tpu.vector_store %arg4[%swap3A_120, %swap3A_121], %broadcast_in_dim3A_119 {strides = array<i32>} : memref<1x1xf32, #tpu.memory_space<vmem>>, vector<1x1xf32>,
    } else {
    }
    %get3A = arith.constant 0 : index
    %get3A_2 = arith.constant 0 : index
    %get3A_3 = arith.constant 0 : index
    %get3A_4 = arith.constant 0 : index
    %get3A_5 = arith.constant 0 : index
    %get3A_6 = vector.load %arg1[%get3A, %get3A_2, %get3A_3, %get3A_4, %get3A_5] : memref<1x16x2x32x128xf32, #tpu.memory_space<vmem>>, vector<1x16x2x32x128xf32>
    %get3A_7 = vector.shape_cast %get3A_6 : vector<1x16x2x32x128xf32> to vector<16x2x32x128xf32>
    %reduce_sum3A = arith.constant dense<0.000000e+00> : vector<2x32x128xf32>
    %reduce_sum3A_8 = vector.multi_reduction <add>, %get3A_7, %reduce_sum3A [0] : vector<16x2x32x128xf32> to vector<2x32x128xf32>
    %get3A_9 = arith.constant 0 : index
    %get3A_10 = arith.constant 0 : index
    %get3A_11 = arith.constant 0 : index
    %get3A_12 = arith.constant 0 : index
    %get3A_13 = arith.constant 0 : index
    %get3A_14 = vector.load %arg2[%get3A_9, %get3A_10, %get3A_11, %get3A_12, %get3A_13] : memref<1x16x2x32x128xf32, #tpu.memory_space<vmem>>, vector<1x16x2x32x128xf32>
    %get3A_15 = vector.shape_cast %get3A_14 : vector<1x16x2x32x128xf32> to vector<16x2x32x128xf32>
    %reduce_sum3A_16 = arith.constant dense<0.000000e+00> : vector<2x32x128xf32>
    %reduce_sum3A_17 = vector.multi_reduction <add>, %get3A_15, %reduce_sum3A_16 [0] : vector<16x2x32x128xf32> to vector<2x32x128xf32>
    %slice3A = vector.extract_strided_slice %reduce_sum3A_8 {offsets = [0, 0, 0], sizes = [1, 32, 128], strides = [1, 1, 1]} : vector<2x32x128xf32> to vector<1x32x128xf32>
    %squeeze3A = vector.shape_cast %slice3A : vector<1x32x128xf32> to vector<32x128xf32>
    %slice3A_18 = vector.extract_strided_slice %reduce_sum3A_8 {offsets = [1, 0, 0], sizes = [1, 32, 128], strides = [1, 1, 1]} : vector<2x32x128xf32> to vector<1x32x128xf32>
    %squeeze3A_19 = vector.shape_cast %slice3A_18 : vector<1x32x128xf32> to vector<32x128xf32>
    %slice3A_20 = vector.extract_strided_slice %reduce_sum3A_17 {offsets = [0, 0, 0], sizes = [1, 32, 128], strides = [1, 1, 1]} : vector<2x32x128xf32> to vector<1x32x128xf32>
    %squeeze3A_21 = vector.shape_cast %slice3A_20 : vector<1x32x128xf32> to vector<32x128xf32>
    %slice3A_22 = vector.extract_strided_slice %reduce_sum3A_17 {offsets = [1, 0, 0], sizes = [1, 32, 128], strides = [1, 1, 1]} : vector<2x32x128xf32> to vector<1x32x128xf32>
    %squeeze3A_23 = vector.shape_cast %slice3A_22 : vector<1x32x128xf32> to vector<32x128xf32>
    %iota3A = tpu.iota {dimensions = array<i32: 0>} : vector<128x128xi32>
    %iota3A_24 = tpu.iota {dimensions = array<i32: 1>} : vector<128x128xi32>
    %le3A = arith.cmpi sle, %iota3A, %iota3A_24 : vector<128x128xi32>
    %convert_element_type3A_25 = arith.extui %le3A : vector<128x128xi1> to vector<128x128xi32>
    %convert_element_type3A_26 = arith.sitofp %convert_element_type3A_25 : vector<128x128xi32> to vector<128x128xf32>
    %iota3A_27 = tpu.iota {dimensions = array<i32: 0>} : vector<32x32xi32>
    %iota3A_28 = tpu.iota {dimensions = array<i32: 1>} : vector<32x32xi32>
    %lt3A = arith.cmpi slt, %iota3A_28, %iota3A_27 : vector<32x32xi32>
    %convert_element_type3A_29 = arith.extui %lt3A : vector<32x32xi1> to vector<32x32xi32>
    %convert_element_type3A_30 = arith.sitofp %convert_element_type3A_29 : vector<32x32xi32> to vector<32x32xf32>
    %reduce_sum3A_31 = vector.shape_cast %squeeze3A_19 : vector<32x128xf32> to vector<1x32x128xf32>
    %reduce_sum3A_32 = arith.constant dense<0.000000e+00> : vector<1xf32>
    %reduce_sum3A_33 = vector.multi_reduction <add>, %reduce_sum3A_31, %reduce_sum3A_32 [1, 2] : vector<1x32x128xf32> to vector<1xf32>
    %reduce_sum3A_34 = vector.shape_cast %reduce_sum3A_33 : vector<1xf32> to vector<1x1x1xf32>
    %reduce_sum3A_35 = vector.extract %reduce_sum3A_34[0, 0, 0] : f32 from vector<1x1x1xf32>
    %dot_general3A = arith.constant dense<0.000000e+00> : vector<32x128xf32>
    %dot_general3A_36 = tpu.matmul %squeeze3A_19, %convert_element_type3A_26, %dot_general3A {dimension_numbers = #tpu.dot_dimension_numbers<[1], [0], [0], [1], [0, 0, 1, 1], [], []>, transpose_lhs_hint = false} : vector<32x128xf32>, vector<128x128xf32>, vector<32x128xf32> -> vector<32x128xf32>
    %dot_general3A_37 = arith.constant dense<0.000000e+00> : vector<32x128xf32>
    %dot_general3A_38 = tpu.matmul %convert_element_type3A_30, %squeeze3A_19, %dot_general3A_37 {dimension_numbers = #tpu.dot_dimension_numbers<[1], [0], [0], [1], [0, 0, 1, 1], [], []>, transpose_lhs_hint = false} : vector<32x32xf32>, vector<32x128xf32>, vector<32x128xf32> -> vector<32x128xf32>
    %reduce_sum3A_39 = arith.constant dense<0.000000e+00> : vector<32xf32>
    %reduce_sum3A_40 = vector.multi_reduction <add>, %dot_general3A_38, %reduce_sum3A_39 [1] : vector<32x128xf32> to vector<32xf32>
    %broadcast_in_dim3A = vector.shape_cast %reduce_sum3A_40 : vector<32xf32> to vector<32x1xf32>
    %add3A = vector.broadcast %broadcast_in_dim3A : vector<32x1xf32> to vector<32x128xf32>
    %add3A_41 = arith.addf %dot_general3A_36, %add3A : vector<32x128xf32>
    %reduce_sum3A_42 = vector.shape_cast %squeeze3A_19 : vector<32x128xf32> to vector<1x32x128xf32>
    %reduce_sum3A_43 = arith.constant dense<0.000000e+00> : vector<1xf32>
    %reduce_sum3A_44 = vector.multi_reduction <add>, %reduce_sum3A_42, %reduce_sum3A_43 [1, 2] : vector<1x32x128xf32> to vector<1xf32>
    %reduce_sum3A_45 = vector.shape_cast %reduce_sum3A_44 : vector<1xf32> to vector<1x1x1xf32>
    %reduce_sum3A_46 = vector.extract %reduce_sum3A_45[0, 0, 0] : f32 from vector<1x1x1xf32>
    %sub3A = vector.broadcast %reduce_sum3A_46 : f32 to vector<32x128xf32>
    %sub3A_47 = arith.subf %sub3A, %add3A_41 : vector<32x128xf32>
    %dot_general3A_48 = arith.constant dense<0.000000e+00> : vector<32x128xf32>
    %dot_general3A_49 = tpu.matmul %squeeze3A, %convert_element_type3A_26, %dot_general3A_48 {dimension_numbers = #tpu.dot_dimension_numbers<[1], [0], [0], [1], [0, 0, 1, 1], [], []>, transpose_lhs_hint = false} : vector<32x128xf32>, vector<128x128xf32>, vector<32x128xf32> -> vector<32x128xf32>
    %dot_general3A_50 = arith.constant dense<0.000000e+00> : vector<32x128xf32>
    %dot_general3A_51 = tpu.matmul %convert_element_type3A_30, %squeeze3A, %dot_general3A_50 {dimension_numbers = #tpu.dot_dimension_numbers<[1], [0], [0], [1], [0, 0, 1, 1], [], []>, transpose_lhs_hint = false} : vector<32x32xf32>, vector<32x128xf32>, vector<32x128xf32> -> vector<32x128xf32>
    %reduce_sum3A_52 = arith.constant dense<0.000000e+00> : vector<32xf32>
    %reduce_sum3A_53 = vector.multi_reduction <add>, %dot_general3A_51, %reduce_sum3A_52 [1] : vector<32x128xf32> to vector<32xf32>
    %broadcast_in_dim3A_54 = vector.shape_cast %reduce_sum3A_53 : vector<32xf32> to vector<32x1xf32>
    %add3A_55 = vector.broadcast %broadcast_in_dim3A_54 : vector<32x1xf32> to vector<32x128xf32>
    %add3A_56 = arith.addf %dot_general3A_49, %add3A_55 : vector<32x128xf32>
    %reduce_sum3A_57 = vector.shape_cast %squeeze3A : vector<32x128xf32> to vector<1x32x128xf32>
    %reduce_sum3A_58 = arith.constant dense<0.000000e+00> : vector<1xf32>
    %reduce_sum3A_59 = vector.multi_reduction <add>, %reduce_sum3A_57, %reduce_sum3A_58 [1, 2] : vector<1x32x128xf32> to vector<1xf32>
    %reduce_sum3A_60 = vector.shape_cast %reduce_sum3A_59 : vector<1xf32> to vector<1x1x1xf32>
    %reduce_sum3A_61 = vector.extract %reduce_sum3A_60[0, 0, 0] : f32 from vector<1x1x1xf32>
    %sub3A_62 = vector.broadcast %reduce_sum3A_61 : f32 to vector<32x128xf32>
    %sub3A_63 = arith.subf %sub3A_62, %add3A_56 : vector<32x128xf32>
    %add3A_64 = vector.broadcast %reduce_sum3A_35 : f32 to vector<32x128xf32>
    %add3A_65 = arith.addf %add3A_64, %sub3A_63 : vector<32x128xf32>
    %max3A = arith.constant 1.000000e+00 : f32
    %max3A_66 = vector.broadcast %max3A : f32 to vector<32x128xf32>
    %max3A_67 = arith.maximumf %add3A_65, %max3A_66 : vector<32x128xf32>
    %add3A_68 = vector.broadcast %reduce_sum3A_35 : f32 to vector<32x128xf32>
    %add3A_69 = arith.addf %add3A_68, %sub3A_63 : vector<32x128xf32>
    %add3A_70 = arith.addf %add3A_69, %squeeze3A : vector<32x128xf32>
    %max3A_71 = arith.constant 1.000000e+00 : f32
    %max3A_72 = vector.broadcast %max3A_71 : f32 to vector<32x128xf32>
    %max3A_73 = arith.maximumf %add3A_70, %max3A_72 : vector<32x128xf32>
    %div3A = arith.divf %squeeze3A_23, %max3A_67 : vector<32x128xf32>
    %reduce_sum3A_74 = vector.shape_cast %div3A : vector<32x128xf32> to vector<1x32x128xf32>
    %reduce_sum3A_75 = arith.constant dense<0.000000e+00> : vector<1xf32>
    %reduce_sum3A_76 = vector.multi_reduction <add>, %reduce_sum3A_74, %reduce_sum3A_75 [1, 2] : vector<1x32x128xf32> to vector<1xf32>
    %reduce_sum3A_77 = vector.shape_cast %reduce_sum3A_76 : vector<1xf32> to vector<1x1x1xf32>
    %reduce_sum3A_78 = vector.extract %reduce_sum3A_77[0, 0, 0] : f32 from vector<1x1x1xf32>
    %sub3A_79 = vector.broadcast %reduce_sum3A_35 : f32 to vector<32x128xf32>
    %sub3A_80 = arith.subf %sub3A_79, %sub3A_47 : vector<32x128xf32>
    %sub3A_81 = arith.subf %sub3A_80, %squeeze3A_19 : vector<32x128xf32>
    %div3A_82 = arith.constant 1.000000e+00 : f32
    %div3A_83 = vector.broadcast %div3A_82 : f32 to vector<32x128xf32>
    %div3A_84 = arith.divf %div3A_83, %max3A_67 : vector<32x128xf32>
    %div3A_85 = arith.constant 1.000000e+00 : f32
    %div3A_86 = vector.broadcast %div3A_85 : f32 to vector<32x128xf32>
    %div3A_87 = arith.divf %div3A_86, %max3A_73 : vector<32x128xf32>
    %sub3A_88 = arith.subf %div3A_84, %div3A_87 : vector<32x128xf32>
    %mul3A = arith.mulf %sub3A_81, %sub3A_88 : vector<32x128xf32>
    %max3A_89 = arith.constant 1.000000e+00 : f32
    %max3A_90 = vector.broadcast %max3A_89 : f32 to vector<32x128xf32>
    %max3A_91 = arith.maximumf %squeeze3A, %max3A_90 : vector<32x128xf32>
    %div3A_92 = arith.divf %mul3A, %max3A_91 : vector<32x128xf32>
    %mul3A_93 = arith.mulf %squeeze3A_21, %div3A_92 : vector<32x128xf32>
    %reduce_sum3A_94 = vector.shape_cast %mul3A_93 : vector<32x128xf32> to vector<1x32x128xf32>
    %reduce_sum3A_95 = arith.constant dense<0.000000e+00> : vector<1xf32>
    %reduce_sum3A_96 = vector.multi_reduction <add>, %reduce_sum3A_94, %reduce_sum3A_95 [1, 2] : vector<1x32x128xf32> to vector<1xf32>
    %reduce_sum3A_97 = vector.shape_cast %reduce_sum3A_96 : vector<1xf32> to vector<1x1x1xf32>
    %reduce_sum3A_98 = vector.extract %reduce_sum3A_97[0, 0, 0] : f32 from vector<1x1x1xf32>
    %add3A_99 = arith.addf %reduce_sum3A_78, %reduce_sum3A_98 : f32
    %get3A_100 = arith.constant 0 : index
    %get3A_101 = arith.constant 0 : index
    %get3A_102 = arith.constant 0 : index
    %get3A_103 = vector.load %arg3[%get3A_100, %get3A_101, %get3A_102] : memref<1x16x16xf32, #tpu.memory_space<vmem>>, vector<1x16x16xf32>
    %get3A_104 = vector.shape_cast %get3A_103 : vector<1x16x16xf32> to vector<16x16xf32>
    %reduce_max3A = vector.shape_cast %get3A_104 : vector<16x16xf32> to vector<1x16x16xf32>
    %reduce_max3A_105 = arith.constant dense<0xFF800000> : vector<1xf32>
    %reduce_max3A_106 = vector.multi_reduction <maximumf>, %reduce_max3A, %reduce_max3A_105 [1, 2] : vector<1x16x16xf32> to vector<1xf32>
    %reduce_max3A_107 = vector.shape_cast %reduce_max3A_106 : vector<1xf32> to vector<1x1x1xf32>
    %reduce_max3A_108 = vector.extract %reduce_max3A_107[0, 0, 0] : f32 from vector<1x1x1xf32>
    %gt3A = arith.constant 0.000000e+00 : f32
    %gt3A_109 = arith.cmpf ogt, %reduce_sum3A_35, %gt3A : f32
    %select_n3A = arith.select %gt3A_109, %add3A_99, %reduce_max3A_108 : f32
    %get3A_110 = arith.constant 0 : index
    %get3A_111 = arith.constant 0 : index
    %get3A_112 = vector.load %arg4[%get3A_110, %get3A_111] : memref<1x1xf32, #tpu.memory_space<vmem>>, vector<1x1xf32>
    %div3A_113 = arith.constant 8.000000e+00 : f32
    %div3A_114 = arith.divf %select_n3A, %div3A_113 : f32
    %reshape3A = vector.broadcast %div3A_114 : f32 to vector<1x1xf32>
    %add3A_115 = arith.addf %get3A_112, %reshape3A : vector<1x1xf32>
    %swap3A = arith.constant 0 : index
    %swap3A_116 = arith.constant 0 : index
    %swap3A_117 = vector.load %arg4[%swap3A, %swap3A_116] : memref<1x1xf32, #tpu.memory_space<vmem>>, vector<1x1xf32>
    tpu.vector_store %arg4[%swap3A, %swap3A_116], %add3A_115 {strides = array<i32>} : memref<1x1xf32, #tpu.memory_space<vmem>>, vector<1x1xf32>,
    return
  }
  func.func @transform_0(%arg0: i32) -> (i32, i32, i32, i32, i32) {
    %c0_i32 = arith.constant 0 : i32
    %c0_i32_0 = arith.constant 0 : i32
    %c0_i32_1 = arith.constant 0 : i32
    %c0_i32_2 = arith.constant 0 : i32
    %c0_i32_3 = arith.constant 0 : i32
    return %arg0, %c0_i32, %c0_i32_0, %c0_i32_1, %c0_i32_2 : i32, i32, i32, i32, i32
  }
  func.func @transform_1(%arg0: i32) -> (i32, i32, i32, i32, i32) {
    %c0_i32 = arith.constant 0 : i32
    %c0_i32_0 = arith.constant 0 : i32
    %c0_i32_1 = arith.constant 0 : i32
    %c0_i32_2 = arith.constant 0 : i32
    %c0_i32_3 = arith.constant 0 : i32
    return %arg0, %c0_i32, %c0_i32_0, %c0_i32_1, %c0_i32_2 : i32, i32, i32, i32, i32
  }
  func.func @transform_2(%arg0: i32) -> (i32, i32, i32) {
    %c0_i32 = arith.constant 0 : i32
    %c0_i32_0 = arith.constant 0 : i32
    %c0_i32_1 = arith.constant 0 : i32
    return %arg0, %c0_i32, %c0_i32_0 : i32, i32, i32
  }
  func.func @transform_3(%arg0: i32) -> (i32, i32) {
    %c0_i32 = arith.constant 0 : i32
    %c0_i32_0 = arith.constant 0 : i32
    %c0_i32_1 = arith.constant 0 : i32
    return %c0_i32, %c0_i32_0 : i32, i32
  }
}

</mosaic_0001>

<sc_bundles>
// kernel: kernel.4.cloned.1.call-start
scs
__scs_entry_jumppad:
0x0: {  	(pc) =	sbr.rel $0x88, $3  }
0x1: {  	(tag) =	ssettag $0x0;
	lr =	simm.s32 $0x1  }
0x2: {  	[smem:$0x3F9F] =	sst lr;
	_ =	strace $0xD0000000  }
0x3: {  	_ = 	snop  }
0x4: {  	_ = 	snop  }
0x5: {  	_ = 	snop  }
0x6: {  	_ = 	snop  }
0x7: {  	_ = 	snop  }
__scs_overlays_trampoline_lowered:
0x8: {  	[smem:$0x3FAE] =	sst s0  }
0x9: {  	[smem:$0x3FAF] =	sst s1  }
0xa: {  	[smem:$0x3FB0] =	sst s2  }
0xb: {  	[smem:$0x3FB1] =	sst s3  }
0xc: {  	[smem:$0x3FB2] =	sst s4  }
0xd: {  	[smem:$0x3FB3] =	sst s5  }
0xe: {  	[smem:$0x3FB4] =	sst s6  }
0xf: {  	[smem:$0x3FB5] =	sst s7  }
0x10: {  	[smem:$0x3FB6] =	sst s8  }
0x11: {  	[smem:$0x3FB7] =	sst s9;
	s0 =	simm.s32 @!p0 $0x0  }
0x12: {  	s1 =	sld [smem:$0x3F9D];
	s0 =	simm.s32 @p0 $0x1  }
0x13: {  	[smem:$0x3FB8] =	sst s0;
	s0 =	simm.s32 @!p1 $0x0  }
0x14: {  	s2 =	sld [smem:$0x3F9C];
	s0 =	simm.s32 @p1 $0x1  }
0x15: {  	[smem:$0x3FB9] =	sst s0;
	s0 =	simm.s32 @!p2 $0x0  }
0x16: {  	s3 =	sld [smem:$0x3FDB];
	s0 =	simm.s32 @p2 $0x1  }
0x17: {  	s4 =	simm.s32 $0x1BF5;
	[smem:$0x3FBB] =	sst s0  }
0x18: {  	s0 =	sld [smem:$0x3F9E];
	_ =	swait.ge [sflag:s4], $0x0  }
0x19: {  	s7 =	sld [smem:$0x3F9F]  }
0x1a: {  	s8 =	sadd.s32 $0xFFFFE003, lr  }
0x1b: {  	s9 =	sadd.s32 $0xFFFFFEF7, lr;
	s5 =	simm.s32 $0xFFFFFFFF;
	p2 =	slt.u32 s8, $0xFFFFF086  }
0x1c: {  	p1 =	slt.u32 s9, $0xF7A;
	s5 =	simm.s32 @!p2 $0x0  }
0x1d: {  	s5 =	simm.s32 @p1 $0x1;
	p0 =	seq.s32 s7, s2  }
0x1e: {  	s7 =	smul.u32 @!p0 $0xF7A, s2;
	p2 =	seq.s32 @!p0 s5, $0x0  }
0x1f: {  	s9 =	smul.u32 $0xF7A, s1;
	s8 =	simm.s32 @!p0 $0x1BF5;
	p2 =	por !p2, p0  }
0x20: {  	[sflag:s8] =	ssyncset.s32 @!p0 $0xFFFFF086;
	s6 =	sadd.s32 @!p0 s3, s7;
	s7 =	simm.s32 @!p0 $0x108  }
0x21: {  	s3 =	sadd.s32 s3, s9;
	s6 =	sadd.s32 @!p0 $0x88, s6;
	s7 =	simm.s32 @p2 $0x1082  }
0x22: {  	[simem:s7], [sflag:s8] =	dma.local @!p0 [hbm:s6], $0xF7A  }
0x23: {  	s9 =	sor.u32 $0xD0000000, s2;
	s6 =	simm.s32 $0x108;
	_ =	swait.ge @!p0 [sflag:s8], $0x0  }
0x24: {  	s3 =	sadd.s32 $0x88, s3;
	s6 =	simm.s32 @!p1 $0x1082;
	[sflag:s4] =	ssyncset.s32 $0xFFFFF086  }
0x25: {  	[simem:s6], [sflag:s4] =	dma.local [hbm:s3], $0xF7A  }
0x26: {  	[smem:$0x3F9F] =	sst s1;
	(tag) =	ssettag s2;
	_ =	strace s9  }
0x27: {  	s1 =	sld [smem:$0x3FAF]  }
0x28: {  	s2 =	sld [smem:$0x3FB0]  }
0x29: {  	s4 =	sld [smem:$0x3FB2]  }
0x2a: {  	p0 =	seq.s32 s5, $0x0;
	s5 =	sld [smem:$0x3FB3]  }
0x2b: {  	s6 =	sld [smem:$0x3FB4]  }
0x2c: {  	s7 =	sld [smem:$0x3FB5]  }
0x2d: {  	s3 =	simm.s32 $0x108;
	s8 =	sld [smem:$0x3FB6]  }
0x2e: {  	s3 =	simm.s32 @!p0 $0x1082;
	s9 =	sld [smem:$0x3FB7]  }
0x2f: {  	lr =	sadd.s32 s0, s3;
	s0 =	sld [smem:$0x3FAE]  }
0x30: {  	s3 =	sld [smem:$0x3FB1]  }
0x31: {  	[smem:$0x3FBA] =	sst s10  }
0x32: {  	s10 =	sld [smem:$0x3FB8];
	_ =	sdelay $0x3  }
0x33: {  	p0 =	seq.s32 s10, $0x1;
	s10 =	sld [smem:$0x3FBA];
	_ =	sdelay $0x3  }
0x34: {  	[smem:$0x3FBA] =	sst s10  }
0x35: {  	s10 =	sld [smem:$0x3FB9];
	_ =	sdelay $0x3  }
0x36: {  	p1 =	seq.s32 s10, $0x1;
	s10 =	sld [smem:$0x3FBA];
	_ =	sdelay $0x3  }
0x37: {  	[smem:$0x3FBA] =	sst s10  }
0x38: {  	s10 =	sld [smem:$0x3FBB]  }
0x39: {  	_ = 	snop;
	(pc) =	sbr.ind lr, $3  }
0x3a: {  	_ = 	snop  }
0x3b: {  	_ = 	snop  }
0x3c: {  	p2 =	seq.s32 s10, $0x1;
	s10 =	sld [smem:$0x3FBA]  }
0x3d: {  	_ =	shalt  }
0x3e: {  	_ =	shalt  }
0x3f: {  	_ =	shalt  }
0x40: {  	_ =	shalt  }
0x41: {  	_ =	shalt  }
0x42: {  	_ =	shalt  }
0x43: {  	_ =	shalt  }
0x44: {  	_ =	shalt  }
0x45: {  	_ =	shalt  }
0x46: {  	_ =	shalt  }
0x47: {  	_ =	shalt  }
0x48: {  	_ =	shalt  }
0x49: {  	_ =	shalt  }
0x4a: {  	_ =	shalt  }
0x4b: {  	_ =	shalt  }
0x4c: {  	_ =	shalt  }
0x4d: {  	_ =	shalt  }
0x4e: {  	_ =	shalt  }
0x4f: {  	_ =	shalt  }
0x50: {  	_ =	shalt  }
0x51: {  	_ =	shalt  }
0x52: {  	_ =	shalt  }
0x53: {  	_ =	shalt  }
0x54: {  	_ =	shalt  }
0x55: {  	_ =	shalt  }
0x56: {  	_ =	shalt  }
0x57: {  	_ =	shalt  }
0x58: {  	_ =	shalt  }
0x59: {  	_ =	shalt  }
0x5a: {  	_ =	shalt  }
0x5b: {  	_ =	shalt  }
0x5c: {  	_ =	shalt  }
0x5d: {  	_ =	shalt  }
0x5e: {  	_ =	shalt  }
0x5f: {  	_ =	shalt  }
0x60: {  	_ =	shalt  }
0x61: {  	_ =	shalt  }
0x62: {  	_ =	shalt  }
0x63: {  	_ =	shalt  }
0x64: {  	_ =	shalt  }
0x65: {  	_ =	shalt  }
0x66: {  	_ =	shalt  }
0x67: {  	_ =	shalt  }
0x68: {  	_ =	shalt  }
0x69: {  	_ =	shalt  }
0x6a: {  	_ =	shalt  }
0x6b: {  	_ =	shalt  }
0x6c: {  	_ =	shalt  }
0x6d: {  	_ =	shalt  }
0x6e: {  	_ =	shalt  }
0x6f: {  	_ =	shalt  }
0x70: {  	_ =	shalt  }
0x71: {  	_ =	shalt  }
0x72: {  	_ =	shalt  }
0x73: {  	_ =	shalt  }
0x74: {  	_ =	shalt  }
0x75: {  	_ =	shalt  }
0x76: {  	_ =	shalt  }
0x77: {  	_ =	shalt  }
0x78: {  	_ =	shalt  }
0x79: {  	_ =	shalt  }
0x7a: {  	_ =	shalt  }
0x7b: {  	_ =	shalt  }
0x7c: {  	_ =	shalt  }
0x7d: {  	_ =	shalt  }
0x7e: {  	_ =	shalt  }
0x7f: {  	_ =	shalt  }
0x80: {  	_ =	shalt  }
0x81: {  	_ =	shalt  }
0x82: {  	_ =	shalt  }
0x83: {  	_ =	shalt  }
0x84: {  	_ =	shalt  }
0x85: {  	_ =	shalt  }
0x86: {  	_ =	shalt  }
0x87: {  	_ =	shalt  }
.Lfunc_end0:
.L_simem_size_0:
called_computation_lowered:
.L_overlay_start_0:
0x88: {  	s2 =	sld [smem:$0x3FD9]  }
0x89: {  	s3 =	sld [smem:$0x3FFE];
	_ =	sdelay $0x1  }
0x8a: {  	s1 =	srdreg.scid  }
0x8b: {  	s0 =	sand.u32 $0x1, s1  }
0x8c: {  	s16 =	sshll.u32 s0, $0xA;
	s2 =	sadd.s32 s3, s2  }
0x8d: {  	s2 =	sadd.s32 s2, s16  }
0x8e: {  	[smem:$0x3FC6] =	sst s2  }
0x8f: {  	_ = 	snop  }
0x90: {  	(tm) =	ssettm $0x1  }
0x91: {  	s17 =	sld [smem:$0x3FFB];
	_ =	sdelay $0x3  }
0x92: {  	_ =	strace s17  }
0x93: {  	s2 =	sld [smem:$0x3FFC];
	_ =	sdelay $0x3  }
0x94: {  	_ =	strace s2  }
0x95: {  	s2 =	sld [smem:$0x3FFD];
	_ =	sdelay $0x3  }
0x96: {  	_ =	strace s2  }
0x97: {  	_ =	strace $0x8FFFFFFF  }
0x98: {  	s18 =	sld [smem:$0x3FDB];
	_ =	sdelay $0x1  }
0x99: {  	s19 =	simm.s32 $_scs_section_size  }
0x9a: {  	s4 =	simm.s32 $_size__tile_overlayer_lowered;
	s5 =	simm.s32 $_tile_overlayer_lowered  }
0x9b: {  	s22 =	simm.s32 $0x1BFF;
	s21 =	sshll.u32 s5, $0x1;
	s2 =	sadd.s32 s19, s18  }
0x9c: {  	s6 =	simm.s32 $0x0;
	s20 =	sshll.u32 s4, $0x1;
	s4 =	sadd.s32 s21, s2  }
0x9d: {  	[timem:s6], [sflag:s22] =	dma.local [hbm:s4], s20  }
0x9e: {  	_ =	swait.ge [sflag:s22], s20  }
0x9f: {  	s3 =	ssub.s32 $0x0, s20;
	[sflag:s22] =	ssyncset.done $0x0  }
0xa0: {  	[sflag:s22] =	ssyncadd.s32 s3;
	_ =	sdelay $0x1  }
0xa1: {  	s23 =	simm.s32 $0x1B8B  }
0xa2: {  	_ =	swait.ge [sflag:s23], $0x1  }
0xa3: {  	[sflag:s23] =	ssyncset.done $0x0  }
0xa4: {  	s25 =	simm.s32 $0x1B8E;
	s24 =	sld [smem:$0x3FFE];
	[sflag:s23] =	ssyncadd.s32 $0xFFFFFFFF  }
0xa5: {  	s26 =	simm.s32 $execute0_lowered;
	[smem:$0x3FD2] =	sst s25  }
0xa6: {  	s4 =	sshll.u32 s26, $0x1;
	_ =	strace $0x80000046;
	[dreg:$0x1] =	wrdreg $0xFFFFFFFF  }
0xa7: {  	s28 =	simm.s32 $_size_execute0_lowered;
	s2 =	sadd.s32 s2, s4;
	[dreg:$0x0] =	wrdreg $0x0  }
0xa8: {  	s4 =	sshll.u32 s28, $0x1;
	[dreg:$0x2] =	wrdreg s2  }
0xa9: {  	[dreg:$0x3] =	wrdreg s4  }
0xaa: {  	[dreg:$0x4] =	wrdreg $0xC0  }
0xab: {  	_ =	task [dreg:s6], $0x5FFFF  }
0xac: {  	[dreg:$0x1] =	wrdreg $0xFFFFFFFF  }
0xad: {  	[dreg:$0x0] =	wrdreg $0x60  }
0xae: {  	[dreg:$0x2] =	wrdreg s24  }
0xaf: {  	[dreg:$0x3] =	wrdreg $0x9  }
0xb0: {  	_ =	task.clear_ibuf [dreg:s6], $0x4FFFF;
	_ =	strace $0x90000046  }
0xb1: {  	s29 =	simm.s32 $0x9;
	_ =	strace $0x80000048  }
0xb2: {  	_ =	swait.ge [sflag:s29], $0x1  }
0xb3: {  	[sflag:s29] =	ssyncadd.s32 $0xFFFFFFFF  }
0xb4: {  	_ =	strace $0x90000048  }
0xb5: {  	_ =	sfence  }
0xb6: {  	s30 =	sld [smem:$0x0];
	_ =	sdelay $0x2  }
0xb7: {  	s31 =	sshll.u32 s1, $0xD;
	s1 =	sshrl.u32 s1, $0x2  }
0xb8: {  	s3 =	sand.u32 $0x4000, s31;
	s1 =	sadd.s32 s1, s30  }
0xb9: {  	s0 =	sor.u32 s3, s0;
	s1 =	sshll.u32 s1, $0x11  }
0xba: {  	s0 =	sor.u32 s1, s0  }
0xbb: {  	s0 =	sadd.s32 $0x8F2B, s0  }
0xbc: {  	[sflag:s0] =	ssyncadd.remote.s32 $0x1  }
0xbd: {  	_ =	sfence.sel $0xFFFF  }
0xbe: {  	[dreg:$0x0] =	wrdreg $0xFFFFFFFF;
	(pc) =	sbr.abs _section_cstart, $3  }
0xbf: {  	[dreg:$0x1] =	wrdreg $0xFFFFFFFF  }
0xc0: {  	_ =	task.clear_ibuf [dreg:s6], $0x2FFFF;
	_ =	strace $0x9FFFFFFF  }
0xc1: {  	(tm) =	ssettm $0x7FFFFFFF  }
tec
execute0_lowered:
.L_overlay_start_1:
0x0: {  	(tag) =	ssettag $0x1  }
0x1: {  	s0 =	rddreg [dreg:$0x0];
	s1 =	srdreg.scid  }
0x2: {  	s19 =	stileid.u32;
	s2 =	sadd.s32 $0xE00, s0;
	s3 =	sadd.s32 $0x40E00, s0  }
0x3: {  	s4 =	sand.u32 $0x1, s1;
	s5 =	sadd.s32 $0x81000, s0;
	s7 =	sshll.u32 s19, $0xE  }
0x4: {  	s1 =	ssub.s32 $0x2, s4;
	s6 =	sshll.u32 s4, $0x14;
	s8 =	sshll.u32 s4, $0x2  }
0x5: {  	s21 =	sshllo.u32 s4, $0x2;
	s4 =	sshll.u32 s4, $0x6;
	s9 =	sshrl.u32 s1, $0x1  }
0x6: {  	s6 =	sor.u32 s7, s6;
	s10 =	sor.u32 $0x1, s8;
	s8 =	sor.u32 $0x2, s8  }
0x7: {  	s23 =	sshll.u32 s21, $0x12;
	s4 =	sor.u32 s19, s4;
	s1 =	ssub.s32 s1, s9  }
0x8: {  	s6 =	sshrl.u32 s6, $0x3;
	s26 =	sshll.u32 s10, $0x12;
	s18 =	sshll.u32 s8, $0x12  }
0x9: {  	s11 =	sadd.s32 s2, s6;
	s12 =	sor.u32 $0x400, s6;
	s9 =	sor.u32 s7, s26  }
0xa: {  	s6 =	sadd.s32 s3, s6;
	s28 =	smax.u32 s1, $0x1;
	[dreg:$0x2] =	wrdreg s11  }
0xb: {  	s1 =	simm.s32 $0x1;
	[dreg:$0x3] =	wrdreg s6;
	s13 =	sadd.s32 s2, s12  }
0xc: {  	s14 =	sshrl.u32 s9, $0x3;
	s15 =	sadd.s32 s3, s12;
	s9 =	sor.u32 s7, s18  }
0xd: {  	s7 =	sor.u32 s7, s23;
	s23 =	sshll.u32 s21, $0x4;
	[dreg:$0x4] =	wrdreg s13  }
0xe: {  	[dreg:$0x5] =	wrdreg s15;
	s16 =	sadd.s32 s2, s14;
	s17 =	sadd.s32 s3, s14  }
0xf: {  	s6 =	sor.u32 $0x400, s14;
	s22 =	sshrl.u32 s9, $0x3;
	s26 =	sshrl.u32 s7, $0x3  }
0x10: {  	s7 =	sshll.u32 s4, $0xA;
	s9 =	sshll.u32 s10, $0x4;
	[dreg:$0x6] =	wrdreg s16  }
0x11: {  	[dreg:$0x7] =	wrdreg s17;
	s20 =	sadd.s32 s2, s6;
	s6 =	sadd.s32 s3, s6  }
0x12: {  	s12 =	sadd.s32 s2, s22;
	s24 =	sor.u32 $0x400, s22;
	s13 =	sadd.s32 s2, s26  }
0x13: {  	s14 =	sadd.s32 s3, s26;
	s17 =	sadd.s32 s5, s7;
	[dreg:$0x8] =	wrdreg s20  }
0x14: {  	s10 =	sor.u32 s19, s9;
	s9 =	sshll.u32 s4, $0x1;
	[dreg:$0x9] =	wrdreg s6  }
0x15: {  	s4 =	simm.s32 $0x6000;
	[dreg:$0xa] =	wrdreg s12;
	s6 =	sadd.s32 s3, s22  }
0x16: {  	s25 =	sadd.s32 s2, s24;
	s12 =	sadd.s32 s3, s24;
	s22 =	sshll.u32 s8, $0x4  }
0x17: {  	s24 =	sshll.u32 s10, $0xA;
	[dreg:$0xb] =	wrdreg s6;
	s6 =	sor.u32 $0x400, s26  }
0x18: {  	s8 =	simm.s32 $0x0;
	[dreg:$0xc] =	wrdreg s25;
	s15 =	sadd.s32 s2, s6  }
0x19: {  	s16 =	sadd.s32 s3, s6;
	s3 =	sadd.s32 $0xA1000, s0;
	s6 =	sor.u32 s19, s22  }
0x1a: {  	s0 =	sadd.s32 $0x80E00, s0;
	s2 =	sshll.u32 s10, $0x1;
	s18 =	sadd.s32 s3, s7  }
0x1b: {  	s7 =	sor.u32 s19, s23;
	s19 =	sadd.s32 s5, s24;
	s25 =	sshll.u32 s6, $0xA  }
0x1c: {  	s20 =	sadd.s32 s3, s24;
	s29 =	sadd.s32 s0, s2;
	s10 =	sshll.u32 s6, $0x1  }
0x1d: {  	s2 =	simm.s32 $0x2;
	s6 =	simm.s32 $0x10000;
	s21 =	sadd.s32 s5, s25  }
0x1e: {  	s26 =	sshll.u32 s7, $0xA;
	s22 =	sadd.s32 s3, s25;
	s25 =	simm.s32 $0x0  }
0x1f: {  	s11 =	sshll.u32 s7, $0x1;
	s30 =	sadd.s32 s0, s10;
	s7 =	simm.s32 $0x3  }
0x20: {  	s23 =	sadd.s32 s5, s26;
	s24 =	sadd.s32 s3, s26;
	[smem:$0x7FF] =	sst s25  }
0x21: {  	v0 =	vimm.f32 $0.0e+00;
	v1 =	vimm.f32 $1.000000000e+00;
	v2 =	vimm.s32 $0x0;
	s26 =	sadd.s32 s0, s9;
	s31 =	sadd.s32 s0, s11;
	s0 =	simm.s32 $0x2000  }
0x22: {  	v3 =	vimm.s32 $0x2000;
	v4 =	vimm.s32 $0x4000;
	v5 =	vimm.s32 $0x6000;
	s3 =	simm.s32 $0x4000;
	s5 =	simm.s32 $0x8000;
	_ =	strace $0x80000047  }
.LBB2_1:
0x23: {  	s9 =	simm.s32 $0x8040  }
0x24: {  	[tilespmem:s9+$0x30] =	vst v0  }
0x25: {  	[tilespmem:s9+$0xFFFFFFF0] =	vst v0  }
0x26: {  	[tilespmem:s9+$0xFFFFFFC0] =	vst v0  }
0x27: {  	[tilespmem:s9+$0xFFFFFFE0] =	vst v0  }
0x28: {  	[tilespmem:s9+$0x10] =	vst v0  }
0x29: {  	[tilespmem:s9+$0x20] =	vst v0  }
0x2a: {  	[tilespmem:s9+$0x0] =	vst v0  }
0x2b: {  	s10 =	simm.s32 $0x10040;
	[tilespmem:s9+$0xFFFFFFD0] =	vst v0  }
0x2c: {  	[tilespmem:s10+$0xFFFFFFC0] =	vst v0  }
0x2d: {  	[tilespmem:s10+$0x30] =	vst v0  }
0x2e: {  	[tilespmem:s10+$0x20] =	vst v0  }
0x2f: {  	[tilespmem:s10+$0x10] =	vst v0  }
0x30: {  	[tilespmem:s10+$0xFFFFFFE0] =	vst v0  }
0x31: {  	[tilespmem:s10+$0x0] =	vst v0  }
0x32: {  	s11 =	simm.s32 $0x0;
	[tilespmem:s10+$0xFFFFFFF0] =	vst v0  }
.LBB2_2:
0x33: {  	s11 =	sadd.s32 $0x8, s11;
	[tilespmem:s10+$0xFFFFFFD0] =	vst v0;
	s9 =	sadd.s32 $0x80, s9;
	s10 =	sadd.s32 $0x80, s10  }
0x34: {  	[tilespmem:s9+$0x30] =	vst v0;
	p0 =	slt.u32 s11, $0x7F8  }
0x35: {  	[tilespmem:s9+$0xFFFFFFF0] =	vst v0  }
0x36: {  	[tilespmem:s9+$0xFFFFFFC0] =	vst v0  }
0x37: {  	[tilespmem:s10+$0xFFFFFFC0] =	vst v0  }
0x38: {  	[tilespmem:s10+$0x30] =	vst v0  }
0x39: {  	[tilespmem:s9+$0xFFFFFFE0] =	vst v0  }
0x3a: {  	[tilespmem:s9+$0x10] =	vst v0  }
0x3b: {  	[tilespmem:s9+$0x20] =	vst v0  }
0x3c: {  	[tilespmem:s10+$0x20] =	vst v0  }
0x3d: {  	[tilespmem:s10+$0x10] =	vst v0  }
.Ltmp0:
0x3e: {  	[tilespmem:s10+$0xFFFFFFE0] =	vst v0;
	(pc) =	sbr.rel @p0 .LBB2_2-.Ltmp0, $4  }
0x3f: {  	[tilespmem:s9+$0x0] =	vst v0  }
0x40: {  	[tilespmem:s10+$0x0] =	vst v0  }
0x41: {  	[tilespmem:s10+$0xFFFFFFF0] =	vst v0  }
0x42: {  	[tilespmem:s9+$0xFFFFFFD0] =	vst v0  }
0x43: {  	[tilespmem:s10+$0xFFFFFFD0] =	vst v0  }
0x44: {  	s9 =	rddreg [dreg:$0x2]  }
0x45: {  	[tilespmem:s25], [sflag:$0x1] =	stream.linear.gather [hbm4b:s9+s25], $0x2000, $0x38;
	[tilespmem:$0x18080] =	vst v63  }
0x46: {  	s11 =	rddreg [dreg:$0x3]  }
0x47: {  	[tilespmem:s0], [sflag:$0x2] =	stream.linear.gather [hbm4b:s11+s25], $0x2000, $0x38;
	[tilespmem:$0x18080] =	vst v63  }
0x48: {  	_ =	swait.ge [sflag:s1], $0x2000  }
0x49: {  	[sflag:s1] =	ssyncset.done $0x0  }
0x4a: {  	[sflag:s1] =	ssyncadd.s32 $0xFFFFE000  }
0x4b: {  	_ =	swait.ge [sflag:s2], $0x2000  }
0x4c: {  	[sflag:s2] =	ssyncset.done $0x0  }
0x4d: {  	s10 =	rddreg [dreg:$0x4];
	[sflag:s2] =	ssyncadd.s32 $0xFFFFE000  }
0x4e: {  	[tilespmem:s3], [sflag:$0x1] =	stream.linear.gather [hbm4b:s10+s25], $0x2000, $0x38;
	[tilespmem:$0x18080] =	vst v63  }
0x4f: {  	s11 =	rddreg [dreg:$0x5];
	s10 =	simm.s32 $0x2040  }
0x50: {  	[tilespmem:s4], [sflag:$0x2] =	stream.linear.gather [hbm4b:s11+s25], $0x2000, $0x38;
	[tilespmem:$0x18080] =	vst v63  }
0x51: {  	s11 =	simm.s32 $0x40;
	v6 =	vld [tilespmem:s10+$0x30]  }
0x52: {  	v7 =	vld [tilespmem:s11+$0x30]  }
0x53: {  	v8 =	vld [tilespmem:s11+$0xFFFFFFC0]  }
0x54: {  	v10 =	vld [tilespmem:s11+$0xFFFFFFE0]  }
0x55: {  	v11 =	vld [tilespmem:s10+$0xFFFFFFE0]  }
0x56: {  	v12 =	vld [tilespmem:s10+$0xFFFFFFD0]  }
0x57: {  	v9 =	vld [tilespmem:s11+$0xFFFFFFD0];
	vm0 =	vgt.f32 v6, $5.000000000e-01;
	v6 =	vxor.u32 $0x80000000, v7  }
0x58: {  	v6 =	vsel vm0, v7, v6;
	v7 =	vld [tilespmem:s10+$0xFFFFFFC0]  }
0x59: {  	v14 =	vimm.f32 $0.0e+00;
	v15 =	vld [tilespmem:s11+$0xFFFFFFF0];
	v17 =	vxor.u32 $0x80000000, v10  }
0x5a: {  	v13 =	vld [tilespmem:s10+$0xFFFFFFF0];
	v16 =	vsel vm0, $0x1000, v2;
	vm0 =	vgt.f32 v11, $5.000000000e-01;
	v6 =	vsub.f32 $1.000000000e+00, v6  }
0x5b: {  	v19 =	vld [tilespmem:s10+$0x0];
	v18 =	vxor.u32 $0x80000000, v8;
	vm1 =	vgt.f32 v12, $5.000000000e-01;
	v10 =	vsel vm0, v10, v17  }
0x5c: {  	v12 =	vxor.u32 $0x80000000, v9;
	v10 =	vsub.f32 $1.000000000e+00, v10;
	v6 =	vmax.f32 v6, $0.0e+00  }
0x5d: {  	v21 =	vld [tilespmem:s10+$0x10];
	v11 =	vshrl.u32 v6, $0x14;
	vm2 =	vgt.f32 v7, $5.000000000e-01;
	v7 =	vsel vm1, v9, v12  }
0x5e: {  	v17 =	vld [tilespmem:s11+$0x0];
	v12 =	vor.u32 v16, v11;
	v11 =	vsel vm1, $0x1000, v2;
	v7 =	vsub.f32 $1.000000000e+00, v7  }
0x5f: {  	v9 =	vld [tilespmem:s10+$0x20];
	vm1 =	vgt.f32 v13, $5.000000000e-01;
	v8 =	vsel vm2, v8, v18;
	v18 =	vxor.u32 $0x80000000, v15  }
0x60: {  	v20 =	vsel vm2, $0x1000, v2;
	vm2 =	vgt.f32 v19, $5.000000000e-01;
	v13 =	vmax.f32 v7, $0.0e+00  }
0x61: {  	v16 =	vld [tilespmem:s11+$0x20];
	v8 =	vsub.f32 $1.000000000e+00, v8;
	v7 =	vsel vm1, v15, v18;
	v15 =	vshrl.u32 v13, $0x14  }
0x62: {  	v18 =	vsel vm1, $0x1000, v2;
	vm1 =	vgt.f32 v21, $5.000000000e-01;
	v22 =	vor.u32 v11, v15  }
0x63: {  	v19 =	vsub.f32 $1.000000000e+00, v7;
	v8 =	vmax.f32 v8, $0.0e+00;
	v7 =	vmax.f32 v10, $0.0e+00  }
0x64: {  	v11 =	vxor.u32 $0x80000000, v17;
	v15 =	vld [tilespmem:s11+$0x10];
	vm3 =	vgt.f32 v9, $5.000000000e-01;
	v9 =	vshrl.u32 v8, $0x14  }
0x65: {  	v14 =	vmax.f32 v14, v8;
	[tilespmem:v12+s5+$0x0] =	vst.idx.add.f32.msk $0xffff, v1;
	v10 =	vsel vm2, v17, v11;
	v11 =	vshrl.u32 v7, $0x14  }
0x66: {  	v17 =	vxor.u32 $0x80000000, v16;
	v9 =	vor.u32 v20, v9;
	[tilespmem:v12+s6+$0x0] =	vst.idx.add.f32.msk $0xffff, v6;
	v23 =	vsub.f32 $1.000000000e+00, v10  }
0x67: {  	v16 =	vsel vm3, v16, v17;
	v10 =	vmax.f32 v19, $0.0e+00;
	v19 =	vsel vm2, $0x1000, v2;
	[tilespmem:v22+s5+$0x0] =	vst.idx.add.f32.msk $0xffff, v1  }
0x68: {  	s9 =	simm.s32 $0x0;
	s10 =	simm.s32 $0xC0;
	s11 =	simm.s32 $0x20C0;
	v17 =	vsel vm3, $0x1000, v2;
	v20 =	vshrl.u32 v10, $0x14;
	v12 =	vmax.f32 v23, $0.0e+00;
	[tilespmem:v22+s6+$0x0] =	vst.idx.add.f32.msk $0xffff, v13  }
.LBB2_4:
0x69: {  	v21 =	vld [tilespmem:s11+$0x0];
	s9 =	sadd.s32 $0x8, s9;
	v18 =	vor.u32 v18, v20;
	v20 =	vshrl.u32 v12, $0x14;
	v22 =	vxor.u32 $0x80000000, v15  }
0x6a: {  	v13 =	vmax.f32 v14, v13;
	v23 =	vld [tilespmem:s11+$0x30];
	p0 =	slt.u32 s9, $0x1F8;
	v14 =	vor.u32 v19, v20;
	v15 =	vsel vm1, v15, v22  }
0x6b: {  	v16 =	vsub.f32 $1.000000000e+00, v16;
	v13 =	vmax.f32 v13, v7;
	v19 =	vld [tilespmem:s11+$0x20];
	v15 =	vsub.f32 $1.000000000e+00, v15  }
0x6c: {  	v22 =	vsel vm1, $0x1000, v2;
	v13 =	vmax.f32 v13, v10;
	v20 =	vld [tilespmem:s11+$0xFFFFFFC0]  }
0x6d: {  	v16 =	vmax.f32 v16, $0.0e+00;
	v13 =	vmax.f32 v13, v12;
	v24 =	vld [tilespmem:s10+$0x30]  }
0x6e: {  	v26 =	vshrl.u32 v16, $0x14;
	v25 =	vld [tilespmem:s10+$0xFFFFFFC0]  }
0x6f: {  	v17 =	vor.u32 v17, v26;
	[tilespmem:v18+s5+$0x0] =	vst.idx.add.f32.msk $0xffff, v1  }
0x70: {  	v26 =	vld [tilespmem:s10+$0x20]  }
0x71: {  	v15 =	vmax.f32 v15, $0.0e+00;
	v27 =	vld [tilespmem:s10+$0xFFFFFFD0]  }
0x72: {  	v29 =	vshrl.u32 v15, $0x14;
	vm1 =	vgt.f32 v23, $5.000000000e-01;
	v28 =	vld [tilespmem:s11+$0xFFFFFFD0];
	v23 =	vxor.u32 $0x80000000, v24  }
0x73: {  	v13 =	vmax.f32 v13, v15;
	v22 =	vor.u32 v22, v29;
	v30 =	vld [tilespmem:s10+$0xFFFFFFE0];
	v23 =	vsel vm1, v24, v23  }
0x74: {  	v13 =	vmax.f32 v13, v16;
	v23 =	vsub.f32 $1.000000000e+00, v23;
	[tilespmem:v14+s5+$0x0] =	vst.idx.add.f32.msk $0xffff, v1  }
0x75: {  	v29 =	vmax.f32 v13, v6;
	v24 =	vld [tilespmem:s10+$0x0]  }
0x76: {  	v13 =	vld [tilespmem:s11+$0xFFFFFFE0]  }
0x77: {  	v31 =	vld [tilespmem:s10+$0xFFFFFFF0]  }
0x78: {  	[tilespmem:v22+s5+$0x0] =	vst.idx.add.f32.msk $0xffff, v1  }
0x79: {  	v34 =	vsel vm0, $0x1000, v2;
	v33 =	vsel vm1, $0x1000, v2;
	v32 =	vld [tilespmem:s11+$0xFFFFFFF0]  }
0x7a: {  	v11 =	vor.u32 v34, v11;
	v6 =	vmax.f32 v23, $0.0e+00;
	v35 =	vxor.u32 $0x80000000, v30;
	[tilespmem:v22+s6+$0x0] =	vst.idx.add.f32.msk $0xffff, v15  }
0x7b: {  	v15 =	vxor.u32 $0x80000000, v25;
	vm0 =	vgt.f32 v13, $5.000000000e-01;
	v13 =	vshrl.u32 v6, $0x14;
	[tilespmem:v9+s5+$0x0] =	vst.idx.add.f32.msk $0xffff, v1  }
0x7c: {  	vm1 =	vgt.f32 v28, $5.000000000e-01;
	v22 =	vxor.u32 $0x80000000, v27;
	v23 =	vsel vm0, v30, v35;
	[tilespmem:v14+s6+$0x0] =	vst.idx.add.f32.msk $0xffff, v12  }
0x7d: {  	vm2 =	vgt.f32 v20, $5.000000000e-01;
	v12 =	vsel vm1, v27, v22;
	v20 =	vor.u32 v33, v13;
	[tilespmem:v17+s5+$0x0] =	vst.idx.add.f32.msk $0xffff, v1  }
0x7e: {  	v13 =	vsel vm2, v25, v15;
	v14 =	vsel vm1, $0x1000, v2;
	v12 =	vsub.f32 $1.000000000e+00, v12;
	v22 =	vld [tilespmem:s11+$0x10]  }
0x7f: {  	v25 =	vxor.u32 $0x80000000, v31;
	v15 =	vsub.f32 $1.000000000e+00, v13;
	vm1 =	vgt.f32 v32, $5.000000000e-01;
	[tilespmem:v17+s6+$0x0] =	vst.idx.add.f32.msk $0xffff, v16  }
0x80: {  	v16 =	vsel vm2, $0x1000, v2;
	v13 =	vmax.f32 v12, $0.0e+00;
	v12 =	vsel vm1, v31, v25;
	[tilespmem:v18+s6+$0x0] =	vst.idx.add.f32.msk $0xffff, v10  }
0x81: {  	v17 =	vsub.f32 $1.000000000e+00, v23;
	vm2 =	vgt.f32 v21, $5.000000000e-01;
	v10 =	vshrl.u32 v13, $0x14;
	[tilespmem:v11+s5+$0x0] =	vst.idx.add.f32.msk $0xffff, v1  }
0x82: {  	v21 =	vor.u32 v14, v10;
	v10 =	vsub.f32 $1.000000000e+00, v12;
	v12 =	vxor.u32 $0x80000000, v24;
	[tilespmem:v11+s6+$0x0] =	vst.idx.add.f32.msk $0xffff, v7  }
0x83: {  	v7 =	vmax.f32 v17, $0.0e+00;
	v12 =	vsel vm2, v24, v12;
	[tilespmem:v9+s6+$0x0] =	vst.idx.add.f32.msk $0xffff, v8;
	v8 =	vmax.f32 v15, $0.0e+00  }
.Ltmp1:
0x84: {  	vm3 =	vgt.f32 v19, $5.000000000e-01;
	v17 =	vxor.u32 $0x80000000, v26;
	v11 =	vshrl.u32 v7, $0x14;
	v15 =	vld [tilespmem:s10+$0x10];
	(pc) =	sbr.rel @p0 .LBB2_4-.Ltmp1, $4  }
0x85: {  	v18 =	vsel vm1, $0x1000, v2;
	v9 =	vshrl.u32 v8, $0x14;
	v14 =	vmax.f32 v29, v8;
	[tilespmem:v20+s5+$0x0] =	vst.idx.add.f32.msk $0xffff, v1  }
0x86: {  	v12 =	vsub.f32 $1.000000000e+00, v12;
	v9 =	vor.u32 v16, v9;
	v16 =	vsel vm3, v26, v17;
	[tilespmem:v20+s6+$0x0] =	vst.idx.add.f32.msk $0xffff, v6  }
0x87: {  	v19 =	vsel vm2, $0x1000, v2;
	v10 =	vmax.f32 v10, $0.0e+00;
	vm1 =	vgt.f32 v22, $5.000000000e-01;
	[tilespmem:v21+s5+$0x0] =	vst.idx.add.f32.msk $0xffff, v1  }
0x88: {  	s11 =	sadd.s32 $0x80, s11;
	s10 =	sadd.s32 $0x80, s10;
	v12 =	vmax.f32 v12, $0.0e+00;
	v17 =	vsel vm3, $0x1000, v2;
	v20 =	vshrl.u32 v10, $0x14;
	[tilespmem:v21+s6+$0x0] =	vst.idx.add.f32.msk $0xffff, v13  }
0x89: {  	v21 =	vxor.u32 $0x80000000, v15  }
0x8a: {  	v15 =	vsel vm1, v15, v21  }
0x8b: {  	v18 =	vor.u32 v18, v20;
	v20 =	vshrl.u32 v12, $0x14;
	v15 =	vsub.f32 $1.000000000e+00, v15  }
0x8c: {  	v19 =	vor.u32 v19, v20  }
0x8d: {  	v16 =	vsub.f32 $1.000000000e+00, v16;
	v15 =	vmax.f32 v15, $0.0e+00  }
0x8e: {  	[tilespmem:v9+s5+$0x0] =	vst.idx.add.f32.msk $0xffff, v1;
	v20 =	vsel vm1, $0x1000, v2;
	v21 =	vshrl.u32 v15, $0x14  }
0x8f: {  	[tilespmem:v9+s6+$0x0] =	vst.idx.add.f32.msk $0xffff, v8;
	v16 =	vmax.f32 v16, $0.0e+00;
	v20 =	vor.u32 v20, v21  }
0x90: {  	[tilespmem:v18+s5+$0x0] =	vst.idx.add.f32.msk $0xffff, v1;
	v21 =	vshrl.u32 v16, $0x14  }
0x91: {  	[tilespmem:v19+s5+$0x0] =	vst.idx.add.f32.msk $0xffff, v1;
	v17 =	vor.u32 v17, v21  }
0x92: {  	[tilespmem:v18+s6+$0x0] =	vst.idx.add.f32.msk $0xffff, v10;
	v21 =	vsel vm0, $0x1000, v2  }
0x93: {  	[tilespmem:v19+s6+$0x0] =	vst.idx.add.f32.msk $0xffff, v12;
	v11 =	vor.u32 v21, v11  }
0x94: {  	[tilespmem:v20+s5+$0x0] =	vst.idx.add.f32.msk $0xffff, v1  }
0x95: {  	[tilespmem:v20+s6+$0x0] =	vst.idx.add.f32.msk $0xffff, v15  }
0x96: {  	[tilespmem:v17+s5+$0x0] =	vst.idx.add.f32.msk $0xffff, v1  }
0x97: {  	[tilespmem:v17+s6+$0x0] =	vst.idx.add.f32.msk $0xffff, v16  }
0x98: {  	[tilespmem:v11+s5+$0x0] =	vst.idx.add.f32.msk $0xffff, v1  }
0x99: {  	[tilespmem:v11+s6+$0x0] =	vst.idx.add.f32.msk $0xffff, v7  }
0x9a: {  	_ =	swait.ge [sflag:s1], $0x2000  }
0x9b: {  	[sflag:s1] =	ssyncset.done $0x0  }
0x9c: {  	[sflag:s1] =	ssyncadd.s32 $0xFFFFE000  }
0x9d: {  	_ =	swait.ge [sflag:s2], $0x2000  }
0x9e: {  	[sflag:s2] =	ssyncset.done $0x0  }
0x9f: {  	s9 =	rddreg [dreg:$0x6];
	[sflag:s2] =	ssyncadd.s32 $0xFFFFE000  }
0xa0: {  	[tilespmem:s25], [sflag:$0x1] =	stream.linear.gather [hbm4b:s9+s25], $0x2000, $0x38;
	[tilespmem:$0x18080] =	vst v63  }
0xa1: {  	s11 =	simm.s32 $0x6040;
	s10 =	rddreg [dreg:$0x7]  }
0xa2: {  	[tilespmem:s0], [sflag:$0x2] =	stream.linear.gather [hbm4b:s10+s25], $0x2000, $0x38;
	[tilespmem:$0x18080] =	vst v63  }
0xa3: {  	v11 =	vmax.f32 v14, v13;
	s10 =	simm.s32 $0x4040;
	v8 =	vld [tilespmem:s11+$0x30]  }
0xa4: {  	v7 =	vmax.f32 v11, v7;
	v9 =	vld [tilespmem:s10+$0x30]  }
0xa5: {  	v7 =	vmax.f32 v7, v10;
	v10 =	vld [tilespmem:s10+$0xFFFFFFE0]  }
0xa6: {  	v7 =	vmax.f32 v7, v12;
	v12 =	vld [tilespmem:s11+$0xFFFFFFE0]  }
0xa7: {  	v14 =	vld [tilespmem:s11+$0xFFFFFFD0]  }
0xa8: {  	v11 =	vld [tilespmem:s10+$0xFFFFFFD0]  }
0xa9: {  	v7 =	vmax.f32 v7, v15;
	v13 =	vld [tilespmem:s10+$0xFFFFFFC0];
	vm0 =	vgt.f32 v8, $5.000000000e-01;
	v8 =	vxor.u32 $0x80000000, v9  }
0xaa: {  	v7 =	vmax.f32 v7, v16;
	v8 =	vsel vm0, v9, v8;
	v9 =	vld [tilespmem:s11+$0xFFFFFFC0]  }
0xab: {  	v16 =	vmax.f32 v7, v6;
	v15 =	vld [tilespmem:s11+$0xFFFFFFF0];
	v18 =	vxor.u32 $0x80000000, v10;
	v8 =	vsub.f32 $1.000000000e+00, v8  }
0xac: {  	v7 =	vld [tilespmem:s10+$0xFFFFFFF0];
	vm1 =	vgt.f32 v14, $5.000000000e-01;
	v17 =	vsel vm0, $0x1000, v2;
	vm0 =	vgt.f32 v12, $5.000000000e-01  }
0xad: {  	v14 =	vxor.u32 $0x80000000, v11;
	v10 =	vsel vm0, v10, v18;
	v6 =	vmax.f32 v8, $0.0e+00  }
0xae: {  	v19 =	vld [tilespmem:s11+$0x0];
	v10 =	vsub.f32 $1.000000000e+00, v10;
	v8 =	vxor.u32 $0x80000000, v13;
	v12 =	vshrl.u32 v6, $0x14  }
0xaf: {  	v18 =	vld [tilespmem:s10+$0x0];
	vm2 =	vgt.f32 v9, $5.000000000e-01;
	v9 =	vsel vm1, v11, v14;
	v12 =	vor.u32 v17, v12  }
0xb0: {  	v14 =	vld [tilespmem:s11+$0x20];
	v11 =	vsel vm1, $0x1000, v2;
	vm1 =	vgt.f32 v15, $5.000000000e-01;
	v9 =	vsub.f32 $1.000000000e+00, v9  }
0xb1: {  	v17 =	vld [tilespmem:s10+$0x20];
	v15 =	vxor.u32 $0x80000000, v7;
	v8 =	vsel vm2, v13, v8;
	v20 =	vsel vm2, $0x1000, v2  }
0xb2: {  	v7 =	vsel vm1, v7, v15;
	v8 =	vsub.f32 $1.000000000e+00, v8;
	v13 =	vmax.f32 v9, $0.0e+00  }
0xb3: {  	v21 =	vld [tilespmem:s11+$0x10];
	vm2 =	vgt.f32 v19, $5.000000000e-01;
	v19 =	vsub.f32 $1.000000000e+00, v7;
	v9 =	vshrl.u32 v13, $0x14  }
0xb4: {  	v7 =	vmax.f32 v8, $0.0e+00;
	v8 =	vmax.f32 v10, $0.0e+00;
	v22 =	vor.u32 v11, v9  }
0xb5: {  	v9 =	vxor.u32 $0x80000000, v18;
	v11 =	vshrl.u32 v8, $0x14  }
0xb6: {  	v15 =	vld [tilespmem:s10+$0x10];
	vm3 =	vgt.f32 v14, $5.000000000e-01;
	v23 =	vxor.u32 $0x80000000, v17;
	v14 =	vmax.f32 v16, v7  }
0xb7: {  	[tilespmem:v12+s5+$0x0] =	vst.idx.add.f32.msk $0xffff, v1;
	v10 =	vsel vm2, v18, v9;
	v9 =	vshrl.u32 v7, $0x14;
	v18 =	vsel vm1, $0x1000, v2  }
0xb8: {  	v16 =	vsel vm3, v17, v23;
	[tilespmem:v12+s6+$0x0] =	vst.idx.add.f32.msk $0xffff, v6;
	vm1 =	vgt.f32 v21, $5.000000000e-01;
	v24 =	vsub.f32 $1.000000000e+00, v10  }
0xb9: {  	v17 =	vsel vm3, $0x1000, v2;
	v9 =	vor.u32 v20, v9;
	v10 =	vmax.f32 v19, $0.0e+00;
	[tilespmem:v22+s5+$0x0] =	vst.idx.add.f32.msk $0xffff, v1  }
0xba: {  	s9 =	simm.s32 $0x0;
	s11 =	simm.s32 $0x60C0;
	s10 =	simm.s32 $0x40C0;
	v19 =	vsel vm2, $0x1000, v2;
	v20 =	vshrl.u32 v10, $0x14;
	v12 =	vmax.f32 v24, $0.0e+00;
	[tilespmem:v22+s6+$0x0] =	vst.idx.add.f32.msk $0xffff, v13  }
.LBB2_6:
0xbb: {  	v21 =	vld [tilespmem:s11+$0x0];
	s9 =	sadd.s32 $0x8, s9;
	v18 =	vor.u32 v18, v20;
	v20 =	vshrl.u32 v12, $0x14;
	v22 =	vxor.u32 $0x80000000, v15  }
0xbc: {  	v13 =	vmax.f32 v14, v13;
	v23 =	vld [tilespmem:s11+$0x30];
	p0 =	slt.u32 s9, $0x1F8;
	v14 =	vor.u32 v19, v20;
	v15 =	vsel vm1, v15, v22  }
0xbd: {  	v16 =	vsub.f32 $1.000000000e+00, v16;
	v13 =	vmax.f32 v13, v8;
	v19 =	vld [tilespmem:s11+$0x20];
	v15 =	vsub.f32 $1.000000000e+00, v15  }
0xbe: {  	v22 =	vsel vm1, $0x1000, v2;
	v13 =	vmax.f32 v13, v10;
	v20 =	vld [tilespmem:s11+$0xFFFFFFC0]  }
0xbf: {  	v16 =	vmax.f32 v16, $0.0e+00;
	v13 =	vmax.f32 v13, v12;
	v24 =	vld [tilespmem:s10+$0x30]  }
0xc0: {  	v26 =	vshrl.u32 v16, $0x14;
	v25 =	vld [tilespmem:s10+$0xFFFFFFC0]  }
0xc1: {  	v17 =	vor.u32 v17, v26;
	[tilespmem:v18+s5+$0x0] =	vst.idx.add.f32.msk $0xffff, v1  }
0xc2: {  	v26 =	vld [tilespmem:s10+$0x20]  }
0xc3: {  	v15 =	vmax.f32 v15, $0.0e+00;
	v27 =	vld [tilespmem:s10+$0xFFFFFFD0]  }
0xc4: {  	v29 =	vshrl.u32 v15, $0x14;
	vm1 =	vgt.f32 v23, $5.000000000e-01;
	v28 =	vld [tilespmem:s11+$0xFFFFFFD0];
	v23 =	vxor.u32 $0x80000000, v24  }
0xc5: {  	v13 =	vmax.f32 v13, v15;
	v22 =	vor.u32 v22, v29;
	v30 =	vld [tilespmem:s10+$0xFFFFFFE0];
	v23 =	vsel vm1, v24, v23  }
0xc6: {  	v13 =	vmax.f32 v13, v16;
	v23 =	vsub.f32 $1.000000000e+00, v23;
	[tilespmem:v14+s5+$0x0] =	vst.idx.add.f32.msk $0xffff, v1  }
0xc7: {  	v29 =	vmax.f32 v13, v6;
	v24 =	vld [tilespmem:s10+$0x0]  }
0xc8: {  	v13 =	vld [tilespmem:s11+$0xFFFFFFE0]  }
0xc9: {  	v31 =	vld [tilespmem:s10+$0xFFFFFFF0]  }
0xca: {  	[tilespmem:v22+s5+$0x0] =	vst.idx.add.f32.msk $0xffff, v1  }
0xcb: {  	v34 =	vsel vm0, $0x1000, v2;
	v33 =	vsel vm1, $0x1000, v2;
	v32 =	vld [tilespmem:s11+$0xFFFFFFF0]  }
0xcc: {  	v11 =	vor.u32 v34, v11;
	v6 =	vmax.f32 v23, $0.0e+00;
	v35 =	vxor.u32 $0x80000000, v30;
	[tilespmem:v22+s6+$0x0] =	vst.idx.add.f32.msk $0xffff, v15  }
0xcd: {  	v15 =	vxor.u32 $0x80000000, v25;
	vm0 =	vgt.f32 v13, $5.000000000e-01;
	v13 =	vshrl.u32 v6, $0x14;
	[tilespmem:v9+s5+$0x0] =	vst.idx.add.f32.msk $0xffff, v1  }
0xce: {  	vm1 =	vgt.f32 v28, $5.000000000e-01;
	v22 =	vxor.u32 $0x80000000, v27;
	v23 =	vsel vm0, v30, v35;
	[tilespmem:v14+s6+$0x0] =	vst.idx.add.f32.msk $0xffff, v12  }
0xcf: {  	vm2 =	vgt.f32 v20, $5.000000000e-01;
	v12 =	vsel vm1, v27, v22;
	v20 =	vor.u32 v33, v13;
	[tilespmem:v17+s5+$0x0] =	vst.idx.add.f32.msk $0xffff, v1  }
0xd0: {  	v13 =	vsel vm2, v25, v15;
	v14 =	vsel vm1, $0x1000, v2;
	v12 =	vsub.f32 $1.000000000e+00, v12;
	v22 =	vld [tilespmem:s11+$0x10]  }
0xd1: {  	v25 =	vxor.u32 $0x80000000, v31;
	v15 =	vsub.f32 $1.000000000e+00, v13;
	vm1 =	vgt.f32 v32, $5.000000000e-01;
	[tilespmem:v17+s6+$0x0] =	vst.idx.add.f32.msk $0xffff, v16  }
0xd2: {  	v16 =	vsel vm2, $0x1000, v2;
	v13 =	vmax.f32 v12, $0.0e+00;
	v12 =	vsel vm1, v31, v25;
	[tilespmem:v18+s6+$0x0] =	vst.idx.add.f32.msk $0xffff, v10  }
0xd3: {  	v17 =	vsub.f32 $1.000000000e+00, v23;
	vm2 =	vgt.f32 v21, $5.000000000e-01;
	v10 =	vshrl.u32 v13, $0x14;
	[tilespmem:v11+s5+$0x0] =	vst.idx.add.f32.msk $0xffff, v1  }
0xd4: {  	v21 =	vor.u32 v14, v10;
	v10 =	vsub.f32 $1.000000000e+00, v12;
	v12 =	vxor.u32 $0x80000000, v24;
	[tilespmem:v11+s6+$0x0] =	vst.idx.add.f32.msk $0xffff, v8  }
0xd5: {  	v8 =	vmax.f32 v17, $0.0e+00;
	v12 =	vsel vm2, v24, v12;
	[tilespmem:v9+s6+$0x0] =	vst.idx.add.f32.msk $0xffff, v7;
	v7 =	vmax.f32 v15, $0.0e+00  }
.Ltmp2:
0xd6: {  	vm3 =	vgt.f32 v19, $5.000000000e-01;
	v17 =	vxor.u32 $0x80000000, v26;
	v11 =	vshrl.u32 v8, $0x14;
	v15 =	vld [tilespmem:s10+$0x10];
	(pc) =	sbr.rel @p0 .LBB2_6-.Ltmp2, $4  }
0xd7: {  	v18 =	vsel vm1, $0x1000, v2;
	v9 =	vshrl.u32 v7, $0x14;
	v14 =	vmax.f32 v29, v7;
	[tilespmem:v20+s5+$0x0] =	vst.idx.add.f32.msk $0xffff, v1  }
0xd8: {  	v12 =	vsub.f32 $1.000000000e+00, v12;
	v9 =	vor.u32 v16, v9;
	v16 =	vsel vm3, v26, v17;
	[tilespmem:v20+s6+$0x0] =	vst.idx.add.f32.msk $0xffff, v6  }
0xd9: {  	v19 =	vsel vm2, $0x1000, v2;
	v10 =	vmax.f32 v10, $0.0e+00;
	vm1 =	vgt.f32 v22, $5.000000000e-01;
	[tilespmem:v21+s5+$0x0] =	vst.idx.add.f32.msk $0xffff, v1  }
0xda: {  	s11 =	sadd.s32 $0x80, s11;
	s10 =	sadd.s32 $0x80, s10;
	v12 =	vmax.f32 v12, $0.0e+00;
	v17 =	vsel vm3, $0x1000, v2;
	v20 =	vshrl.u32 v10, $0x14;
	[tilespmem:v21+s6+$0x0] =	vst.idx.add.f32.msk $0xffff, v13  }
0xdb: {  	v21 =	vxor.u32 $0x80000000, v15  }
0xdc: {  	v15 =	vsel vm1, v15, v21  }
0xdd: {  	v18 =	vor.u32 v18, v20;
	v20 =	vshrl.u32 v12, $0x14;
	v15 =	vsub.f32 $1.000000000e+00, v15  }
0xde: {  	v19 =	vor.u32 v19, v20  }
0xdf: {  	v16 =	vsub.f32 $1.000000000e+00, v16;
	v15 =	vmax.f32 v15, $0.0e+00  }
0xe0: {  	[tilespmem:v9+s5+$0x0] =	vst.idx.add.f32.msk $0xffff, v1;
	v20 =	vsel vm1, $0x1000, v2;
	v21 =	vshrl.u32 v15, $0x14  }
0xe1: {  	[tilespmem:v9+s6+$0x0] =	vst.idx.add.f32.msk $0xffff, v7;
	v16 =	vmax.f32 v16, $0.0e+00;
	v20 =	vor.u32 v20, v21  }
0xe2: {  	[tilespmem:v18+s5+$0x0] =	vst.idx.add.f32.msk $0xffff, v1;
	v21 =	vshrl.u32 v16, $0x14  }
0xe3: {  	[tilespmem:v19+s5+$0x0] =	vst.idx.add.f32.msk $0xffff, v1;
	v17 =	vor.u32 v17, v21  }
0xe4: {  	[tilespmem:v18+s6+$0x0] =	vst.idx.add.f32.msk $0xffff, v10;
	v21 =	vsel vm0, $0x1000, v2  }
0xe5: {  	v13 =	vmax.f32 v14, v13;
	[tilespmem:v19+s6+$0x0] =	vst.idx.add.f32.msk $0xffff, v12;
	v11 =	vor.u32 v21, v11  }
0xe6: {  	v13 =	vmax.f32 v13, v8;
	[tilespmem:v20+s5+$0x0] =	vst.idx.add.f32.msk $0xffff, v1  }
0xe7: {  	v13 =	vmax.f32 v13, v10;
	[tilespmem:v20+s6+$0x0] =	vst.idx.add.f32.msk $0xffff, v15  }
0xe8: {  	v12 =	vmax.f32 v13, v12;
	[tilespmem:v17+s5+$0x0] =	vst.idx.add.f32.msk $0xffff, v1  }
0xe9: {  	v10 =	vmax.f32 v12, v15;
	[tilespmem:v17+s6+$0x0] =	vst.idx.add.f32.msk $0xffff, v16  }
0xea: {  	v10 =	vmax.f32 v10, v16;
	[tilespmem:v11+s5+$0x0] =	vst.idx.add.f32.msk $0xffff, v1  }
0xeb: {  	v6 =	vmax.f32 v10, v6;
	[tilespmem:v11+s6+$0x0] =	vst.idx.add.f32.msk $0xffff, v8  }
0xec: {  	[tilespmem:$0x18000] =	vst v6  }
0xed: {  	_ =	swait.ge [sflag:s1], $0x2000  }
0xee: {  	[sflag:s1] =	ssyncset.done $0x0  }
0xef: {  	[sflag:s1] =	ssyncadd.s32 $0xFFFFE000  }
0xf0: {  	_ =	swait.ge [sflag:s2], $0x2000  }
0xf1: {  	[sflag:s2] =	ssyncset.done $0x0  }
0xf2: {  	s9 =	rddreg [dreg:$0x8];
	[sflag:s2] =	ssyncadd.s32 $0xFFFFE000  }
0xf3: {  	[tilespmem:s3], [sflag:$0x1] =	stream.linear.gather [hbm4b:s9+s25], $0x2000, $0x38;
	[tilespmem:$0x18080] =	vst v63  }
0xf4: {  	s11 =	simm.s32 $0x2040;
	s10 =	rddreg [dreg:$0x9]  }
0xf5: {  	[tilespmem:s4], [sflag:$0x2] =	stream.linear.gather [hbm4b:s10+s25], $0x2000, $0x38;
	[tilespmem:$0x18080] =	vst v63  }
0xf6: {  	s10 =	simm.s32 $0x40;
	v6 =	vld [tilespmem:s11+$0x30]  }
0xf7: {  	v7 =	vld [tilespmem:s10+$0x30]  }
0xf8: {  	v8 =	vld [tilespmem:s10+$0xFFFFFFC0]  }
0xf9: {  	v10 =	vld [tilespmem:s10+$0xFFFFFFE0]  }
0xfa: {  	v11 =	vld [tilespmem:s11+$0xFFFFFFE0]  }
0xfb: {  	v12 =	vld [tilespmem:s11+$0xFFFFFFD0]  }
0xfc: {  	v9 =	vld [tilespmem:s10+$0xFFFFFFD0];
	vm0 =	vgt.f32 v6, $5.000000000e-01;
	v6 =	vxor.u32 $0x80000000, v7  }
0xfd: {  	v6 =	vsel vm0, v7, v6;
	v7 =	vld [tilespmem:s11+$0xFFFFFFC0]  }
0xfe: {  	v14 =	vimm.f32 $0.0e+00;
	v15 =	vld [tilespmem:s10+$0xFFFFFFF0];
	v17 =	vxor.u32 $0x80000000, v10  }
0xff: {  	v13 =	vld [tilespmem:s11+$0xFFFFFFF0];
	v16 =	vsel vm0, $0x3000, v3;
	vm0 =	vgt.f32 v11, $5.000000000e-01;
	v6 =	vsub.f32 $1.000000000e+00, v6  }
0x100: {  	v19 =	vld [tilespmem:s11+$0x0];
	v18 =	vxor.u32 $0x80000000, v8;
	vm1 =	vgt.f32 v12, $5.000000000e-01;
	v10 =	vsel vm0, v10, v17  }
0x101: {  	v12 =	vxor.u32 $0x80000000, v9;
	v10 =	vsub.f32 $1.000000000e+00, v10;
	v6 =	vmax.f32 v6, $0.0e+00  }
0x102: {  	v21 =	vld [tilespmem:s11+$0x10];
	v11 =	vshrl.u32 v6, $0x14;
	vm2 =	vgt.f32 v7, $5.000000000e-01;
	v7 =	vsel vm1, v9, v12  }
0x103: {  	v17 =	vld [tilespmem:s10+$0x0];
	v12 =	vor.u32 v11, v16;
	v11 =	vsel vm1, $0x3000, v3;
	v7 =	vsub.f32 $1.000000000e+00, v7  }
0x104: {  	v9 =	vld [tilespmem:s11+$0x20];
	vm1 =	vgt.f32 v13, $5.000000000e-01;
	v8 =	vsel vm2, v8, v18;
	v18 =	vxor.u32 $0x80000000, v15  }
0x105: {  	v20 =	vsel vm2, $0x3000, v3;
	vm2 =	vgt.f32 v19, $5.000000000e-01;
	v13 =	vmax.f32 v7, $0.0e+00  }
0x106: {  	v16 =	vld [tilespmem:s10+$0x20];
	v8 =	vsub.f32 $1.000000000e+00, v8;
	v7 =	vsel vm1, v15, v18;
	v15 =	vshrl.u32 v13, $0x14  }
0x107: {  	v18 =	vsel vm1, $0x3000, v3;
	vm1 =	vgt.f32 v21, $5.000000000e-01;
	v22 =	vor.u32 v15, v11  }
0x108: {  	v19 =	vsub.f32 $1.000000000e+00, v7;
	v8 =	vmax.f32 v8, $0.0e+00;
	v7 =	vmax.f32 v10, $0.0e+00  }
0x109: {  	v11 =	vxor.u32 $0x80000000, v17;
	v15 =	vld [tilespmem:s10+$0x10];
	vm3 =	vgt.f32 v9, $5.000000000e-01;
	v9 =	vshrl.u32 v8, $0x14  }
0x10a: {  	v14 =	vmax.f32 v14, v8;
	[tilespmem:v12+s5+$0x0] =	vst.idx.add.f32.msk $0xffff, v1;
	v10 =	vsel vm2, v17, v11;
	v11 =	vshrl.u32 v7, $0x14  }
0x10b: {  	v17 =	vxor.u32 $0x80000000, v16;
	v9 =	vor.u32 v9, v20;
	[tilespmem:v12+s6+$0x0] =	vst.idx.add.f32.msk $0xffff, v6;
	v23 =	vsub.f32 $1.000000000e+00, v10  }
0x10c: {  	v16 =	vsel vm3, v16, v17;
	v10 =	vmax.f32 v19, $0.0e+00;
	v19 =	vsel vm2, $0x3000, v3;
	[tilespmem:v22+s5+$0x0] =	vst.idx.add.f32.msk $0xffff, v1  }
0x10d: {  	s9 =	simm.s32 $0x0;
	s11 =	simm.s32 $0x20C0;
	s10 =	simm.s32 $0xC0;
	v17 =	vsel vm3, $0x3000, v3;
	v20 =	vshrl.u32 v10, $0x14;
	v12 =	vmax.f32 v23, $0.0e+00;
	[tilespmem:v22+s6+$0x0] =	vst.idx.add.f32.msk $0xffff, v13  }
.LBB2_8:
0x10e: {  	v21 =	vld [tilespmem:s11+$0x0];
	s9 =	sadd.s32 $0x8, s9;
	v18 =	vor.u32 v20, v18;
	v20 =	vshrl.u32 v12, $0x14;
	v22 =	vxor.u32 $0x80000000, v15  }
0x10f: {  	v13 =	vmax.f32 v14, v13;
	v23 =	vld [tilespmem:s11+$0x30];
	p0 =	slt.u32 s9, $0x1F8;
	v14 =	vor.u32 v20, v19;
	v15 =	vsel vm1, v15, v22  }
0x110: {  	v16 =	vsub.f32 $1.000000000e+00, v16;
	v13 =	vmax.f32 v13, v7;
	v19 =	vld [tilespmem:s11+$0x20];
	v15 =	vsub.f32 $1.000000000e+00, v15  }
0x111: {  	v22 =	vsel vm1, $0x3000, v3;
	v13 =	vmax.f32 v13, v10;
	v20 =	vld [tilespmem:s11+$0xFFFFFFC0]  }
0x112: {  	v16 =	vmax.f32 v16, $0.0e+00;
	v13 =	vmax.f32 v13, v12;
	v24 =	vld [tilespmem:s10+$0x30]  }
0x113: {  	v26 =	vshrl.u32 v16, $0x14;
	v25 =	vld [tilespmem:s10+$0xFFFFFFC0]  }
0x114: {  	v17 =	vor.u32 v26, v17;
	[tilespmem:v18+s5+$0x0] =	vst.idx.add.f32.msk $0xffff, v1  }
0x115: {  	v26 =	vld [tilespmem:s10+$0x20]  }
0x116: {  	v15 =	vmax.f32 v15, $0.0e+00;
	v27 =	vld [tilespmem:s10+$0xFFFFFFD0]  }
0x117: {  	v29 =	vshrl.u32 v15, $0x14;
	vm1 =	vgt.f32 v23, $5.000000000e-01;
	v28 =	vld [tilespmem:s11+$0xFFFFFFD0];
	v23 =	vxor.u32 $0x80000000, v24  }
0x118: {  	v13 =	vmax.f32 v13, v15;
	v22 =	vor.u32 v29, v22;
	v30 =	vld [tilespmem:s10+$0xFFFFFFE0];
	v23 =	vsel vm1, v24, v23  }
0x119: {  	v13 =	vmax.f32 v13, v16;
	v23 =	vsub.f32 $1.000000000e+00, v23;
	[tilespmem:v14+s5+$0x0] =	vst.idx.add.f32.msk $0xffff, v1  }
0x11a: {  	v29 =	vmax.f32 v13, v6;
	v24 =	vld [tilespmem:s10+$0x0]  }
0x11b: {  	v13 =	vld [tilespmem:s11+$0xFFFFFFE0]  }
0x11c: {  	v31 =	vld [tilespmem:s10+$0xFFFFFFF0]  }
0x11d: {  	[tilespmem:v22+s5+$0x0] =	vst.idx.add.f32.msk $0xffff, v1  }
0x11e: {  	v34 =	vsel vm0, $0x3000, v3;
	v33 =	vsel vm1, $0x3000, v3;
	v32 =	vld [tilespmem:s11+$0xFFFFFFF0]  }
0x11f: {  	v11 =	vor.u32 v11, v34;
	v6 =	vmax.f32 v23, $0.0e+00;
	v35 =	vxor.u32 $0x80000000, v30;
	[tilespmem:v22+s6+$0x0] =	vst.idx.add.f32.msk $0xffff, v15  }
0x120: {  	v15 =	vxor.u32 $0x80000000, v25;
	vm0 =	vgt.f32 v13, $5.000000000e-01;
	v13 =	vshrl.u32 v6, $0x14;
	[tilespmem:v9+s5+$0x0] =	vst.idx.add.f32.msk $0xffff, v1  }
0x121: {  	vm1 =	vgt.f32 v28, $5.000000000e-01;
	v22 =	vxor.u32 $0x80000000, v27;
	v23 =	vsel vm0, v30, v35;
	[tilespmem:v14+s6+$0x0] =	vst.idx.add.f32.msk $0xffff, v12  }
0x122: {  	vm2 =	vgt.f32 v20, $5.000000000e-01;
	v12 =	vsel vm1, v27, v22;
	v20 =	vor.u32 v13, v33;
	[tilespmem:v17+s5+$0x0] =	vst.idx.add.f32.msk $0xffff, v1  }
0x123: {  	v13 =	vsel vm2, v25, v15;
	v14 =	vsel vm1, $0x3000, v3;
	v12 =	vsub.f32 $1.000000000e+00, v12;
	v22 =	vld [tilespmem:s11+$0x10]  }
0x124: {  	v25 =	vxor.u32 $0x80000000, v31;
	v15 =	vsub.f32 $1.000000000e+00, v13;
	vm1 =	vgt.f32 v32, $5.000000000e-01;
	[tilespmem:v17+s6+$0x0] =	vst.idx.add.f32.msk $0xffff, v16  }
0x125: {  	v16 =	vsel vm2, $0x3000, v3;
	v13 =	vmax.f32 v12, $0.0e+00;
	v12 =	vsel vm1, v31, v25;
	[tilespmem:v18+s6+$0x0] =	vst.idx.add.f32.msk $0xffff, v10  }
0x126: {  	v17 =	vsub.f32 $1.000000000e+00, v23;
	vm2 =	vgt.f32 v21, $5.000000000e-01;
	v10 =	vshrl.u32 v13, $0x14;
	[tilespmem:v11+s5+$0x0] =	vst.idx.add.f32.msk $0xffff, v1  }
0x127: {  	v21 =	vor.u32 v10, v14;
	v10 =	vsub.f32 $1.000000000e+00, v12;
	v12 =	vxor.u32 $0x80000000, v24;
	[tilespmem:v11+s6+$0x0] =	vst.idx.add.f32.msk $0xffff, v7  }
0x128: {  	v7 =	vmax.f32 v17, $0.0e+00;
	v12 =	vsel vm2, v24, v12;
	[tilespmem:v9+s6+$0x0] =	vst.idx.add.f32.msk $0xffff, v8;
	v8 =	vmax.f32 v15, $0.0e+00  }
.Ltmp3:
0x129: {  	vm3 =	vgt.f32 v19, $5.000000000e-01;
	v17 =	vxor.u32 $0x80000000, v26;
	v11 =	vshrl.u32 v7, $0x14;
	v15 =	vld [tilespmem:s10+$0x10];
	(pc) =	sbr.rel @p0 .LBB2_8-.Ltmp3, $4  }
0x12a: {  	v18 =	vsel vm1, $0x3000, v3;
	v9 =	vshrl.u32 v8, $0x14;
	v14 =	vmax.f32 v29, v8;
	[tilespmem:v20+s5+$0x0] =	vst.idx.add.f32.msk $0xffff, v1  }
0x12b: {  	v12 =	vsub.f32 $1.000000000e+00, v12;
	v9 =	vor.u32 v9, v16;
	v16 =	vsel vm3, v26, v17;
	[tilespmem:v20+s6+$0x0] =	vst.idx.add.f32.msk $0xffff, v6  }
0x12c: {  	v19 =	vsel vm2, $0x3000, v3;
	v10 =	vmax.f32 v10, $0.0e+00;
	vm1 =	vgt.f32 v22, $5.000000000e-01;
	[tilespmem:v21+s5+$0x0] =	vst.idx.add.f32.msk $0xffff, v1  }
0x12d: {  	s11 =	sadd.s32 $0x80, s11;
	s10 =	sadd.s32 $0x80, s10;
	v12 =	vmax.f32 v12, $0.0e+00;
	v17 =	vsel vm3, $0x3000, v3;
	v20 =	vshrl.u32 v10, $0x14;
	[tilespmem:v21+s6+$0x0] =	vst.idx.add.f32.msk $0xffff, v13  }
0x12e: {  	v21 =	vxor.u32 $0x80000000, v15  }
0x12f: {  	v15 =	vsel vm1, v15, v21  }
0x130: {  	v18 =	vor.u32 v20, v18;
	v20 =	vshrl.u32 v12, $0x14;
	v15 =	vsub.f32 $1.000000000e+00, v15  }
0x131: {  	v19 =	vor.u32 v20, v19  }
0x132: {  	v16 =	vsub.f32 $1.000000000e+00, v16;
	v15 =	vmax.f32 v15, $0.0e+00  }
0x133: {  	[tilespmem:v9+s5+$0x0] =	vst.idx.add.f32.msk $0xffff, v1;
	v20 =	vsel vm1, $0x3000, v3;
	v21 =	vshrl.u32 v15, $0x14  }
0x134: {  	[tilespmem:v9+s6+$0x0] =	vst.idx.add.f32.msk $0xffff, v8;
	v16 =	vmax.f32 v16, $0.0e+00;
	v20 =	vor.u32 v21, v20  }
0x135: {  	[tilespmem:v18+s5+$0x0] =	vst.idx.add.f32.msk $0xffff, v1;
	v21 =	vshrl.u32 v16, $0x14  }
0x136: {  	[tilespmem:v19+s5+$0x0] =	vst.idx.add.f32.msk $0xffff, v1;
	v17 =	vor.u32 v21, v17  }
0x137: {  	[tilespmem:v18+s6+$0x0] =	vst.idx.add.f32.msk $0xffff, v10;
	v21 =	vsel vm0, $0x3000, v3  }
0x138: {  	[tilespmem:v19+s6+$0x0] =	vst.idx.add.f32.msk $0xffff, v12;
	v11 =	vor.u32 v11, v21  }
0x139: {  	[tilespmem:v20+s5+$0x0] =	vst.idx.add.f32.msk $0xffff, v1  }
0x13a: {  	[tilespmem:v20+s6+$0x0] =	vst.idx.add.f32.msk $0xffff, v15  }
0x13b: {  	[tilespmem:v17+s5+$0x0] =	vst.idx.add.f32.msk $0xffff, v1  }
0x13c: {  	[tilespmem:v17+s6+$0x0] =	vst.idx.add.f32.msk $0xffff, v16  }
0x13d: {  	[tilespmem:v11+s5+$0x0] =	vst.idx.add.f32.msk $0xffff, v1  }
0x13e: {  	[tilespmem:v11+s6+$0x0] =	vst.idx.add.f32.msk $0xffff, v7  }
0x13f: {  	_ =	swait.ge [sflag:s1], $0x2000  }
0x140: {  	[sflag:s1] =	ssyncset.done $0x0  }
0x141: {  	[sflag:s1] =	ssyncadd.s32 $0xFFFFE000  }
0x142: {  	_ =	swait.ge [sflag:s2], $0x2000  }
0x143: {  	[sflag:s2] =	ssyncset.done $0x0  }
0x144: {  	s9 =	rddreg [dreg:$0xa];
	[sflag:s2] =	ssyncadd.s32 $0xFFFFE000  }
0x145: {  	[tilespmem:s25], [sflag:$0x1] =	stream.linear.gather [hbm4b:s9+s25], $0x2000, $0x38;
	[tilespmem:$0x18080] =	vst v63  }
0x146: {  	s11 =	simm.s32 $0x6040;
	s10 =	rddreg [dreg:$0xb]  }
0x147: {  	[tilespmem:s0], [sflag:$0x2] =	stream.linear.gather [hbm4b:s10+s25], $0x2000, $0x38;
	[tilespmem:$0x18080] =	vst v63  }
0x148: {  	v11 =	vmax.f32 v14, v13;
	s10 =	simm.s32 $0x4040;
	v8 =	vld [tilespmem:s11+$0x30]  }
0x149: {  	v7 =	vmax.f32 v11, v7;
	v9 =	vld [tilespmem:s10+$0x30]  }
0x14a: {  	v7 =	vmax.f32 v7, v10;
	v10 =	vld [tilespmem:s10+$0xFFFFFFE0]  }
0x14b: {  	v7 =	vmax.f32 v7, v12;
	v12 =	vld [tilespmem:s11+$0xFFFFFFE0]  }
0x14c: {  	v14 =	vld [tilespmem:s11+$0xFFFFFFD0]  }
0x14d: {  	v11 =	vld [tilespmem:s10+$0xFFFFFFD0]  }
0x14e: {  	v7 =	vmax.f32 v7, v15;
	v13 =	vld [tilespmem:s10+$0xFFFFFFC0];
	vm0 =	vgt.f32 v8, $5.000000000e-01;
	v8 =	vxor.u32 $0x80000000, v9  }
0x14f: {  	v7 =	vmax.f32 v7, v16;
	v8 =	vsel vm0, v9, v8;
	v9 =	vld [tilespmem:s11+$0xFFFFFFC0]  }
0x150: {  	v16 =	vmax.f32 v7, v6;
	v15 =	vld [tilespmem:s11+$0xFFFFFFF0];
	v18 =	vxor.u32 $0x80000000, v10;
	v8 =	vsub.f32 $1.000000000e+00, v8  }
0x151: {  	v7 =	vld [tilespmem:s10+$0xFFFFFFF0];
	vm1 =	vgt.f32 v14, $5.000000000e-01;
	v17 =	vsel vm0, $0x3000, v3;
	vm0 =	vgt.f32 v12, $5.000000000e-01  }
0x152: {  	v14 =	vxor.u32 $0x80000000, v11;
	v10 =	vsel vm0, v10, v18;
	v6 =	vmax.f32 v8, $0.0e+00  }
0x153: {  	v19 =	vld [tilespmem:s11+$0x0];
	v10 =	vsub.f32 $1.000000000e+00, v10;
	v8 =	vxor.u32 $0x80000000, v13;
	v12 =	vshrl.u32 v6, $0x14  }
0x154: {  	v18 =	vld [tilespmem:s10+$0x0];
	vm2 =	vgt.f32 v9, $5.000000000e-01;
	v9 =	vsel vm1, v11, v14;
	v12 =	vor.u32 v12, v17  }
0x155: {  	v14 =	vld [tilespmem:s11+$0x20];
	v11 =	vsel vm1, $0x3000, v3;
	vm1 =	vgt.f32 v15, $5.000000000e-01;
	v9 =	vsub.f32 $1.000000000e+00, v9  }
0x156: {  	v17 =	vld [tilespmem:s10+$0x20];
	v15 =	vxor.u32 $0x80000000, v7;
	v8 =	vsel vm2, v13, v8;
	v20 =	vsel vm2, $0x3000, v3  }
0x157: {  	v7 =	vsel vm1, v7, v15;
	v8 =	vsub.f32 $1.000000000e+00, v8;
	v13 =	vmax.f32 v9, $0.0e+00  }
0x158: {  	v21 =	vld [tilespmem:s11+$0x10];
	vm2 =	vgt.f32 v19, $5.000000000e-01;
	v19 =	vsub.f32 $1.000000000e+00, v7;
	v9 =	vshrl.u32 v13, $0x14  }
0x159: {  	v7 =	vmax.f32 v8, $0.0e+00;
	v8 =	vmax.f32 v10, $0.0e+00;
	v22 =	vor.u32 v9, v11  }
0x15a: {  	v9 =	vxor.u32 $0x80000000, v18;
	v11 =	vshrl.u32 v8, $0x14  }
0x15b: {  	v15 =	vld [tilespmem:s10+$0x10];
	vm3 =	vgt.f32 v14, $5.000000000e-01;
	v23 =	vxor.u32 $0x80000000, v17;
	v14 =	vmax.f32 v16, v7  }
0x15c: {  	[tilespmem:v12+s5+$0x0] =	vst.idx.add.f32.msk $0xffff, v1;
	v10 =	vsel vm2, v18, v9;
	v9 =	vshrl.u32 v7, $0x14;
	v18 =	vsel vm1, $0x3000, v3  }
0x15d: {  	v16 =	vsel vm3, v17, v23;
	[tilespmem:v12+s6+$0x0] =	vst.idx.add.f32.msk $0xffff, v6;
	vm1 =	vgt.f32 v21, $5.000000000e-01;
	v24 =	vsub.f32 $1.000000000e+00, v10  }
0x15e: {  	v17 =	vsel vm3, $0x3000, v3;
	v9 =	vor.u32 v9, v20;
	v10 =	vmax.f32 v19, $0.0e+00;
	[tilespmem:v22+s5+$0x0] =	vst.idx.add.f32.msk $0xffff, v1  }
0x15f: {  	s9 =	simm.s32 $0x0;
	s11 =	simm.s32 $0x60C0;
	s10 =	simm.s32 $0x40C0;
	v19 =	vsel vm2, $0x3000, v3;
	v20 =	vshrl.u32 v10, $0x14;
	v12 =	vmax.f32 v24, $0.0e+00;
	[tilespmem:v22+s6+$0x0] =	vst.idx.add.f32.msk $0xffff, v13  }
.LBB2_10:
0x160: {  	v21 =	vld [tilespmem:s11+$0x0];
	s9 =	sadd.s32 $0x8, s9;
	v18 =	vor.u32 v20, v18;
	v20 =	vshrl.u32 v12, $0x14;
	v22 =	vxor.u32 $0x80000000, v15  }
0x161: {  	v13 =	vmax.f32 v14, v13;
	v23 =	vld [tilespmem:s11+$0x30];
	p0 =	slt.u32 s9, $0x1F8;
	v14 =	vor.u32 v20, v19;
	v15 =	vsel vm1, v15, v22  }
0x162: {  	v16 =	vsub.f32 $1.000000000e+00, v16;
	v13 =	vmax.f32 v13, v8;
	v19 =	vld [tilespmem:s11+$0x20];
	v15 =	vsub.f32 $1.000000000e+00, v15  }
0x163: {  	v22 =	vsel vm1, $0x3000, v3;
	v13 =	vmax.f32 v13, v10;
	v20 =	vld [tilespmem:s11+$0xFFFFFFC0]  }
0x164: {  	v16 =	vmax.f32 v16, $0.0e+00;
	v13 =	vmax.f32 v13, v12;
	v24 =	vld [tilespmem:s10+$0x30]  }
0x165: {  	v26 =	vshrl.u32 v16, $0x14;
	v25 =	vld [tilespmem:s10+$0xFFFFFFC0]  }
0x166: {  	v17 =	vor.u32 v26, v17;
	[tilespmem:v18+s5+$0x0] =	vst.idx.add.f32.msk $0xffff, v1  }
0x167: {  	v26 =	vld [tilespmem:s10+$0x20]  }
0x168: {  	v15 =	vmax.f32 v15, $0.0e+00;
	v27 =	vld [tilespmem:s10+$0xFFFFFFD0]  }
0x169: {  	v29 =	vshrl.u32 v15, $0x14;
	vm1 =	vgt.f32 v23, $5.000000000e-01;
	v28 =	vld [tilespmem:s11+$0xFFFFFFD0];
	v23 =	vxor.u32 $0x80000000, v24  }
0x16a: {  	v13 =	vmax.f32 v13, v15;
	v22 =	vor.u32 v29, v22;
	v30 =	vld [tilespmem:s10+$0xFFFFFFE0];
	v23 =	vsel vm1, v24, v23  }
0x16b: {  	v13 =	vmax.f32 v13, v16;
	v23 =	vsub.f32 $1.000000000e+00, v23;
	[tilespmem:v14+s5+$0x0] =	vst.idx.add.f32.msk $0xffff, v1  }
0x16c: {  	v29 =	vmax.f32 v13, v6;
	v24 =	vld [tilespmem:s10+$0x0]  }
0x16d: {  	v13 =	vld [tilespmem:s11+$0xFFFFFFE0]  }
0x16e: {  	v31 =	vld [tilespmem:s10+$0xFFFFFFF0]  }
0x16f: {  	[tilespmem:v22+s5+$0x0] =	vst.idx.add.f32.msk $0xffff, v1  }
0x170: {  	v34 =	vsel vm0, $0x3000, v3;
	v33 =	vsel vm1, $0x3000, v3;
	v32 =	vld [tilespmem:s11+$0xFFFFFFF0]  }
0x171: {  	v11 =	vor.u32 v11, v34;
	v6 =	vmax.f32 v23, $0.0e+00;
	v35 =	vxor.u32 $0x80000000, v30;
	[tilespmem:v22+s6+$0x0] =	vst.idx.add.f32.msk $0xffff, v15  }
0x172: {  	v15 =	vxor.u32 $0x80000000, v25;
	vm0 =	vgt.f32 v13, $5.000000000e-01;
	v13 =	vshrl.u32 v6, $0x14;
	[tilespmem:v9+s5+$0x0] =	vst.idx.add.f32.msk $0xffff, v1  }
0x173: {  	vm1 =	vgt.f32 v28, $5.000000000e-01;
	v22 =	vxor.u32 $0x80000000, v27;
	v23 =	vsel vm0, v30, v35;
	[tilespmem:v14+s6+$0x0] =	vst.idx.add.f32.msk $0xffff, v12  }
0x174: {  	vm2 =	vgt.f32 v20, $5.000000000e-01;
	v12 =	vsel vm1, v27, v22;
	v20 =	vor.u32 v13, v33;
	[tilespmem:v17+s5+$0x0] =	vst.idx.add.f32.msk $0xffff, v1  }
0x175: {  	v13 =	vsel vm2, v25, v15;
	v14 =	vsel vm1, $0x3000, v3;
	v12 =	vsub.f32 $1.000000000e+00, v12;
	v22 =	vld [tilespmem:s11+$0x10]  }
0x176: {  	v25 =	vxor.u32 $0x80000000, v31;
	v15 =	vsub.f32 $1.000000000e+00, v13;
	vm1 =	vgt.f32 v32, $5.000000000e-01;
	[tilespmem:v17+s6+$0x0] =	vst.idx.add.f32.msk $0xffff, v16  }
0x177: {  	v16 =	vsel vm2, $0x3000, v3;
	v13 =	vmax.f32 v12, $0.0e+00;
	v12 =	vsel vm1, v31, v25;
	[tilespmem:v18+s6+$0x0] =	vst.idx.add.f32.msk $0xffff, v10  }
0x178: {  	v17 =	vsub.f32 $1.000000000e+00, v23;
	vm2 =	vgt.f32 v21, $5.000000000e-01;
	v10 =	vshrl.u32 v13, $0x14;
	[tilespmem:v11+s5+$0x0] =	vst.idx.add.f32.msk $0xffff, v1  }
0x179: {  	v21 =	vor.u32 v10, v14;
	v10 =	vsub.f32 $1.000000000e+00, v12;
	v12 =	vxor.u32 $0x80000000, v24;
	[tilespmem:v11+s6+$0x0] =	vst.idx.add.f32.msk $0xffff, v8  }
0x17a: {  	v8 =	vmax.f32 v17, $0.0e+00;
	v12 =	vsel vm2, v24, v12;
	[tilespmem:v9+s6+$0x0] =	vst.idx.add.f32.msk $0xffff, v7;
	v7 =	vmax.f32 v15, $0.0e+00  }
.Ltmp4:
0x17b: {  	vm3 =	vgt.f32 v19, $5.000000000e-01;
	v17 =	vxor.u32 $0x80000000, v26;
	v11 =	vshrl.u32 v8, $0x14;
	v15 =	vld [tilespmem:s10+$0x10];
	(pc) =	sbr.rel @p0 .LBB2_10-.Ltmp4, $4  }
0x17c: {  	v18 =	vsel vm1, $0x3000, v3;
	v9 =	vshrl.u32 v7, $0x14;
	v14 =	vmax.f32 v29, v7;
	[tilespmem:v20+s5+$0x0] =	vst.idx.add.f32.msk $0xffff, v1  }
0x17d: {  	v12 =	vsub.f32 $1.000000000e+00, v12;
	v9 =	vor.u32 v9, v16;
	v16 =	vsel vm3, v26, v17;
	[tilespmem:v20+s6+$0x0] =	vst.idx.add.f32.msk $0xffff, v6  }
0x17e: {  	v19 =	vsel vm2, $0x3000, v3;
	v10 =	vmax.f32 v10, $0.0e+00;
	vm1 =	vgt.f32 v22, $5.000000000e-01;
	[tilespmem:v21+s5+$0x0] =	vst.idx.add.f32.msk $0xffff, v1  }
0x17f: {  	s11 =	sadd.s32 $0x80, s11;
	s10 =	sadd.s32 $0x80, s10;
	v12 =	vmax.f32 v12, $0.0e+00;
	v17 =	vsel vm3, $0x3000, v3;
	v20 =	vshrl.u32 v10, $0x14;
	[tilespmem:v21+s6+$0x0] =	vst.idx.add.f32.msk $0xffff, v13  }
0x180: {  	v21 =	vxor.u32 $0x80000000, v15  }
0x181: {  	v15 =	vsel vm1, v15, v21  }
0x182: {  	v18 =	vor.u32 v20, v18;
	v20 =	vshrl.u32 v12, $0x14;
	v15 =	vsub.f32 $1.000000000e+00, v15  }
0x183: {  	v19 =	vor.u32 v20, v19  }
0x184: {  	v16 =	vsub.f32 $1.000000000e+00, v16;
	v15 =	vmax.f32 v15, $0.0e+00  }
0x185: {  	[tilespmem:v9+s5+$0x0] =	vst.idx.add.f32.msk $0xffff, v1;
	v20 =	vsel vm1, $0x3000, v3;
	v21 =	vshrl.u32 v15, $0x14  }
0x186: {  	[tilespmem:v9+s6+$0x0] =	vst.idx.add.f32.msk $0xffff, v7;
	v16 =	vmax.f32 v16, $0.0e+00;
	v20 =	vor.u32 v21, v20  }
0x187: {  	[tilespmem:v18+s5+$0x0] =	vst.idx.add.f32.msk $0xffff, v1;
	v21 =	vshrl.u32 v16, $0x14  }
0x188: {  	[tilespmem:v19+s5+$0x0] =	vst.idx.add.f32.msk $0xffff, v1;
	v17 =	vor.u32 v21, v17  }
0x189: {  	[tilespmem:v18+s6+$0x0] =	vst.idx.add.f32.msk $0xffff, v10;
	v21 =	vsel vm0, $0x3000, v3  }
0x18a: {  	v13 =	vmax.f32 v14, v13;
	[tilespmem:v19+s6+$0x0] =	vst.idx.add.f32.msk $0xffff, v12;
	v11 =	vor.u32 v11, v21  }
0x18b: {  	v13 =	vmax.f32 v13, v8;
	[tilespmem:v20+s5+$0x0] =	vst.idx.add.f32.msk $0xffff, v1  }
0x18c: {  	v13 =	vmax.f32 v13, v10;
	[tilespmem:v20+s6+$0x0] =	vst.idx.add.f32.msk $0xffff, v15  }
0x18d: {  	v12 =	vmax.f32 v13, v12;
	[tilespmem:v17+s5+$0x0] =	vst.idx.add.f32.msk $0xffff, v1  }
0x18e: {  	v10 =	vmax.f32 v12, v15;
	[tilespmem:v17+s6+$0x0] =	vst.idx.add.f32.msk $0xffff, v16  }
0x18f: {  	v10 =	vmax.f32 v10, v16;
	[tilespmem:v11+s5+$0x0] =	vst.idx.add.f32.msk $0xffff, v1  }
0x190: {  	v6 =	vmax.f32 v10, v6;
	[tilespmem:v11+s6+$0x0] =	vst.idx.add.f32.msk $0xffff, v8  }
0x191: {  	[tilespmem:$0x18010] =	vst v6  }
0x192: {  	_ =	swait.ge [sflag:s1], $0x2000  }
0x193: {  	[sflag:s1] =	ssyncset.done $0x0  }
0x194: {  	[sflag:s1] =	ssyncadd.s32 $0xFFFFE000  }
0x195: {  	_ =	swait.ge [sflag:s2], $0x2000  }
0x196: {  	[sflag:s2] =	ssyncset.done $0x0  }
0x197: {  	s9 =	rddreg [dreg:$0xc];
	[sflag:s2] =	ssyncadd.s32 $0xFFFFE000  }
0x198: {  	[tilespmem:s3], [sflag:$0x1] =	stream.linear.gather [hbm4b:s9+s25], $0x2000, $0x38;
	[tilespmem:$0x18080] =	vst v63  }
0x199: {  	s11 =	simm.s32 $0x2040  }
0x19a: {  	[tilespmem:s4], [sflag:$0x2] =	stream.linear.gather [hbm4b:s12+s25], $0x2000, $0x38;
	[tilespmem:$0x18080] =	vst v63  }
0x19b: {  	s10 =	simm.s32 $0x40;
	v6 =	vld [tilespmem:s11+$0x30]  }
0x19c: {  	v7 =	vld [tilespmem:s10+$0x30]  }
0x19d: {  	v8 =	vld [tilespmem:s10+$0xFFFFFFC0]  }
0x19e: {  	v10 =	vld [tilespmem:s10+$0xFFFFFFE0]  }
0x19f: {  	v11 =	vld [tilespmem:s11+$0xFFFFFFE0]  }
0x1a0: {  	v12 =	vld [tilespmem:s11+$0xFFFFFFD0]  }
0x1a1: {  	v9 =	vld [tilespmem:s10+$0xFFFFFFD0];
	vm0 =	vgt.f32 v6, $5.000000000e-01;
	v6 =	vxor.u32 $0x80000000, v7  }
0x1a2: {  	v6 =	vsel vm0, v7, v6;
	v7 =	vld [tilespmem:s11+$0xFFFFFFC0]  }
0x1a3: {  	v14 =	vimm.f32 $0.0e+00;
	v15 =	vld [tilespmem:s10+$0xFFFFFFF0];
	v17 =	vxor.u32 $0x80000000, v10  }
0x1a4: {  	v13 =	vld [tilespmem:s11+$0xFFFFFFF0];
	v16 =	vsel vm0, $0x5000, v4;
	vm0 =	vgt.f32 v11, $5.000000000e-01;
	v6 =	vsub.f32 $1.000000000e+00, v6  }
0x1a5: {  	v19 =	vld [tilespmem:s11+$0x0];
	v18 =	vxor.u32 $0x80000000, v8;
	vm1 =	vgt.f32 v12, $5.000000000e-01;
	v10 =	vsel vm0, v10, v17  }
0x1a6: {  	v12 =	vxor.u32 $0x80000000, v9;
	v10 =	vsub.f32 $1.000000000e+00, v10;
	v6 =	vmax.f32 v6, $0.0e+00  }
0x1a7: {  	v21 =	vld [tilespmem:s11+$0x10];
	v11 =	vshrl.u32 v6, $0x14;
	vm2 =	vgt.f32 v7, $5.000000000e-01;
	v7 =	vsel vm1, v9, v12  }
0x1a8: {  	v17 =	vld [tilespmem:s10+$0x0];
	v12 =	vor.u32 v11, v16;
	v11 =	vsel vm1, $0x5000, v4;
	v7 =	vsub.f32 $1.000000000e+00, v7  }
0x1a9: {  	v9 =	vld [tilespmem:s11+$0x20];
	vm1 =	vgt.f32 v13, $5.000000000e-01;
	v8 =	vsel vm2, v8, v18;
	v18 =	vxor.u32 $0x80000000, v15  }
0x1aa: {  	v20 =	vsel vm2, $0x5000, v4;
	vm2 =	vgt.f32 v19, $5.000000000e-01;
	v13 =	vmax.f32 v7, $0.0e+00  }
0x1ab: {  	v16 =	vld [tilespmem:s10+$0x20];
	v8 =	vsub.f32 $1.000000000e+00, v8;
	v7 =	vsel vm1, v15, v18;
	v15 =	vshrl.u32 v13, $0x14  }
0x1ac: {  	v18 =	vsel vm1, $0x5000, v4;
	vm1 =	vgt.f32 v21, $5.000000000e-01;
	v22 =	vor.u32 v15, v11  }
0x1ad: {  	v19 =	vsub.f32 $1.000000000e+00, v7;
	v8 =	vmax.f32 v8, $0.0e+00;
	v7 =	vmax.f32 v10, $0.0e+00  }
0x1ae: {  	v11 =	vxor.u32 $0x80000000, v17;
	v15 =	vld [tilespmem:s10+$0x10];
	vm3 =	vgt.f32 v9, $5.000000000e-01;
	v9 =	vshrl.u32 v8, $0x14  }
0x1af: {  	v14 =	vmax.f32 v14, v8;
	[tilespmem:v12+s5+$0x0] =	vst.idx.add.f32.msk $0xffff, v1;
	v10 =	vsel vm2, v17, v11;
	v11 =	vshrl.u32 v7, $0x14  }
0x1b0: {  	v17 =	vxor.u32 $0x80000000, v16;
	v9 =	vor.u32 v9, v20;
	[tilespmem:v12+s6+$0x0] =	vst.idx.add.f32.msk $0xffff, v6;
	v23 =	vsub.f32 $1.000000000e+00, v10  }
0x1b1: {  	v16 =	vsel vm3, v16, v17;
	v10 =	vmax.f32 v19, $0.0e+00;
	v19 =	vsel vm2, $0x5000, v4;
	[tilespmem:v22+s5+$0x0] =	vst.idx.add.f32.msk $0xffff, v1  }
0x1b2: {  	s9 =	simm.s32 $0x0;
	s11 =	simm.s32 $0x20C0;
	s10 =	simm.s32 $0xC0;
	v17 =	vsel vm3, $0x5000, v4;
	v20 =	vshrl.u32 v10, $0x14;
	v12 =	vmax.f32 v23, $0.0e+00;
	[tilespmem:v22+s6+$0x0] =	vst.idx.add.f32.msk $0xffff, v13  }
.LBB2_12:
0x1b3: {  	v21 =	vld [tilespmem:s11+$0x0];
	s9 =	sadd.s32 $0x8, s9;
	v18 =	vor.u32 v20, v18;
	v20 =	vshrl.u32 v12, $0x14;
	v22 =	vxor.u32 $0x80000000, v15  }
0x1b4: {  	v13 =	vmax.f32 v14, v13;
	v23 =	vld [tilespmem:s11+$0x30];
	p0 =	slt.u32 s9, $0x1F8;
	v14 =	vor.u32 v20, v19;
	v15 =	vsel vm1, v15, v22  }
0x1b5: {  	v16 =	vsub.f32 $1.000000000e+00, v16;
	v13 =	vmax.f32 v13, v7;
	v19 =	vld [tilespmem:s11+$0x20];
	v15 =	vsub.f32 $1.000000000e+00, v15  }
0x1b6: {  	v22 =	vsel vm1, $0x5000, v4;
	v13 =	vmax.f32 v13, v10;
	v20 =	vld [tilespmem:s11+$0xFFFFFFC0]  }
0x1b7: {  	v16 =	vmax.f32 v16, $0.0e+00;
	v13 =	vmax.f32 v13, v12;
	v24 =	vld [tilespmem:s10+$0x30]  }
0x1b8: {  	v26 =	vshrl.u32 v16, $0x14;
	v25 =	vld [tilespmem:s10+$0xFFFFFFC0]  }
0x1b9: {  	v17 =	vor.u32 v26, v17;
	[tilespmem:v18+s5+$0x0] =	vst.idx.add.f32.msk $0xffff, v1  }
0x1ba: {  	v26 =	vld [tilespmem:s10+$0x20]  }
0x1bb: {  	v15 =	vmax.f32 v15, $0.0e+00;
	v27 =	vld [tilespmem:s10+$0xFFFFFFD0]  }
0x1bc: {  	v29 =	vshrl.u32 v15, $0x14;
	vm1 =	vgt.f32 v23, $5.000000000e-01;
	v28 =	vld [tilespmem:s11+$0xFFFFFFD0];
	v23 =	vxor.u32 $0x80000000, v24  }
0x1bd: {  	v13 =	vmax.f32 v13, v15;
	v22 =	vor.u32 v29, v22;
	v30 =	vld [tilespmem:s10+$0xFFFFFFE0];
	v23 =	vsel vm1, v24, v23  }
0x1be: {  	v13 =	vmax.f32 v13, v16;
	v23 =	vsub.f32 $1.000000000e+00, v23;
	[tilespmem:v14+s5+$0x0] =	vst.idx.add.f32.msk $0xffff, v1  }
0x1bf: {  	v29 =	vmax.f32 v13, v6;
	v24 =	vld [tilespmem:s10+$0x0]  }
0x1c0: {  	v13 =	vld [tilespmem:s11+$0xFFFFFFE0]  }
0x1c1: {  	v31 =	vld [tilespmem:s10+$0xFFFFFFF0]  }
0x1c2: {  	[tilespmem:v22+s5+$0x0] =	vst.idx.add.f32.msk $0xffff, v1  }
0x1c3: {  	v34 =	vsel vm0, $0x5000, v4;
	v33 =	vsel vm1, $0x5000, v4;
	v32 =	vld [tilespmem:s11+$0xFFFFFFF0]  }
0x1c4: {  	v11 =	vor.u32 v11, v34;
	v6 =	vmax.f32 v23, $0.0e+00;
	v35 =	vxor.u32 $0x80000000, v30;
	[tilespmem:v22+s6+$0x0] =	vst.idx.add.f32.msk $0xffff, v15  }
0x1c5: {  	v15 =	vxor.u32 $0x80000000, v25;
	vm0 =	vgt.f32 v13, $5.000000000e-01;
	v13 =	vshrl.u32 v6, $0x14;
	[tilespmem:v9+s5+$0x0] =	vst.idx.add.f32.msk $0xffff, v1  }
0x1c6: {  	vm1 =	vgt.f32 v28, $5.000000000e-01;
	v22 =	vxor.u32 $0x80000000, v27;
	v23 =	vsel vm0, v30, v35;
	[tilespmem:v14+s6+$0x0] =	vst.idx.add.f32.msk $0xffff, v12  }
0x1c7: {  	vm2 =	vgt.f32 v20, $5.000000000e-01;
	v12 =	vsel vm1, v27, v22;
	v20 =	vor.u32 v13, v33;
	[tilespmem:v17+s5+$0x0] =	vst.idx.add.f32.msk $0xffff, v1  }
0x1c8: {  	v13 =	vsel vm2, v25, v15;
	v14 =	vsel vm1, $0x5000, v4;
	v12 =	vsub.f32 $1.000000000e+00, v12;
	v22 =	vld [tilespmem:s11+$0x10]  }
0x1c9: {  	v25 =	vxor.u32 $0x80000000, v31;
	v15 =	vsub.f32 $1.000000000e+00, v13;
	vm1 =	vgt.f32 v32, $5.000000000e-01;
	[tilespmem:v17+s6+$0x0] =	vst.idx.add.f32.msk $0xffff, v16  }
0x1ca: {  	v16 =	vsel vm2, $0x5000, v4;
	v13 =	vmax.f32 v12, $0.0e+00;
	v12 =	vsel vm1, v31, v25;
	[tilespmem:v18+s6+$0x0] =	vst.idx.add.f32.msk $0xffff, v10  }
0x1cb: {  	v17 =	vsub.f32 $1.000000000e+00, v23;
	vm2 =	vgt.f32 v21, $5.000000000e-01;
	v10 =	vshrl.u32 v13, $0x14;
	[tilespmem:v11+s5+$0x0] =	vst.idx.add.f32.msk $0xffff, v1  }
0x1cc: {  	v21 =	vor.u32 v10, v14;
	v10 =	vsub.f32 $1.000000000e+00, v12;
	v12 =	vxor.u32 $0x80000000, v24;
	[tilespmem:v11+s6+$0x0] =	vst.idx.add.f32.msk $0xffff, v7  }
0x1cd: {  	v7 =	vmax.f32 v17, $0.0e+00;
	v12 =	vsel vm2, v24, v12;
	[tilespmem:v9+s6+$0x0] =	vst.idx.add.f32.msk $0xffff, v8;
	v8 =	vmax.f32 v15, $0.0e+00  }
.Ltmp5:
0x1ce: {  	vm3 =	vgt.f32 v19, $5.000000000e-01;
	v17 =	vxor.u32 $0x80000000, v26;
	v11 =	vshrl.u32 v7, $0x14;
	v15 =	vld [tilespmem:s10+$0x10];
	(pc) =	sbr.rel @p0 .LBB2_12-.Ltmp5, $4  }
0x1cf: {  	v18 =	vsel vm1, $0x5000, v4;
	v9 =	vshrl.u32 v8, $0x14;
	v14 =	vmax.f32 v29, v8;
	[tilespmem:v20+s5+$0x0] =	vst.idx.add.f32.msk $0xffff, v1  }
0x1d0: {  	v12 =	vsub.f32 $1.000000000e+00, v12;
	v9 =	vor.u32 v9, v16;
	v16 =	vsel vm3, v26, v17;
	[tilespmem:v20+s6+$0x0] =	vst.idx.add.f32.msk $0xffff, v6  }
0x1d1: {  	v19 =	vsel vm2, $0x5000, v4;
	v10 =	vmax.f32 v10, $0.0e+00;
	vm1 =	vgt.f32 v22, $5.000000000e-01;
	[tilespmem:v21+s5+$0x0] =	vst.idx.add.f32.msk $0xffff, v1  }
0x1d2: {  	s11 =	sadd.s32 $0x80, s11;
	s10 =	sadd.s32 $0x80, s10;
	v12 =	vmax.f32 v12, $0.0e+00;
	v17 =	vsel vm3, $0x5000, v4;
	v20 =	vshrl.u32 v10, $0x14;
	[tilespmem:v21+s6+$0x0] =	vst.idx.add.f32.msk $0xffff, v13  }
0x1d3: {  	v21 =	vxor.u32 $0x80000000, v15  }
0x1d4: {  	v15 =	vsel vm1, v15, v21  }
0x1d5: {  	v18 =	vor.u32 v20, v18;
	v20 =	vshrl.u32 v12, $0x14;
	v15 =	vsub.f32 $1.000000000e+00, v15  }
0x1d6: {  	v19 =	vor.u32 v20, v19  }
0x1d7: {  	v16 =	vsub.f32 $1.000000000e+00, v16;
	v15 =	vmax.f32 v15, $0.0e+00  }
0x1d8: {  	[tilespmem:v9+s5+$0x0] =	vst.idx.add.f32.msk $0xffff, v1;
	v20 =	vsel vm1, $0x5000, v4;
	v21 =	vshrl.u32 v15, $0x14  }
0x1d9: {  	[tilespmem:v9+s6+$0x0] =	vst.idx.add.f32.msk $0xffff, v8;
	v16 =	vmax.f32 v16, $0.0e+00;
	v20 =	vor.u32 v21, v20  }
0x1da: {  	[tilespmem:v18+s5+$0x0] =	vst.idx.add.f32.msk $0xffff, v1;
	v21 =	vshrl.u32 v16, $0x14  }
0x1db: {  	[tilespmem:v19+s5+$0x0] =	vst.idx.add.f32.msk $0xffff, v1;
	v17 =	vor.u32 v21, v17  }
0x1dc: {  	[tilespmem:v18+s6+$0x0] =	vst.idx.add.f32.msk $0xffff, v10;
	v21 =	vsel vm0, $0x5000, v4  }
0x1dd: {  	[tilespmem:v19+s6+$0x0] =	vst.idx.add.f32.msk $0xffff, v12;
	v11 =	vor.u32 v11, v21  }
0x1de: {  	[tilespmem:v20+s5+$0x0] =	vst.idx.add.f32.msk $0xffff, v1  }
0x1df: {  	[tilespmem:v20+s6+$0x0] =	vst.idx.add.f32.msk $0xffff, v15  }
0x1e0: {  	[tilespmem:v17+s5+$0x0] =	vst.idx.add.f32.msk $0xffff, v1  }
0x1e1: {  	[tilespmem:v17+s6+$0x0] =	vst.idx.add.f32.msk $0xffff, v16  }
0x1e2: {  	[tilespmem:v11+s5+$0x0] =	vst.idx.add.f32.msk $0xffff, v1  }
0x1e3: {  	[tilespmem:v11+s6+$0x0] =	vst.idx.add.f32.msk $0xffff, v7  }
0x1e4: {  	_ =	swait.ge [sflag:s1], $0x2000  }
0x1e5: {  	[sflag:s1] =	ssyncset.done $0x0  }
0x1e6: {  	[sflag:s1] =	ssyncadd.s32 $0xFFFFE000  }
0x1e7: {  	_ =	swait.ge [sflag:s2], $0x2000  }
0x1e8: {  	[sflag:s2] =	ssyncset.done $0x0  }
0x1e9: {  	[sflag:s2] =	ssyncadd.s32 $0xFFFFE000  }
0x1ea: {  	[tilespmem:s25], [sflag:$0x1] =	stream.linear.gather [hbm4b:s13+s25], $0x2000, $0x38;
	[tilespmem:$0x18080] =	vst v63  }
0x1eb: {  	s9 =	simm.s32 $0x6040  }
0x1ec: {  	[tilespmem:s0], [sflag:$0x2] =	stream.linear.gather [hbm4b:s14+s25], $0x2000, $0x38;
	[tilespmem:$0x18080] =	vst v63  }
0x1ed: {  	s10 =	simm.s32 $0x4040;
	v11 =	vmax.f32 v14, v13;
	v8 =	vld [tilespmem:s9+$0x30]  }
0x1ee: {  	v7 =	vmax.f32 v11, v7;
	v9 =	vld [tilespmem:s10+$0x30]  }
0x1ef: {  	v7 =	vmax.f32 v7, v10;
	v10 =	vld [tilespmem:s10+$0xFFFFFFE0]  }
0x1f0: {  	v7 =	vmax.f32 v7, v12;
	v12 =	vld [tilespmem:s9+$0xFFFFFFE0]  }
0x1f1: {  	v14 =	vld [tilespmem:s9+$0xFFFFFFD0]  }
0x1f2: {  	v11 =	vld [tilespmem:s10+$0xFFFFFFD0]  }
0x1f3: {  	v7 =	vmax.f32 v7, v15;
	v13 =	vld [tilespmem:s10+$0xFFFFFFC0];
	vm0 =	vgt.f32 v8, $5.000000000e-01;
	v8 =	vxor.u32 $0x80000000, v9  }
0x1f4: {  	v7 =	vmax.f32 v7, v16;
	v8 =	vsel vm0, v9, v8;
	v9 =	vld [tilespmem:s9+$0xFFFFFFC0]  }
0x1f5: {  	v16 =	vmax.f32 v7, v6;
	v15 =	vld [tilespmem:s9+$0xFFFFFFF0];
	v18 =	vxor.u32 $0x80000000, v10;
	v8 =	vsub.f32 $1.000000000e+00, v8  }
0x1f6: {  	v7 =	vld [tilespmem:s10+$0xFFFFFFF0];
	vm1 =	vgt.f32 v14, $5.000000000e-01;
	v17 =	vsel vm0, $0x5000, v4;
	vm0 =	vgt.f32 v12, $5.000000000e-01  }
0x1f7: {  	v14 =	vxor.u32 $0x80000000, v11;
	v10 =	vsel vm0, v10, v18;
	v6 =	vmax.f32 v8, $0.0e+00  }
0x1f8: {  	v19 =	vld [tilespmem:s9+$0x0];
	v10 =	vsub.f32 $1.000000000e+00, v10;
	v8 =	vxor.u32 $0x80000000, v13;
	v12 =	vshrl.u32 v6, $0x14  }
0x1f9: {  	v18 =	vld [tilespmem:s10+$0x0];
	vm2 =	vgt.f32 v9, $5.000000000e-01;
	v9 =	vsel vm1, v11, v14;
	v12 =	vor.u32 v12, v17  }
0x1fa: {  	v14 =	vld [tilespmem:s9+$0x20];
	v11 =	vsel vm1, $0x5000, v4;
	vm1 =	vgt.f32 v15, $5.000000000e-01;
	v9 =	vsub.f32 $1.000000000e+00, v9  }
0x1fb: {  	v17 =	vld [tilespmem:s10+$0x20];
	v15 =	vxor.u32 $0x80000000, v7;
	v8 =	vsel vm2, v13, v8;
	v20 =	vsel vm2, $0x5000, v4  }
0x1fc: {  	v7 =	vsel vm1, v7, v15;
	v8 =	vsub.f32 $1.000000000e+00, v8;
	v13 =	vmax.f32 v9, $0.0e+00  }
0x1fd: {  	v21 =	vld [tilespmem:s9+$0x10];
	vm2 =	vgt.f32 v19, $5.000000000e-01;
	v19 =	vsub.f32 $1.000000000e+00, v7;
	v9 =	vshrl.u32 v13, $0x14  }
0x1fe: {  	v7 =	vmax.f32 v8, $0.0e+00;
	v8 =	vmax.f32 v10, $0.0e+00;
	v22 =	vor.u32 v9, v11  }
0x1ff: {  	v9 =	vxor.u32 $0x80000000, v18;
	v11 =	vshrl.u32 v8, $0x14  }
0x200: {  	v15 =	vld [tilespmem:s10+$0x10];
	vm3 =	vgt.f32 v14, $5.000000000e-01;
	v23 =	vxor.u32 $0x80000000, v17;
	v14 =	vmax.f32 v16, v7  }
0x201: {  	[tilespmem:v12+s5+$0x0] =	vst.idx.add.f32.msk $0xffff, v1;
	v10 =	vsel vm2, v18, v9;
	v9 =	vshrl.u32 v7, $0x14;
	v18 =	vsel vm1, $0x5000, v4  }
0x202: {  	v16 =	vsel vm3, v17, v23;
	[tilespmem:v12+s6+$0x0] =	vst.idx.add.f32.msk $0xffff, v6;
	vm1 =	vgt.f32 v21, $5.000000000e-01;
	v24 =	vsub.f32 $1.000000000e+00, v10  }
0x203: {  	v17 =	vsel vm3, $0x5000, v4;
	v9 =	vor.u32 v9, v20;
	v10 =	vmax.f32 v19, $0.0e+00;
	[tilespmem:v22+s5+$0x0] =	vst.idx.add.f32.msk $0xffff, v1  }
0x204: {  	s11 =	simm.s32 $0x60C0;
	s9 =	simm.s32 $0x0;
	s10 =	simm.s32 $0x40C0;
	v19 =	vsel vm2, $0x5000, v4;
	v20 =	vshrl.u32 v10, $0x14;
	v12 =	vmax.f32 v24, $0.0e+00;
	[tilespmem:v22+s6+$0x0] =	vst.idx.add.f32.msk $0xffff, v13  }
.LBB2_14:
0x205: {  	v21 =	vld [tilespmem:s11+$0x0];
	s9 =	sadd.s32 $0x8, s9;
	v18 =	vor.u32 v20, v18;
	v20 =	vshrl.u32 v12, $0x14;
	v22 =	vxor.u32 $0x80000000, v15  }
0x206: {  	v13 =	vmax.f32 v14, v13;
	v23 =	vld [tilespmem:s11+$0x30];
	p0 =	slt.u32 s9, $0x1F8;
	v14 =	vor.u32 v20, v19;
	v15 =	vsel vm1, v15, v22  }
0x207: {  	v16 =	vsub.f32 $1.000000000e+00, v16;
	v13 =	vmax.f32 v13, v8;
	v19 =	vld [tilespmem:s11+$0x20];
	v15 =	vsub.f32 $1.000000000e+00, v15  }
0x208: {  	v22 =	vsel vm1, $0x5000, v4;
	v13 =	vmax.f32 v13, v10;
	v20 =	vld [tilespmem:s11+$0xFFFFFFC0]  }
0x209: {  	v16 =	vmax.f32 v16, $0.0e+00;
	v13 =	vmax.f32 v13, v12;
	v24 =	vld [tilespmem:s10+$0x30]  }
0x20a: {  	v26 =	vshrl.u32 v16, $0x14;
	v25 =	vld [tilespmem:s10+$0xFFFFFFC0]  }
0x20b: {  	v17 =	vor.u32 v26, v17;
	[tilespmem:v18+s5+$0x0] =	vst.idx.add.f32.msk $0xffff, v1  }
0x20c: {  	v26 =	vld [tilespmem:s10+$0x20]  }
0x20d: {  	v15 =	vmax.f32 v15, $0.0e+00;
	v27 =	vld [tilespmem:s10+$0xFFFFFFD0]  }
0x20e: {  	v29 =	vshrl.u32 v15, $0x14;
	vm1 =	vgt.f32 v23, $5.000000000e-01;
	v28 =	vld [tilespmem:s11+$0xFFFFFFD0];
	v23 =	vxor.u32 $0x80000000, v24  }
0x20f: {  	v13 =	vmax.f32 v13, v15;
	v22 =	vor.u32 v29, v22;
	v30 =	vld [tilespmem:s10+$0xFFFFFFE0];
	v23 =	vsel vm1, v24, v23  }
0x210: {  	v13 =	vmax.f32 v13, v16;
	v23 =	vsub.f32 $1.000000000e+00, v23;
	[tilespmem:v14+s5+$0x0] =	vst.idx.add.f32.msk $0xffff, v1  }
0x211: {  	v29 =	vmax.f32 v13, v6;
	v24 =	vld [tilespmem:s10+$0x0]  }
0x212: {  	v13 =	vld [tilespmem:s11+$0xFFFFFFE0]  }
0x213: {  	v31 =	vld [tilespmem:s10+$0xFFFFFFF0]  }
0x214: {  	[tilespmem:v22+s5+$0x0] =	vst.idx.add.f32.msk $0xffff, v1  }
0x215: {  	v34 =	vsel vm0, $0x5000, v4;
	v33 =	vsel vm1, $0x5000, v4;
	v32 =	vld [tilespmem:s11+$0xFFFFFFF0]  }
0x216: {  	v11 =	vor.u32 v11, v34;
	v6 =	vmax.f32 v23, $0.0e+00;
	v35 =	vxor.u32 $0x80000000, v30;
	[tilespmem:v22+s6+$0x0] =	vst.idx.add.f32.msk $0xffff, v15  }
0x217: {  	v15 =	vxor.u32 $0x80000000, v25;
	vm0 =	vgt.f32 v13, $5.000000000e-01;
	v13 =	vshrl.u32 v6, $0x14;
	[tilespmem:v9+s5+$0x0] =	vst.idx.add.f32.msk $0xffff, v1  }
0x218: {  	vm1 =	vgt.f32 v28, $5.000000000e-01;
	v22 =	vxor.u32 $0x80000000, v27;
	v23 =	vsel vm0, v30, v35;
	[tilespmem:v14+s6+$0x0] =	vst.idx.add.f32.msk $0xffff, v12  }
0x219: {  	vm2 =	vgt.f32 v20, $5.000000000e-01;
	v12 =	vsel vm1, v27, v22;
	v20 =	vor.u32 v13, v33;
	[tilespmem:v17+s5+$0x0] =	vst.idx.add.f32.msk $0xffff, v1  }
0x21a: {  	v13 =	vsel vm2, v25, v15;
	v14 =	vsel vm1, $0x5000, v4;
	v12 =	vsub.f32 $1.000000000e+00, v12;
	v22 =	vld [tilespmem:s11+$0x10]  }
0x21b: {  	v25 =	vxor.u32 $0x80000000, v31;
	v15 =	vsub.f32 $1.000000000e+00, v13;
	vm1 =	vgt.f32 v32, $5.000000000e-01;
	[tilespmem:v17+s6+$0x0] =	vst.idx.add.f32.msk $0xffff, v16  }
0x21c: {  	v16 =	vsel vm2, $0x5000, v4;
	v13 =	vmax.f32 v12, $0.0e+00;
	v12 =	vsel vm1, v31, v25;
	[tilespmem:v18+s6+$0x0] =	vst.idx.add.f32.msk $0xffff, v10  }
0x21d: {  	v17 =	vsub.f32 $1.000000000e+00, v23;
	vm2 =	vgt.f32 v21, $5.000000000e-01;
	v10 =	vshrl.u32 v13, $0x14;
	[tilespmem:v11+s5+$0x0] =	vst.idx.add.f32.msk $0xffff, v1  }
0x21e: {  	v21 =	vor.u32 v10, v14;
	v10 =	vsub.f32 $1.000000000e+00, v12;
	v12 =	vxor.u32 $0x80000000, v24;
	[tilespmem:v11+s6+$0x0] =	vst.idx.add.f32.msk $0xffff, v8  }
0x21f: {  	v8 =	vmax.f32 v17, $0.0e+00;
	v12 =	vsel vm2, v24, v12;
	[tilespmem:v9+s6+$0x0] =	vst.idx.add.f32.msk $0xffff, v7;
	v7 =	vmax.f32 v15, $0.0e+00  }
.Ltmp6:
0x220: {  	vm3 =	vgt.f32 v19, $5.000000000e-01;
	v17 =	vxor.u32 $0x80000000, v26;
	v11 =	vshrl.u32 v8, $0x14;
	v15 =	vld [tilespmem:s10+$0x10];
	(pc) =	sbr.rel @p0 .LBB2_14-.Ltmp6, $4  }
0x221: {  	v18 =	vsel vm1, $0x5000, v4;
	v9 =	vshrl.u32 v7, $0x14;
	v14 =	vmax.f32 v29, v7;
	[tilespmem:v20+s5+$0x0] =	vst.idx.add.f32.msk $0xffff, v1  }
0x222: {  	v12 =	vsub.f32 $1.000000000e+00, v12;
	v9 =	vor.u32 v9, v16;
	v16 =	vsel vm3, v26, v17;
	[tilespmem:v20+s6+$0x0] =	vst.idx.add.f32.msk $0xffff, v6  }
0x223: {  	v19 =	vsel vm2, $0x5000, v4;
	v10 =	vmax.f32 v10, $0.0e+00;
	vm1 =	vgt.f32 v22, $5.000000000e-01;
	[tilespmem:v21+s5+$0x0] =	vst.idx.add.f32.msk $0xffff, v1  }
0x224: {  	s11 =	sadd.s32 $0x80, s11;
	s10 =	sadd.s32 $0x80, s10;
	v12 =	vmax.f32 v12, $0.0e+00;
	v17 =	vsel vm3, $0x5000, v4;
	v20 =	vshrl.u32 v10, $0x14;
	[tilespmem:v21+s6+$0x0] =	vst.idx.add.f32.msk $0xffff, v13  }
0x225: {  	v21 =	vxor.u32 $0x80000000, v15  }
0x226: {  	v15 =	vsel vm1, v15, v21  }
0x227: {  	v18 =	vor.u32 v20, v18;
	v20 =	vshrl.u32 v12, $0x14;
	v15 =	vsub.f32 $1.000000000e+00, v15  }
0x228: {  	v19 =	vor.u32 v20, v19  }
0x229: {  	v16 =	vsub.f32 $1.000000000e+00, v16;
	v15 =	vmax.f32 v15, $0.0e+00  }
0x22a: {  	[tilespmem:v9+s5+$0x0] =	vst.idx.add.f32.msk $0xffff, v1;
	v20 =	vsel vm1, $0x5000, v4;
	v21 =	vshrl.u32 v15, $0x14  }
0x22b: {  	[tilespmem:v9+s6+$0x0] =	vst.idx.add.f32.msk $0xffff, v7;
	v16 =	vmax.f32 v16, $0.0e+00;
	v20 =	vor.u32 v21, v20  }
0x22c: {  	[tilespmem:v18+s5+$0x0] =	vst.idx.add.f32.msk $0xffff, v1;
	v21 =	vshrl.u32 v16, $0x14  }
0x22d: {  	[tilespmem:v19+s5+$0x0] =	vst.idx.add.f32.msk $0xffff, v1;
	v17 =	vor.u32 v21, v17  }
0x22e: {  	[tilespmem:v18+s6+$0x0] =	vst.idx.add.f32.msk $0xffff, v10;
	v21 =	vsel vm0, $0x5000, v4  }
0x22f: {  	v13 =	vmax.f32 v14, v13;
	[tilespmem:v19+s6+$0x0] =	vst.idx.add.f32.msk $0xffff, v12;
	v11 =	vor.u32 v11, v21  }
0x230: {  	v13 =	vmax.f32 v13, v8;
	[tilespmem:v20+s5+$0x0] =	vst.idx.add.f32.msk $0xffff, v1  }
0x231: {  	v13 =	vmax.f32 v13, v10;
	[tilespmem:v20+s6+$0x0] =	vst.idx.add.f32.msk $0xffff, v15  }
0x232: {  	v12 =	vmax.f32 v13, v12;
	[tilespmem:v17+s5+$0x0] =	vst.idx.add.f32.msk $0xffff, v1  }
0x233: {  	v10 =	vmax.f32 v12, v15;
	[tilespmem:v17+s6+$0x0] =	vst.idx.add.f32.msk $0xffff, v16  }
0x234: {  	v10 =	vmax.f32 v10, v16;
	[tilespmem:v11+s5+$0x0] =	vst.idx.add.f32.msk $0xffff, v1  }
0x235: {  	v6 =	vmax.f32 v10, v6;
	[tilespmem:v11+s6+$0x0] =	vst.idx.add.f32.msk $0xffff, v8  }
0x236: {  	[tilespmem:$0x18020] =	vst v6  }
0x237: {  	_ =	swait.ge [sflag:s1], $0x2000  }
0x238: {  	[sflag:s1] =	ssyncset.done $0x0  }
0x239: {  	[sflag:s1] =	ssyncadd.s32 $0xFFFFE000  }
0x23a: {  	_ =	swait.ge [sflag:s2], $0x2000  }
0x23b: {  	[sflag:s2] =	ssyncset.done $0x0  }
0x23c: {  	[sflag:s2] =	ssyncadd.s32 $0xFFFFE000  }
0x23d: {  	[tilespmem:s3], [sflag:$0x1] =	stream.linear.gather [hbm4b:s15+s25], $0x2000, $0x38;
	[tilespmem:$0x18080] =	vst v63  }
0x23e: {  	s9 =	simm.s32 $0x2040  }
0x23f: {  	[tilespmem:s4], [sflag:$0x2] =	stream.linear.gather [hbm4b:s16+s25], $0x2000, $0x38;
	[tilespmem:$0x18080] =	vst v63  }
0x240: {  	s10 =	simm.s32 $0x40;
	v6 =	vld [tilespmem:s9+$0x30]  }
0x241: {  	v7 =	vld [tilespmem:s10+$0x30]  }
0x242: {  	v8 =	vld [tilespmem:s10+$0xFFFFFFC0]  }
0x243: {  	v10 =	vld [tilespmem:s10+$0xFFFFFFE0]  }
0x244: {  	v11 =	vld [tilespmem:s9+$0xFFFFFFE0]  }
0x245: {  	v12 =	vld [tilespmem:s9+$0xFFFFFFD0]  }
0x246: {  	v9 =	vld [tilespmem:s10+$0xFFFFFFD0];
	vm0 =	vgt.f32 v6, $5.000000000e-01;
	v6 =	vxor.u32 $0x80000000, v7  }
0x247: {  	v6 =	vsel vm0, v7, v6;
	v7 =	vld [tilespmem:s9+$0xFFFFFFC0]  }
0x248: {  	v14 =	vimm.f32 $0.0e+00;
	v15 =	vld [tilespmem:s10+$0xFFFFFFF0];
	v17 =	vxor.u32 $0x80000000, v10  }
0x249: {  	v13 =	vld [tilespmem:s9+$0xFFFFFFF0];
	v16 =	vsel vm0, $0x7000, v5;
	vm0 =	vgt.f32 v11, $5.000000000e-01;
	v6 =	vsub.f32 $1.000000000e+00, v6  }
0x24a: {  	v19 =	vld [tilespmem:s9+$0x0];
	v18 =	vxor.u32 $0x80000000, v8;
	vm1 =	vgt.f32 v12, $5.000000000e-01;
	v10 =	vsel vm0, v10, v17  }
0x24b: {  	v12 =	vxor.u32 $0x80000000, v9;
	v10 =	vsub.f32 $1.000000000e+00, v10;
	v6 =	vmax.f32 v6, $0.0e+00  }
0x24c: {  	v21 =	vld [tilespmem:s9+$0x10];
	v11 =	vshrl.u32 v6, $0x14;
	vm2 =	vgt.f32 v7, $5.000000000e-01;
	v7 =	vsel vm1, v9, v12  }
0x24d: {  	v17 =	vld [tilespmem:s10+$0x0];
	v12 =	vor.u32 v11, v16;
	v11 =	vsel vm1, $0x7000, v5;
	v7 =	vsub.f32 $1.000000000e+00, v7  }
0x24e: {  	v9 =	vld [tilespmem:s9+$0x20];
	vm1 =	vgt.f32 v13, $5.000000000e-01;
	v8 =	vsel vm2, v8, v18;
	v18 =	vxor.u32 $0x80000000, v15  }
0x24f: {  	v20 =	vsel vm2, $0x7000, v5;
	vm2 =	vgt.f32 v19, $5.000000000e-01;
	v13 =	vmax.f32 v7, $0.0e+00  }
0x250: {  	v16 =	vld [tilespmem:s10+$0x20];
	v8 =	vsub.f32 $1.000000000e+00, v8;
	v7 =	vsel vm1, v15, v18;
	v15 =	vshrl.u32 v13, $0x14  }
0x251: {  	v18 =	vsel vm1, $0x7000, v5;
	vm1 =	vgt.f32 v21, $5.000000000e-01;
	v22 =	vor.u32 v15, v11  }
0x252: {  	v19 =	vsub.f32 $1.000000000e+00, v7;
	v8 =	vmax.f32 v8, $0.0e+00;
	v7 =	vmax.f32 v10, $0.0e+00  }
0x253: {  	v11 =	vxor.u32 $0x80000000, v17;
	v15 =	vld [tilespmem:s10+$0x10];
	vm3 =	vgt.f32 v9, $5.000000000e-01;
	v9 =	vshrl.u32 v8, $0x14  }
0x254: {  	v14 =	vmax.f32 v14, v8;
	[tilespmem:v12+s5+$0x0] =	vst.idx.add.f32.msk $0xffff, v1;
	v10 =	vsel vm2, v17, v11;
	v11 =	vshrl.u32 v7, $0x14  }
0x255: {  	v17 =	vxor.u32 $0x80000000, v16;
	v9 =	vor.u32 v9, v20;
	[tilespmem:v12+s6+$0x0] =	vst.idx.add.f32.msk $0xffff, v6;
	v23 =	vsub.f32 $1.000000000e+00, v10  }
0x256: {  	v16 =	vsel vm3, v16, v17;
	v10 =	vmax.f32 v19, $0.0e+00;
	v19 =	vsel vm2, $0x7000, v5;
	[tilespmem:v22+s5+$0x0] =	vst.idx.add.f32.msk $0xffff, v1  }
0x257: {  	s11 =	simm.s32 $0x20C0;
	s9 =	simm.s32 $0x0;
	s10 =	simm.s32 $0xC0;
	v17 =	vsel vm3, $0x7000, v5;
	v20 =	vshrl.u32 v10, $0x14;
	v12 =	vmax.f32 v23, $0.0e+00;
	[tilespmem:v22+s6+$0x0] =	vst.idx.add.f32.msk $0xffff, v13  }
.LBB2_16:
0x258: {  	v21 =	vld [tilespmem:s11+$0x0];
	s9 =	sadd.s32 $0x8, s9;
	v18 =	vor.u32 v20, v18;
	v20 =	vshrl.u32 v12, $0x14;
	v22 =	vxor.u32 $0x80000000, v15  }
0x259: {  	v13 =	vmax.f32 v14, v13;
	v23 =	vld [tilespmem:s11+$0x30];
	p0 =	slt.u32 s9, $0x1F8;
	v14 =	vor.u32 v20, v19;
	v15 =	vsel vm1, v15, v22  }
0x25a: {  	v16 =	vsub.f32 $1.000000000e+00, v16;
	v13 =	vmax.f32 v13, v7;
	v19 =	vld [tilespmem:s11+$0x20];
	v15 =	vsub.f32 $1.000000000e+00, v15  }
0x25b: {  	v22 =	vsel vm1, $0x7000, v5;
	v13 =	vmax.f32 v13, v10;
	v20 =	vld [tilespmem:s11+$0xFFFFFFC0]  }
0x25c: {  	v16 =	vmax.f32 v16, $0.0e+00;
	v13 =	vmax.f32 v13, v12;
	v24 =	vld [tilespmem:s10+$0x30]  }
0x25d: {  	v26 =	vshrl.u32 v16, $0x14;
	v25 =	vld [tilespmem:s10+$0xFFFFFFC0]  }
0x25e: {  	v17 =	vor.u32 v26, v17;
	[tilespmem:v18+s5+$0x0] =	vst.idx.add.f32.msk $0xffff, v1  }
0x25f: {  	v26 =	vld [tilespmem:s10+$0x20]  }
0x260: {  	v15 =	vmax.f32 v15, $0.0e+00;
	v27 =	vld [tilespmem:s10+$0xFFFFFFD0]  }
0x261: {  	v29 =	vshrl.u32 v15, $0x14;
	vm1 =	vgt.f32 v23, $5.000000000e-01;
	v28 =	vld [tilespmem:s11+$0xFFFFFFD0];
	v23 =	vxor.u32 $0x80000000, v24  }
0x262: {  	v13 =	vmax.f32 v13, v15;
	v22 =	vor.u32 v29, v22;
	v30 =	vld [tilespmem:s10+$0xFFFFFFE0];
	v23 =	vsel vm1, v24, v23  }
0x263: {  	v13 =	vmax.f32 v13, v16;
	v23 =	vsub.f32 $1.000000000e+00, v23;
	[tilespmem:v14+s5+$0x0] =	vst.idx.add.f32.msk $0xffff, v1  }
0x264: {  	v29 =	vmax.f32 v13, v6;
	v24 =	vld [tilespmem:s10+$0x0]  }
0x265: {  	v13 =	vld [tilespmem:s11+$0xFFFFFFE0]  }
0x266: {  	v31 =	vld [tilespmem:s10+$0xFFFFFFF0]  }
0x267: {  	[tilespmem:v22+s5+$0x0] =	vst.idx.add.f32.msk $0xffff, v1  }
0x268: {  	v34 =	vsel vm0, $0x7000, v5;
	v33 =	vsel vm1, $0x7000, v5;
	v32 =	vld [tilespmem:s11+$0xFFFFFFF0]  }
0x269: {  	v11 =	vor.u32 v11, v34;
	v6 =	vmax.f32 v23, $0.0e+00;
	v35 =	vxor.u32 $0x80000000, v30;
	[tilespmem:v22+s6+$0x0] =	vst.idx.add.f32.msk $0xffff, v15  }
0x26a: {  	v15 =	vxor.u32 $0x80000000, v25;
	vm0 =	vgt.f32 v13, $5.000000000e-01;
	v13 =	vshrl.u32 v6, $0x14;
	[tilespmem:v9+s5+$0x0] =	vst.idx.add.f32.msk $0xffff, v1  }
0x26b: {  	vm1 =	vgt.f32 v28, $5.000000000e-01;
	v22 =	vxor.u32 $0x80000000, v27;
	v23 =	vsel vm0, v30, v35;
	[tilespmem:v14+s6+$0x0] =	vst.idx.add.f32.msk $0xffff, v12  }
0x26c: {  	vm2 =	vgt.f32 v20, $5.000000000e-01;
	v12 =	vsel vm1, v27, v22;
	v20 =	vor.u32 v13, v33;
	[tilespmem:v17+s5+$0x0] =	vst.idx.add.f32.msk $0xffff, v1  }
0x26d: {  	v13 =	vsel vm2, v25, v15;
	v14 =	vsel vm1, $0x7000, v5;
	v12 =	vsub.f32 $1.000000000e+00, v12;
	v22 =	vld [tilespmem:s11+$0x10]  }
0x26e: {  	v25 =	vxor.u32 $0x80000000, v31;
	v15 =	vsub.f32 $1.000000000e+00, v13;
	vm1 =	vgt.f32 v32, $5.000000000e-01;
	[tilespmem:v17+s6+$0x0] =	vst.idx.add.f32.msk $0xffff, v16  }
0x26f: {  	v16 =	vsel vm2, $0x7000, v5;
	v13 =	vmax.f32 v12, $0.0e+00;
	v12 =	vsel vm1, v31, v25;
	[tilespmem:v18+s6+$0x0] =	vst.idx.add.f32.msk $0xffff, v10  }
0x270: {  	v17 =	vsub.f32 $1.000000000e+00, v23;
	vm2 =	vgt.f32 v21, $5.000000000e-01;
	v10 =	vshrl.u32 v13, $0x14;
	[tilespmem:v11+s5+$0x0] =	vst.idx.add.f32.msk $0xffff, v1  }
0x271: {  	v21 =	vor.u32 v10, v14;
	v10 =	vsub.f32 $1.000000000e+00, v12;
	v12 =	vxor.u32 $0x80000000, v24;
	[tilespmem:v11+s6+$0x0] =	vst.idx.add.f32.msk $0xffff, v7  }
0x272: {  	v7 =	vmax.f32 v17, $0.0e+00;
	v12 =	vsel vm2, v24, v12;
	[tilespmem:v9+s6+$0x0] =	vst.idx.add.f32.msk $0xffff, v8;
	v8 =	vmax.f32 v15, $0.0e+00  }
.Ltmp7:
0x273: {  	vm3 =	vgt.f32 v19, $5.000000000e-01;
	v17 =	vxor.u32 $0x80000000, v26;
	v11 =	vshrl.u32 v7, $0x14;
	v15 =	vld [tilespmem:s10+$0x10];
	(pc) =	sbr.rel @p0 .LBB2_16-.Ltmp7, $4  }
0x274: {  	v18 =	vsel vm1, $0x7000, v5;
	v9 =	vshrl.u32 v8, $0x14;
	v14 =	vmax.f32 v29, v8;
	[tilespmem:v20+s5+$0x0] =	vst.idx.add.f32.msk $0xffff, v1  }
0x275: {  	v12 =	vsub.f32 $1.000000000e+00, v12;
	v9 =	vor.u32 v9, v16;
	v16 =	vsel vm3, v26, v17;
	[tilespmem:v20+s6+$0x0] =	vst.idx.add.f32.msk $0xffff, v6  }
0x276: {  	v19 =	vsel vm2, $0x7000, v5;
	v10 =	vmax.f32 v10, $0.0e+00;
	vm1 =	vgt.f32 v22, $5.000000000e-01;
	[tilespmem:v21+s5+$0x0] =	vst.idx.add.f32.msk $0xffff, v1  }
0x277: {  	s11 =	sadd.s32 $0x80, s11;
	s10 =	sadd.s32 $0x80, s10;
	v12 =	vmax.f32 v12, $0.0e+00;
	v17 =	vsel vm3, $0x7000, v5;
	v20 =	vshrl.u32 v10, $0x14;
	[tilespmem:v21+s6+$0x0] =	vst.idx.add.f32.msk $0xffff, v13  }
0x278: {  	v21 =	vxor.u32 $0x80000000, v15  }
0x279: {  	v15 =	vsel vm1, v15, v21  }
0x27a: {  	v18 =	vor.u32 v20, v18;
	v20 =	vshrl.u32 v12, $0x14;
	v15 =	vsub.f32 $1.000000000e+00, v15  }
0x27b: {  	v19 =	vor.u32 v20, v19  }
0x27c: {  	v16 =	vsub.f32 $1.000000000e+00, v16;
	v15 =	vmax.f32 v15, $0.0e+00  }
0x27d: {  	[tilespmem:v9+s5+$0x0] =	vst.idx.add.f32.msk $0xffff, v1;
	v20 =	vsel vm1, $0x7000, v5;
	v21 =	vshrl.u32 v15, $0x14  }
0x27e: {  	[tilespmem:v9+s6+$0x0] =	vst.idx.add.f32.msk $0xffff, v8;
	v16 =	vmax.f32 v16, $0.0e+00;
	v20 =	vor.u32 v21, v20  }
0x27f: {  	[tilespmem:v18+s5+$0x0] =	vst.idx.add.f32.msk $0xffff, v1;
	v21 =	vshrl.u32 v16, $0x14  }
0x280: {  	[tilespmem:v19+s5+$0x0] =	vst.idx.add.f32.msk $0xffff, v1;
	v17 =	vor.u32 v21, v17  }
0x281: {  	[tilespmem:v18+s6+$0x0] =	vst.idx.add.f32.msk $0xffff, v10;
	v21 =	vsel vm0, $0x7000, v5  }
0x282: {  	[tilespmem:v19+s6+$0x0] =	vst.idx.add.f32.msk $0xffff, v12;
	v11 =	vor.u32 v11, v21  }
0x283: {  	[tilespmem:v20+s5+$0x0] =	vst.idx.add.f32.msk $0xffff, v1  }
0x284: {  	[tilespmem:v20+s6+$0x0] =	vst.idx.add.f32.msk $0xffff, v15  }
0x285: {  	[tilespmem:v17+s5+$0x0] =	vst.idx.add.f32.msk $0xffff, v1  }
0x286: {  	[tilespmem:v17+s6+$0x0] =	vst.idx.add.f32.msk $0xffff, v16  }
0x287: {  	[tilespmem:v11+s5+$0x0] =	vst.idx.add.f32.msk $0xffff, v1  }
0x288: {  	[tilespmem:v11+s6+$0x0] =	vst.idx.add.f32.msk $0xffff, v7  }
0x289: {  	_ =	swait.ge [sflag:s1], $0x2000  }
0x28a: {  	[sflag:s1] =	ssyncset.done $0x0  }
0x28b: {  	[sflag:s1] =	ssyncadd.s32 $0xFFFFE000  }
0x28c: {  	_ =	swait.ge [sflag:s2], $0x2000  }
0x28d: {  	[sflag:s2] =	ssyncset.done $0x0  }
0x28e: {  	s9 =	simm.s32 $0x6040;
	[sflag:s2] =	ssyncadd.s32 $0xFFFFE000  }
0x28f: {  	s10 =	simm.s32 $0x4040;
	v11 =	vmax.f32 v14, v13;
	v8 =	vld [tilespmem:s9+$0x30]  }
0x290: {  	v7 =	vmax.f32 v11, v7;
	v9 =	vld [tilespmem:s10+$0x30]  }
0x291: {  	v7 =	vmax.f32 v7, v10;
	v10 =	vld [tilespmem:s10+$0xFFFFFFE0]  }
0x292: {  	v7 =	vmax.f32 v7, v12;
	v12 =	vld [tilespmem:s9+$0xFFFFFFE0]  }
0x293: {  	v14 =	vld [tilespmem:s9+$0xFFFFFFD0]  }
0x294: {  	v11 =	vld [tilespmem:s10+$0xFFFFFFD0]  }
0x295: {  	v7 =	vmax.f32 v7, v15;
	v13 =	vld [tilespmem:s10+$0xFFFFFFC0];
	vm0 =	vgt.f32 v8, $5.000000000e-01;
	v8 =	vxor.u32 $0x80000000, v9  }
0x296: {  	v7 =	vmax.f32 v7, v16;
	v8 =	vsel vm0, v9, v8;
	v9 =	vld [tilespmem:s9+$0xFFFFFFC0]  }
0x297: {  	v16 =	vmax.f32 v7, v6;
	v15 =	vld [tilespmem:s9+$0xFFFFFFF0];
	v18 =	vxor.u32 $0x80000000, v10;
	v8 =	vsub.f32 $1.000000000e+00, v8  }
0x298: {  	v7 =	vld [tilespmem:s10+$0xFFFFFFF0];
	vm1 =	vgt.f32 v14, $5.000000000e-01;
	v17 =	vsel vm0, $0x7000, v5;
	vm0 =	vgt.f32 v12, $5.000000000e-01  }
0x299: {  	v14 =	vxor.u32 $0x80000000, v11;
	v10 =	vsel vm0, v10, v18;
	v6 =	vmax.f32 v8, $0.0e+00  }
0x29a: {  	v19 =	vld [tilespmem:s9+$0x0];
	v10 =	vsub.f32 $1.000000000e+00, v10;
	v8 =	vxor.u32 $0x80000000, v13;
	v12 =	vshrl.u32 v6, $0x14  }
0x29b: {  	v18 =	vld [tilespmem:s10+$0x0];
	vm2 =	vgt.f32 v9, $5.000000000e-01;
	v9 =	vsel vm1, v11, v14;
	v12 =	vor.u32 v12, v17  }
0x29c: {  	v14 =	vld [tilespmem:s9+$0x20];
	v11 =	vsel vm1, $0x7000, v5;
	vm1 =	vgt.f32 v15, $5.000000000e-01;
	v9 =	vsub.f32 $1.000000000e+00, v9  }
0x29d: {  	v17 =	vld [tilespmem:s10+$0x20];
	v15 =	vxor.u32 $0x80000000, v7;
	v8 =	vsel vm2, v13, v8;
	v20 =	vsel vm2, $0x7000, v5  }
0x29e: {  	v7 =	vsel vm1, v7, v15;
	v8 =	vsub.f32 $1.000000000e+00, v8;
	v13 =	vmax.f32 v9, $0.0e+00  }
0x29f: {  	v21 =	vld [tilespmem:s9+$0x10];
	vm2 =	vgt.f32 v19, $5.000000000e-01;
	v19 =	vsub.f32 $1.000000000e+00, v7;
	v9 =	vshrl.u32 v13, $0x14  }
0x2a0: {  	v7 =	vmax.f32 v8, $0.0e+00;
	v8 =	vmax.f32 v10, $0.0e+00;
	v22 =	vor.u32 v9, v11  }
0x2a1: {  	v9 =	vxor.u32 $0x80000000, v18;
	v11 =	vshrl.u32 v8, $0x14  }
0x2a2: {  	v15 =	vld [tilespmem:s10+$0x10];
	vm3 =	vgt.f32 v14, $5.000000000e-01;
	v23 =	vxor.u32 $0x80000000, v17;
	v14 =	vmax.f32 v16, v7  }
0x2a3: {  	[tilespmem:v12+s5+$0x0] =	vst.idx.add.f32.msk $0xffff, v1;
	v10 =	vsel vm2, v18, v9;
	v9 =	vshrl.u32 v7, $0x14;
	v18 =	vsel vm1, $0x7000, v5  }
0x2a4: {  	v16 =	vsel vm3, v17, v23;
	[tilespmem:v12+s6+$0x0] =	vst.idx.add.f32.msk $0xffff, v6;
	vm1 =	vgt.f32 v21, $5.000000000e-01;
	v24 =	vsub.f32 $1.000000000e+00, v10  }
0x2a5: {  	v17 =	vsel vm3, $0x7000, v5;
	v9 =	vor.u32 v9, v20;
	v10 =	vmax.f32 v19, $0.0e+00;
	[tilespmem:v22+s5+$0x0] =	vst.idx.add.f32.msk $0xffff, v1  }
0x2a6: {  	s11 =	simm.s32 $0x60C0;
	s9 =	simm.s32 $0x0;
	s10 =	simm.s32 $0x40C0;
	v19 =	vsel vm2, $0x7000, v5;
	v20 =	vshrl.u32 v10, $0x14;
	v12 =	vmax.f32 v24, $0.0e+00;
	[tilespmem:v22+s6+$0x0] =	vst.idx.add.f32.msk $0xffff, v13  }
.LBB2_18:
0x2a7: {  	v21 =	vld [tilespmem:s11+$0x0];
	s9 =	sadd.s32 $0x8, s9;
	v18 =	vor.u32 v20, v18;
	v20 =	vshrl.u32 v12, $0x14;
	v22 =	vxor.u32 $0x80000000, v15  }
0x2a8: {  	v13 =	vmax.f32 v14, v13;
	v23 =	vld [tilespmem:s11+$0x30];
	p0 =	slt.u32 s9, $0x1F8;
	v14 =	vor.u32 v20, v19;
	v15 =	vsel vm1, v15, v22  }
0x2a9: {  	v16 =	vsub.f32 $1.000000000e+00, v16;
	v13 =	vmax.f32 v13, v8;
	v19 =	vld [tilespmem:s11+$0x20];
	v15 =	vsub.f32 $1.000000000e+00, v15  }
0x2aa: {  	v22 =	vsel vm1, $0x7000, v5;
	v13 =	vmax.f32 v13, v10;
	v20 =	vld [tilespmem:s11+$0xFFFFFFC0]  }
0x2ab: {  	v16 =	vmax.f32 v16, $0.0e+00;
	v13 =	vmax.f32 v13, v12;
	v24 =	vld [tilespmem:s10+$0x30]  }
0x2ac: {  	v26 =	vshrl.u32 v16, $0x14;
	v25 =	vld [tilespmem:s10+$0xFFFFFFC0]  }
0x2ad: {  	v17 =	vor.u32 v26, v17;
	[tilespmem:v18+s5+$0x0] =	vst.idx.add.f32.msk $0xffff, v1  }
0x2ae: {  	v26 =	vld [tilespmem:s10+$0x20]  }
0x2af: {  	v15 =	vmax.f32 v15, $0.0e+00;
	v27 =	vld [tilespmem:s10+$0xFFFFFFD0]  }
0x2b0: {  	v29 =	vshrl.u32 v15, $0x14;
	vm1 =	vgt.f32 v23, $5.000000000e-01;
	v28 =	vld [tilespmem:s11+$0xFFFFFFD0];
	v23 =	vxor.u32 $0x80000000, v24  }
0x2b1: {  	v13 =	vmax.f32 v13, v15;
	v22 =	vor.u32 v29, v22;
	v30 =	vld [tilespmem:s10+$0xFFFFFFE0];
	v23 =	vsel vm1, v24, v23  }
0x2b2: {  	v13 =	vmax.f32 v13, v16;
	v23 =	vsub.f32 $1.000000000e+00, v23;
	[tilespmem:v14+s5+$0x0] =	vst.idx.add.f32.msk $0xffff, v1  }
0x2b3: {  	v29 =	vmax.f32 v13, v6;
	v24 =	vld [tilespmem:s10+$0x0]  }
0x2b4: {  	v13 =	vld [tilespmem:s11+$0xFFFFFFE0]  }
0x2b5: {  	v31 =	vld [tilespmem:s10+$0xFFFFFFF0]  }
0x2b6: {  	[tilespmem:v22+s5+$0x0] =	vst.idx.add.f32.msk $0xffff, v1  }
0x2b7: {  	v34 =	vsel vm0, $0x7000, v5;
	v33 =	vsel vm1, $0x7000, v5;
	v32 =	vld [tilespmem:s11+$0xFFFFFFF0]  }
0x2b8: {  	v11 =	vor.u32 v11, v34;
	v6 =	vmax.f32 v23, $0.0e+00;
	v35 =	vxor.u32 $0x80000000, v30;
	[tilespmem:v22+s6+$0x0] =	vst.idx.add.f32.msk $0xffff, v15  }
0x2b9: {  	v15 =	vxor.u32 $0x80000000, v25;
	vm0 =	vgt.f32 v13, $5.000000000e-01;
	v13 =	vshrl.u32 v6, $0x14;
	[tilespmem:v9+s5+$0x0] =	vst.idx.add.f32.msk $0xffff, v1  }
0x2ba: {  	vm1 =	vgt.f32 v28, $5.000000000e-01;
	v22 =	vxor.u32 $0x80000000, v27;
	v23 =	vsel vm0, v30, v35;
	[tilespmem:v14+s6+$0x0] =	vst.idx.add.f32.msk $0xffff, v12  }
0x2bb: {  	vm2 =	vgt.f32 v20, $5.000000000e-01;
	v12 =	vsel vm1, v27, v22;
	v20 =	vor.u32 v13, v33;
	[tilespmem:v17+s5+$0x0] =	vst.idx.add.f32.msk $0xffff, v1  }
0x2bc: {  	v13 =	vsel vm2, v25, v15;
	v14 =	vsel vm1, $0x7000, v5;
	v12 =	vsub.f32 $1.000000000e+00, v12;
	v22 =	vld [tilespmem:s11+$0x10]  }
0x2bd: {  	v25 =	vxor.u32 $0x80000000, v31;
	v15 =	vsub.f32 $1.000000000e+00, v13;
	vm1 =	vgt.f32 v32, $5.000000000e-01;
	[tilespmem:v17+s6+$0x0] =	vst.idx.add.f32.msk $0xffff, v16  }
0x2be: {  	v16 =	vsel vm2, $0x7000, v5;
	v13 =	vmax.f32 v12, $0.0e+00;
	v12 =	vsel vm1, v31, v25;
	[tilespmem:v18+s6+$0x0] =	vst.idx.add.f32.msk $0xffff, v10  }
0x2bf: {  	v17 =	vsub.f32 $1.000000000e+00, v23;
	vm2 =	vgt.f32 v21, $5.000000000e-01;
	v10 =	vshrl.u32 v13, $0x14;
	[tilespmem:v11+s5+$0x0] =	vst.idx.add.f32.msk $0xffff, v1  }
0x2c0: {  	v21 =	vor.u32 v10, v14;
	v10 =	vsub.f32 $1.000000000e+00, v12;
	v12 =	vxor.u32 $0x80000000, v24;
	[tilespmem:v11+s6+$0x0] =	vst.idx.add.f32.msk $0xffff, v8  }
0x2c1: {  	v8 =	vmax.f32 v17, $0.0e+00;
	v12 =	vsel vm2, v24, v12;
	[tilespmem:v9+s6+$0x0] =	vst.idx.add.f32.msk $0xffff, v7;
	v7 =	vmax.f32 v15, $0.0e+00  }
.Ltmp8:
0x2c2: {  	vm3 =	vgt.f32 v19, $5.000000000e-01;
	v17 =	vxor.u32 $0x80000000, v26;
	v11 =	vshrl.u32 v8, $0x14;
	v15 =	vld [tilespmem:s10+$0x10];
	(pc) =	sbr.rel @p0 .LBB2_18-.Ltmp8, $4  }
0x2c3: {  	v18 =	vsel vm1, $0x7000, v5;
	v9 =	vshrl.u32 v7, $0x14;
	v14 =	vmax.f32 v29, v7;
	[tilespmem:v20+s5+$0x0] =	vst.idx.add.f32.msk $0xffff, v1  }
0x2c4: {  	v12 =	vsub.f32 $1.000000000e+00, v12;
	v9 =	vor.u32 v9, v16;
	v16 =	vsel vm3, v26, v17;
	[tilespmem:v20+s6+$0x0] =	vst.idx.add.f32.msk $0xffff, v6  }
0x2c5: {  	v19 =	vsel vm2, $0x7000, v5;
	v10 =	vmax.f32 v10, $0.0e+00;
	vm1 =	vgt.f32 v22, $5.000000000e-01;
	[tilespmem:v21+s5+$0x0] =	vst.idx.add.f32.msk $0xffff, v1  }
0x2c6: {  	s11 =	sadd.s32 $0x80, s11;
	s10 =	sadd.s32 $0x80, s10;
	v12 =	vmax.f32 v12, $0.0e+00;
	v17 =	vsel vm3, $0x7000, v5;
	v20 =	vshrl.u32 v10, $0x14;
	[tilespmem:v21+s6+$0x0] =	vst.idx.add.f32.msk $0xffff, v13  }
0x2c7: {  	_ = 	snop  }
0x2c8: {  	v18 =	vor.u32 v20, v18;
	v57 =	vshrl.u32 v12, $0x14  }
0x2c9: {  	v19 =	vor.u32 v57, v19  }
0x2ca: {  	v21 =	vxor.u32 $0x80000000, v15;
	v16 =	vsub.f32 $1.000000000e+00, v16;
	v61 =	vsel vm0, $0x7000, v5  }
0x2cb: {  	[tilespmem:v9+s5+$0x0] =	vst.idx.add.f32.msk $0xffff, v1;
	v15 =	vsel vm1, v15, v21;
	v11 =	vor.u32 v11, v61  }
0x2cc: {  	[tilespmem:v9+s6+$0x0] =	vst.idx.add.f32.msk $0xffff, v7;
	v15 =	vsub.f32 $1.000000000e+00, v15;
	v16 =	vmax.f32 v16, $0.0e+00  }
0x2cd: {  	v60 =	vshrl.u32 v16, $0x14;
	[tilespmem:v18+s5+$0x0] =	vst.idx.add.f32.msk $0xffff, v1  }
0x2ce: {  	v15 =	vmax.f32 v15, $0.0e+00;
	v17 =	vor.u32 v60, v17;
	[tilespmem:v19+s5+$0x0] =	vst.idx.add.f32.msk $0xffff, v1  }
0x2cf: {  	v58 =	vsel vm1, $0x7000, v5;
	v59 =	vshrl.u32 v15, $0x14;
	[tilespmem:v18+s6+$0x0] =	vst.idx.add.f32.msk $0xffff, v10  }
0x2d0: {  	v13 =	vmax.f32 v14, v13;
	v20 =	vor.u32 v59, v58;
	[tilespmem:v11+s5+$0x0] =	vst.idx.add.f32.msk $0xffff, v1  }
0x2d1: {  	v13 =	vmax.f32 v13, v8;
	[tilespmem:v19+s6+$0x0] =	vst.idx.add.f32.msk $0xffff, v12  }
0x2d2: {  	v13 =	vmax.f32 v13, v10;
	[tilespmem:v11+s6+$0x0] =	vst.idx.add.f32.msk $0xffff, v8  }
0x2d3: {  	v62 =	vmax.f32 v13, v12;
	[tilespmem:v17+s5+$0x0] =	vst.idx.add.f32.msk $0xffff, v1  }
0x2d4: {  	v63 =	vmax.f32 v62, v15;
	[tilespmem:v17+s6+$0x0] =	vst.idx.add.f32.msk $0xffff, v16  }
0x2d5: {  	v10 =	vmax.f32 v63, v16;
	[tilespmem:v20+s5+$0x0] =	vst.idx.add.f32.msk $0xffff, v1  }
0x2d6: {  	v6 =	vmax.f32 v10, v6;
	[tilespmem:v20+s6+$0x0] =	vst.idx.add.f32.msk $0xffff, v15  }
0x2d7: {  	[tilespmem:$0x18030] =	vst v6  }
0x2d8: {  	[hbm4b:s17+s25] =	stream.linear.scatter [tilespmem:s5], [sflag:$0x3], $0x2000, $0x38;
	[tilespmem:$0x18080] =	vst v63  }
0x2d9: {  	_ =	swait.ge [sflag:s7], $0x2000  }
0x2da: {  	[sflag:s7] =	ssyncset.done $0x0  }
0x2db: {  	[sflag:s7] =	ssyncadd.s32 $0xFFFFE000  }
0x2dc: {  	[hbm4b:s18+s25] =	stream.linear.scatter [tilespmem:s6], [sflag:$0x3], $0x2000, $0x38;
	[tilespmem:$0x18080] =	vst v63  }
0x2dd: {  	_ =	swait.ge [sflag:s7], $0x2000  }
0x2de: {  	[sflag:s7] =	ssyncset.done $0x0  }
0x2df: {  	s9 =	simm.s32 $0x18000;
	[sflag:s7] =	ssyncadd.s32 $0xFFFFE000  }
0x2e0: {  	[hbm4b:s26+s25] =	stream.linear.scatter [tilespmem:s9], [sflag:$0x3], $0x10, $0x38;
	[tilespmem:$0x18080] =	vst v63  }
0x2e1: {  	_ =	swait.ge [sflag:s7], $0x10  }
0x2e2: {  	[sflag:s7] =	ssyncset.done $0x0  }
0x2e3: {  	s11 =	simm.s32 $0xA000;
	[sflag:s7] =	ssyncadd.s32 $0xFFFFFFF0  }
0x2e4: {  	[hbm4b:s19+s25] =	stream.linear.scatter [tilespmem:s11], [sflag:$0x3], $0x2000, $0x38;
	[tilespmem:$0x18080] =	vst v63  }
0x2e5: {  	_ =	swait.ge [sflag:s7], $0x2000  }
0x2e6: {  	[sflag:s7] =	ssyncset.done $0x0  }
0x2e7: {  	s10 =	simm.s32 $0x12000;
	[sflag:s7] =	ssyncadd.s32 $0xFFFFE000  }
0x2e8: {  	[hbm4b:s20+s25] =	stream.linear.scatter [tilespmem:s10], [sflag:$0x3], $0x2000, $0x38;
	[tilespmem:$0x18080] =	vst v63  }
0x2e9: {  	_ =	swait.ge [sflag:s7], $0x2000  }
0x2ea: {  	[sflag:s7] =	ssyncset.done $0x0  }
0x2eb: {  	s11 =	simm.s32 $0x18010;
	[sflag:s7] =	ssyncadd.s32 $0xFFFFE000  }
0x2ec: {  	[hbm4b:s29+s25] =	stream.linear.scatter [tilespmem:s11], [sflag:$0x3], $0x10, $0x38;
	[tilespmem:$0x18080] =	vst v63  }
0x2ed: {  	_ =	swait.ge [sflag:s7], $0x10  }
0x2ee: {  	[sflag:s7] =	ssyncset.done $0x0  }
0x2ef: {  	s10 =	simm.s32 $0xC000;
	[sflag:s7] =	ssyncadd.s32 $0xFFFFFFF0  }
0x2f0: {  	[hbm4b:s21+s25] =	stream.linear.scatter [tilespmem:s10], [sflag:$0x3], $0x2000, $0x38;
	[tilespmem:$0x18080] =	vst v63  }
0x2f1: {  	_ =	swait.ge [sflag:s7], $0x2000  }
0x2f2: {  	[sflag:s7] =	ssyncset.done $0x0  }
0x2f3: {  	s11 =	simm.s32 $0x14000;
	[sflag:s7] =	ssyncadd.s32 $0xFFFFE000  }
0x2f4: {  	[hbm4b:s22+s25] =	stream.linear.scatter [tilespmem:s11], [sflag:$0x3], $0x2000, $0x38;
	[tilespmem:$0x18080] =	vst v63  }
0x2f5: {  	_ =	swait.ge [sflag:s7], $0x2000  }
0x2f6: {  	[sflag:s7] =	ssyncset.done $0x0  }
0x2f7: {  	s10 =	simm.s32 $0x18020;
	[sflag:s7] =	ssyncadd.s32 $0xFFFFE000  }
0x2f8: {  	[hbm4b:s30+s25] =	stream.linear.scatter [tilespmem:s10], [sflag:$0x3], $0x10, $0x38;
	[tilespmem:$0x18080] =	vst v63  }
0x2f9: {  	_ =	swait.ge [sflag:s7], $0x10  }
0x2fa: {  	[sflag:s7] =	ssyncset.done $0x0  }
0x2fb: {  	s11 =	simm.s32 $0xE000;
	[sflag:s7] =	ssyncadd.s32 $0xFFFFFFF0  }
0x2fc: {  	[hbm4b:s23+s25] =	stream.linear.scatter [tilespmem:s11], [sflag:$0x3], $0x2000, $0x38;
	[tilespmem:$0x18080] =	vst v63  }
0x2fd: {  	_ =	swait.ge [sflag:s7], $0x2000  }
0x2fe: {  	[sflag:s7] =	ssyncset.done $0x0  }
0x2ff: {  	s10 =	simm.s32 $0x16000;
	[sflag:s7] =	ssyncadd.s32 $0xFFFFE000  }
0x300: {  	[hbm4b:s24+s25] =	stream.linear.scatter [tilespmem:s10], [sflag:$0x3], $0x2000, $0x38;
	[tilespmem:$0x18080] =	vst v63  }
0x301: {  	s8 =	sadd.s32 $0x1, s8;
	_ =	swait.ge [sflag:s7], $0x2000  }
0x302: {  	p0 =	sne.s32 s8, s28;
	[sflag:s7] =	ssyncset.done $0x0  }
.Ltmp9:
0x303: {  	s11 =	simm.s32 $0x18030;
	[sflag:s7] =	ssyncadd.s32 $0xFFFFE000;
	(pc) =	sbr.rel @p0 .LBB2_1-.Ltmp9, $4  }
0x304: {  	[hbm4b:s31+s25] =	stream.linear.scatter [tilespmem:s11], [sflag:$0x3], $0x10, $0x38;
	[tilespmem:$0x18080] =	vst v63  }
0x305: {  	_ =	swait.ge [sflag:s7], $0x10  }
0x306: {  	[sflag:s7] =	ssyncset.done $0x0  }
0x307: {  	[sflag:s7] =	ssyncadd.s32 $0xFFFFFFF0  }
0x308: {  	_ =	sfence.sel $0x180000  }
0x309: {  	[bflag:$0x0] =	sbarrier.arrive $0xFFFF  }
0x30a: {  	_ =	strace $0x90000047  }
0x30b: {  	s0 =	stileid.u32;
	[bflag:$0x2] =	sbarrier.arrive $0xFFFF  }
0x30c: {  	p0 =	sne.s32 s0, $0x0;
	s0 =	rddreg [dreg:$0x1]  }
0x30d: {  	s0 =	sadd.s32 @!p0 $0x100000, s0  }
0x30e: {  	[sflag:s0] =	ssyncadd.tile.s32 @!p0 $0x1;
	_ =	shalt  }
.Lfunc_end2:
_tile_overlayer_lowered:
.L_overlay_start_2:
0x30f: {  	(tag) =	ssettag $0x2  }
0x310: {  	s0 =	rddreg [dreg:$0x0];
	s2 =	stileid.u32  }
0x311: {  	s1 =	rddreg [dreg:$0x1];
	p0 =	sne.s32 s2, $0x0  }
0x312: {  	s3 =	rddreg [dreg:$0x2];
	[bflag:$0x3] =	sbarrier.arrive $0xFFFF;
	s2 =	simm.s32 @!p0 $0x1C03  }
0x313: {  	[timem:s3], [sflag:s2] =	dma.local @!p0 [hbm:s0], s1  }
0x314: {  	s0 =	simm.s32 @!p0 $0x3  }
0x315: {  	_ =	swait.ge @!p0 [sflag:s0], s1  }
0x316: {  	s1 =	ssub.s32 @!p0 $0x0, s1;
	[sflag:s0] =	ssyncset.done @!p0 $0x0  }
0x317: {  	[sflag:s0] =	ssyncadd.s32 @!p0 s1  }
0x318: {  	[bflag:$0x3] =	sbarrier.arrive $0xFFFF  }
0x319: {  	_ =	shalt  }

</sc_bundles>
